<compile_context>
chip_gen: v7x
topology: tpu7x:2x2x1
jax: 0.10.2.dev20260603
libtpu: 0.0.44.dev20260713+nightly
codegen_flags: <defaults>
</compile_context>

<pallas_src>
import functools

import jax
import jax.numpy as jnp
from jax import lax
from jax.experimental import pallas as pl
from jax.experimental.pallas import tpu as pltpu
from jax.experimental.pallas import tpu_sc as plsc

N_TOTAL = 50000
N_EDGES = 800000
EMB = 64
HID = 128
OUT = 64

NC = 2
NS = 16
HALF = N_TOTAL // NC
STRIPE = 1568
HP = NS * STRIPE
N_TRASH = 64
CH = 128
EPT = N_EDGES // NS
NWIN = EPT // CH
TAIL_BASE = NS * (NWIN * CH)
TAIL = (N_EDGES - TAIL_BASE) // NS
EXP_CH = 112
N_EXP = STRIPE // EXP_CH

R_BLK = 1000
N_RB = HALF // R_BLK


NSLOT = 3


def _seg_sum_body(with_count, *refs):
    if with_count:
        (src_hbm, dst_hbm, x_hbm, zrows_hbm, zcnt_hbm,
         out_acc, out_cnt,
         s0, s1, s2, d0, d1, d2, r0, r1, r2, ones_v, src_t, dst_t,
         acc_sh, cnt_sh,
         i0, i1, i2, g0, g1, g2, a0, a1, a2, c0, c1, c2, sem) = refs
        csem = (c0, c1, c2)
    else:
        (src_hbm, dst_hbm, x_hbm, zrows_hbm,
         out_acc,
         s0, s1, s2, d0, d1, d2, r0, r1, r2, src_t, dst_t,
         acc_sh,
         i0, i1, i2, g0, g1, g2, a0, a1, a2, sem) = refs
    srcs = (s0, s1, s2)
    dsts = (d0, d1, d2)
    rows = (r0, r1, r2)
    isem = (i0, i1, i2)
    gsem = (g0, g1, g2)
    ssem = (a0, a1, a2)

    c = lax.axis_index("c")
    s = lax.axis_index("s")
    base_node = c * HALF

    pltpu.sync_copy(zrows_hbm, rows[0].at[pl.ds(0, EXP_CH)])

    @pl.loop(0, N_EXP)
    def _zero(k):
        pltpu.sync_copy(rows[0].at[pl.ds(0, EXP_CH)],
                        acc_sh.at[pl.ds(s * STRIPE + k * EXP_CH, EXP_CH)])

    if with_count:
        pltpu.sync_copy(zcnt_hbm, ones_v.at[pl.ds(0, EXP_CH)])

        @pl.loop(0, N_EXP)
        def _zcnt(k):
            pltpu.sync_copy(ones_v.at[pl.ds(0, EXP_CH)],
                            cnt_sh.at[pl.ds(s * STRIPE + k * EXP_CH, EXP_CH)])

        @pl.loop(0, CH // 16)
        def _fill_ones(i):
            ones_v[pl.ds(i * 16, 16)] = jnp.full((16,), 1.0, jnp.float32)

    plsc.subcore_barrier()

    def localize(dref, n):
        @pl.loop(0, n // 16)
        def _fix(i):
            d = dref[pl.ds(i * 16, 16)]
            local = d - base_node
            inb = (local >= 0) & (local < HALF)
            trash = HP + (d & (N_TRASH - 1))
            dref[pl.ds(i * 16, 16)] = jnp.where(inb, local, trash)

    ebase = s * (NWIN * CH)

    def idx_start(w, b):
        off = pl.multiple_of(ebase + w * CH, 8)
        pltpu.async_copy(src_hbm.at[pl.ds(off, CH)], srcs[b], isem[b])
        pltpu.async_copy(dst_hbm.at[pl.ds(off, CH)], dsts[b], isem[b])

    def idx_wait(w, b):
        off = pl.multiple_of(ebase + w * CH, 8)
        pltpu.make_async_copy(src_hbm.at[pl.ds(off, CH)], srcs[b], isem[b]).wait()
        pltpu.make_async_copy(dst_hbm.at[pl.ds(off, CH)], dsts[b], isem[b]).wait()

    def gather_start(b):
        pltpu.async_copy(x_hbm.at[srcs[b]], rows[b], gsem[b])

    def gather_wait(b):
        pltpu.make_async_copy(x_hbm.at[srcs[b]], rows[b], gsem[b]).wait()

    def scatter_start(b):
        pltpu.async_copy(rows[b], acc_sh.at[dsts[b]], ssem[b], add=True)
        if with_count:
            pltpu.async_copy(ones_v, cnt_sh.at[dsts[b]], csem[b], add=True)

    def scatter_wait(b):
        pltpu.make_async_copy(rows[b], acc_sh.at[dsts[b]], ssem[b]).wait()
        if with_count:
            pltpu.make_async_copy(ones_v, cnt_sh.at[dsts[b]], csem[b]).wait()

    idx_start(0, 0)

    @pl.loop(0, NWIN, step=NSLOT)
    def _window(w0):
        for d in range(NSLOT):
            w = w0 + d
            b = d
            p = (d + NSLOT - 1) % NSLOT
            q = (d + 1) % NSLOT
            idx_wait(w, b)
            localize(dsts[b], CH)
            gather_start(b)

            @pl.when(w >= 1)
            def _prev():
                gather_wait(p)
                scatter_start(p)

            @pl.when(w >= 2)
            def _drain():
                scatter_wait(q)

            idx_start(w + 1, q)

    b_last = (NWIN - 1) % NSLOT
    gather_wait(b_last)
    scatter_start(b_last)
    scatter_wait((NWIN - 2) % NSLOT)
    scatter_wait(b_last)
    idx_wait(NWIN, NWIN % NSLOT)

    toff = TAIL_BASE + s * TAIL
    pltpu.sync_copy(src_hbm.at[pl.ds(toff, TAIL)], src_t)
    pltpu.sync_copy(dst_hbm.at[pl.ds(toff, TAIL)], dst_t)
    pltpu.async_copy(x_hbm.at[src_t], rows[0].at[pl.ds(0, TAIL)], sem).wait()
    localize(dst_t, TAIL)
    pltpu.sync_copy(rows[0].at[pl.ds(0, TAIL)], acc_sh.at[dst_t], add=True)
    if with_count:
        pltpu.sync_copy(ones_v.at[pl.ds(0, TAIL)], cnt_sh.at[dst_t], add=True)

    plsc.subcore_barrier()

    @pl.loop(0, N_EXP)
    def _export(k):
        off = s * STRIPE + k * EXP_CH
        pltpu.sync_copy(acc_sh.at[pl.ds(off, EXP_CH)], rows[0].at[pl.ds(0, EXP_CH)])
        pltpu.sync_copy(rows[0].at[pl.ds(0, EXP_CH)], out_acc.at[c, pl.ds(off, EXP_CH)])

    if with_count:
        @pl.loop(0, N_EXP)
        def _ecnt(k):
            off = s * STRIPE + k * EXP_CH
            pltpu.sync_copy(cnt_sh.at[pl.ds(off, EXP_CH)], ones_v.at[pl.ds(0, EXP_CH)])
            pltpu.sync_copy(ones_v.at[pl.ds(0, EXP_CH)],
                            out_cnt.at[pl.ds(c * HP + off, EXP_CH)])


def _make_seg_sum(with_count):
    mesh = plsc.VectorSubcoreMesh(core_axis_name="c", subcore_axis_name="s",
                                  num_cores=NC, num_subcores=NS)
    out_type = [jax.ShapeDtypeStruct((NC, HP, EMB), jnp.float32)]
    scratch = (
        [pltpu.VMEM((CH,), jnp.int32) for _ in range(NSLOT)] +
        [pltpu.VMEM((CH,), jnp.int32) for _ in range(NSLOT)] +
        [pltpu.VMEM((CH, EMB), jnp.float32) for _ in range(NSLOT)]
    )
    if with_count:
        out_type.append(jax.ShapeDtypeStruct((NC * HP,), jnp.float32))
        scratch.append(pltpu.VMEM((CH,), jnp.float32))
    scratch += [
        pltpu.VMEM((TAIL,), jnp.int32),
        pltpu.VMEM((TAIL,), jnp.int32),
    ]
    scratch.append(pltpu.VMEM_SHARED((HP + N_TRASH, EMB), jnp.float32))
    if with_count:
        scratch.append(pltpu.VMEM_SHARED((HP + N_TRASH,), jnp.float32))
    n_sem = 4 * NSLOT if with_count else 3 * NSLOT
    scratch += [pltpu.SemaphoreType.DMA for _ in range(n_sem)]
    scratch.append(pltpu.SemaphoreType.DMA)

    return pl.kernel(
        functools.partial(_seg_sum_body, with_count),
        out_type=out_type,
        mesh=mesh,
        scratch_types=scratch,
        compiler_params=pltpu.CompilerParams(use_tc_tiling_on_sc=False),
        name="sc_segsum_cnt" if with_count else "sc_segsum",
    )


def _layer1_tc_body(acc_ref, cnt_ref, x_ref, w1l_ref, b1l_ref, w1r_ref,
                    w2l_ref, w2r_ref, b2l_ref, g_ref, hr_ref, invc_ref):
    invc = 1.0 / jnp.maximum(cnt_ref[0], 1.0)
    mean = acc_ref[0] * invc
    h = jnp.dot(mean, w1l_ref[...], preferred_element_type=jnp.float32)
    h = h + b1l_ref[...] + jnp.dot(x_ref[...], w1r_ref[...],
                                   preferred_element_type=jnp.float32)
    h = jnp.maximum(h, 0.0)
    g_ref[...] = jnp.dot(h, w2l_ref[...], preferred_element_type=jnp.float32)
    hr_ref[...] = jnp.dot(h, w2r_ref[...],
                          preferred_element_type=jnp.float32) + b2l_ref[...]
    invc_ref[0] = invc


def _layer2_tc_body(acc_ref, invc_ref, hr_ref, z_ref):
    z_ref[...] = acc_ref[0] * invc_ref[0] + hr_ref[...]


def _layer1_tc(acc1, cnt, x, W1l, b1l, W1r, W2l, W2r, b2l):
    grid = (NC, N_RB)
    return pl.pallas_call(
        _layer1_tc_body,
        grid=grid,
        in_specs=[
            pl.BlockSpec((1, R_BLK, EMB), lambda c, i: (c, i, 0)),
            pl.BlockSpec((1, R_BLK, 1), lambda c, i: (c, i, 0)),
            pl.BlockSpec((R_BLK, EMB), lambda c, i: (c * N_RB + i, 0)),
            pl.BlockSpec((EMB, HID), lambda c, i: (0, 0)),
            pl.BlockSpec((1, HID), lambda c, i: (0, 0)),
            pl.BlockSpec((EMB, HID), lambda c, i: (0, 0)),
            pl.BlockSpec((HID, OUT), lambda c, i: (0, 0)),
            pl.BlockSpec((HID, OUT), lambda c, i: (0, 0)),
            pl.BlockSpec((1, OUT), lambda c, i: (0, 0)),
        ],
        out_specs=[
            pl.BlockSpec((R_BLK, OUT), lambda c, i: (c * N_RB + i, 0)),
            pl.BlockSpec((R_BLK, OUT), lambda c, i: (c * N_RB + i, 0)),
            pl.BlockSpec((1, R_BLK, 1), lambda c, i: (c, i, 0)),
        ],
        out_shape=[
            jax.ShapeDtypeStruct((N_TOTAL, OUT), jnp.float32),
            jax.ShapeDtypeStruct((N_TOTAL, OUT), jnp.float32),
            jax.ShapeDtypeStruct((NC, HP, 1), jnp.float32),
        ],
    )(acc1, cnt, x, W1l, b1l, W1r, W2l, W2r, b2l)


def _layer2_tc(acc2, invc, hr):
    grid = (NC, N_RB)
    return pl.pallas_call(
        _layer2_tc_body,
        grid=grid,
        in_specs=[
            pl.BlockSpec((1, R_BLK, OUT), lambda c, i: (c, i, 0)),
            pl.BlockSpec((1, R_BLK, 1), lambda c, i: (c, i, 0)),
            pl.BlockSpec((R_BLK, OUT), lambda c, i: (c * N_RB + i, 0)),
        ],
        out_specs=pl.BlockSpec((R_BLK, OUT), lambda c, i: (c * N_RB + i, 0)),
        out_shape=jax.ShapeDtypeStruct((N_TOTAL, OUT), jnp.float32),
    )(acc2, invc, hr)


_seg_sum_cnt = _make_seg_sum(True)
_seg_sum = _make_seg_sum(False)


def kernel(edge_index, fund_emb, stock_emb, W1l, b1l, W1r, W2l, b2l, W2r):
    x = jnp.concatenate([fund_emb, stock_emb], axis=0)
    src = edge_index[0]
    dst = edge_index[1]
    zrows = jnp.zeros((EXP_CH, EMB), jnp.float32)
    zcnt = jnp.zeros((EXP_CH,), jnp.float32)

    acc1, cnt = _seg_sum_cnt(src, dst, x, zrows, zcnt)
    g, hr, invc = _layer1_tc(acc1, cnt.reshape(NC, HP, 1), x,
                             W1l, b1l.reshape(1, HID), W1r,
                             W2l, W2r, b2l.reshape(1, OUT))
    (acc2,) = _seg_sum(src, dst, g, zrows)
    z = _layer2_tc(acc2, invc, hr)
    return z

# --- scband reference (transcript-rebuilt; emitter-appended) ---
"""Pipeline reference for scband-bipartite-graph-sage-77300821394178 (READ-ONLY COPY).

The authoritative reference and input builder live on the scoring server;
editing this copy changes nothing except your own understanding.
"""

import jax, jax.numpy as jnp
import numpy as np

N_FUNDS = 10000
N_STOCKS = 40000
N_TOTAL = N_FUNDS + N_STOCKS
N_EDGES = 800000
EMB = 64
HID = 128
OUT = 64


def setup_inputs(seed: int = 0) -> dict:
    key = jax.random.key(seed)
    ks = jax.random.split(key, 8)
    edge_index = jax.random.randint(ks[0], (2, N_EDGES), 0, N_TOTAL, dtype=jnp.int32)
    fund_emb = 0.1 * jax.random.normal(ks[1], (N_FUNDS, EMB), dtype=jnp.float32)
    stock_emb = 0.1 * jax.random.normal(ks[2], (N_STOCKS, EMB), dtype=jnp.float32)
    W1l = jax.random.normal(ks[3], (EMB, HID), dtype=jnp.float32) / np.sqrt(EMB)
    b1l = jnp.zeros((HID,), dtype=jnp.float32)
    W1r = jax.random.normal(ks[4], (EMB, HID), dtype=jnp.float32) / np.sqrt(EMB)
    W2l = jax.random.normal(ks[5], (HID, OUT), dtype=jnp.float32) / np.sqrt(HID)
    b2l = jnp.zeros((OUT,), dtype=jnp.float32)
    W2r = jax.random.normal(ks[6], (HID, OUT), dtype=jnp.float32) / np.sqrt(HID)
    return {
        "edge_index": edge_index,
        "fund_emb": fund_emb,
        "stock_emb": stock_emb,
        "W1l": W1l,
        "b1l": b1l,
        "W1r": W1r,
        "W2l": W2l,
        "b2l": b2l,
        "W2r": W2r,
    }


def _sage_conv(x, src, dst, Wl, bl, Wr):
    # PyG SAGEConv (aggr='mean'): out = lin_l(mean_{j in N(i)} x_j) + lin_r(x_i)
    msgs = jnp.take(x, src, axis=0)
    summed = jax.ops.segment_sum(msgs, dst, num_segments=x.shape[0])
    cnt = jax.ops.segment_sum(jnp.ones((src.shape[0],), dtype=x.dtype), dst, num_segments=x.shape[0])
    mean = summed / jnp.clip(cnt, 1.0)[:, None]
    return mean @ Wl + bl + x @ Wr


def reference(edge_index, fund_emb, stock_emb, W1l, b1l, W1r, W2l, b2l, W2r):
    x = jnp.concatenate([fund_emb, stock_emb], axis=0)
    src = edge_index[0]
    dst = edge_index[1]
    h = jax.nn.relu(_sage_conv(x, src, dst, W1l, b1l, W1r))
    z = _sage_conv(h, src, dst, W2l, b2l, W2r)
    return z

if __name__ == "__main__":
    import jax
    _d = setup_inputs()
    print(jax.jit(kernel)(*tuple(_d.values())))

</pallas_src>

<mosaic_0001>
#map = affine_map<(d0, d1) -> (0)>
#map1 = affine_map<(d0, d1) -> (0, 0)>
#map2 = affine_map<(d0, d1) -> (0, 0, 0)>
module attributes {stable_mosaic.version = 14 : i64} {
  func.func @sc_segsum_cnt(%arg0: i32, %arg1: i32, %arg2: memref<800000xi32, #tpu.memory_space<hbm>>, %arg3: memref<800000xi32, #tpu.memory_space<hbm>>, %arg4: memref<50000x64xf32, #tpu.memory_space<hbm>>, %arg5: memref<112x64xf32, #tpu.memory_space<hbm>>, %arg6: memref<112xf32, #tpu.memory_space<hbm>>, %arg7: memref<2x25088x64xf32, #tpu.memory_space<hbm>>, %arg8: memref<50176xf32, #tpu.memory_space<hbm>>, %arg9: memref<128xi32, #tpu.memory_space<vmem>>, %arg10: memref<128xi32, #tpu.memory_space<vmem>>, %arg11: memref<128xi32, #tpu.memory_space<vmem>>, %arg12: memref<128xi32, #tpu.memory_space<vmem>>, %arg13: memref<128xi32, #tpu.memory_space<vmem>>, %arg14: memref<128xi32, #tpu.memory_space<vmem>>, %arg15: memref<128x64xf32, #tpu.memory_space<vmem>>, %arg16: memref<128x64xf32, #tpu.memory_space<vmem>>, %arg17: memref<128x64xf32, #tpu.memory_space<vmem>>, %arg18: memref<128xf32, #tpu.memory_space<vmem>>, %arg19: memref<80xi32, #tpu.memory_space<vmem>>, %arg20: memref<80xi32, #tpu.memory_space<vmem>>, %arg21: memref<25152x64xf32, #tpu.memory_space<vmem_shared>>, %arg22: memref<25152xf32, #tpu.memory_space<vmem_shared>>, %arg23: memref<!tpu.dma_semaphore, #tpu.memory_space<semaphore_mem>>, %arg24: memref<!tpu.dma_semaphore, #tpu.memory_space<semaphore_mem>>, %arg25: memref<!tpu.dma_semaphore, #tpu.memory_space<semaphore_mem>>, %arg26: memref<!tpu.dma_semaphore, #tpu.memory_space<semaphore_mem>>, %arg27: memref<!tpu.dma_semaphore, #tpu.memory_space<semaphore_mem>>, %arg28: memref<!tpu.dma_semaphore, #tpu.memory_space<semaphore_mem>>, %arg29: memref<!tpu.dma_semaphore, #tpu.memory_space<semaphore_mem>>, %arg30: memref<!tpu.dma_semaphore, #tpu.memory_space<semaphore_mem>>, %arg31: memref<!tpu.dma_semaphore, #tpu.memory_space<semaphore_mem>>, %arg32: memref<!tpu.dma_semaphore, #tpu.memory_space<semaphore_mem>>, %arg33: memref<!tpu.dma_semaphore, #tpu.memory_space<semaphore_mem>>, %arg34: memref<!tpu.dma_semaphore, #tpu.memory_space<semaphore_mem>>, %arg35: memref<!tpu.dma_semaphore, #tpu.memory_space<semaphore_mem>>) attributes {dimension_semantics = [#tpu.dimension_semantics<core_parallel>, #tpu.dimension_semantics<subcore_parallel>], iteration_bounds = array<i64: 2, 16>, scalar_prefetch = 0 : i64, scratch_operands = 27 : i64, tpu.core_type = #tpu.core_type<sc_vector_subcore>, window_params = [{transform_indices = #map}, {transform_indices = #map}, {transform_indices = #map1}, {transform_indices = #map1}, {transform_indices = #map}, {transform_indices = #map2}, {transform_indices = #map}]} {
    %mul3A = arith.constant 25000 : i32
    %mul3A_0 = arith.muli %arg0, %mul3A : i32
    "tpu.region"() ({
      %run_scoped3A = tpu.sem_alloc : memref<!tpu.dma_semaphore, #tpu.memory_space<semaphore_mem>>
      %dma_start3A_82 = arith.constant 0 : i32
      %dma_start3A_83 = arith.constant 0 : i32
      %dma_start3A_84 = tpu.memref_slice %arg15[%dma_start3A_82, %dma_start3A_83] : memref<128x64xf32, #tpu.memory_space<vmem>> -> memref<112x64xf32, #tpu.memory_space<vmem>>
      %dma_start3A_85 = arith.constant 0 : i32
      %dma_start3A_86 = arith.constant 0 : i32
      %dma_start3A_87 = tpu.memref_slice %arg15[%dma_start3A_85, %dma_start3A_86] : memref<128x64xf32, #tpu.memory_space<vmem>> -> memref<112x64xf32, #tpu.memory_space<vmem>>
      tpu.enqueue_dma source(%arg5 : memref<112x64xf32, #tpu.memory_space<hbm>>) target(%dma_start3A_87 : memref<112x64xf32, #tpu.memory_space<vmem>>) target_semaphore(%run_scoped3A : memref<!tpu.dma_semaphore, #tpu.memory_space<semaphore_mem>>)
      %dma_wait3A_88 = arith.constant 0 : i32
      %dma_wait3A_89 = arith.constant 0 : i32
      %dma_wait3A_90 = tpu.memref_slice %arg15[%dma_wait3A_88, %dma_wait3A_89] : memref<128x64xf32, #tpu.memory_space<vmem>> -> memref<112x64xf32, #tpu.memory_space<vmem>>
      %dma_wait3A_91 = arith.constant 0 : i32
      %dma_wait3A_92 = arith.constant 0 : i32
      %dma_wait3A_93 = tpu.memref_slice %arg15[%dma_wait3A_91, %dma_wait3A_92] : memref<128x64xf32, #tpu.memory_space<vmem>> -> memref<112x64xf32, #tpu.memory_space<vmem>>
      tpu.wait_dma2 semaphore(%run_scoped3A : memref<!tpu.dma_semaphore, #tpu.memory_space<semaphore_mem>>) src(%arg5 : memref<112x64xf32, #tpu.memory_space<hbm>>) dst(%dma_wait3A_93 : memref<112x64xf32, #tpu.memory_space<vmem>>)
      tpu.yield
    }) : () -> ()
    %scan3A = arith.constant 0 : i32
    %scan3A_1 = arith.constant 14 : i32
    %scan3A_2 = arith.addi %scan3A, %scan3A_1 : i32
    %scan3A_3 = arith.constant 1 : i32
    scf.for %scan3A_82 = %scan3A to %scan3A_2 step %scan3A_3  : i32 {
      %mul3A_83 = arith.constant 1 : i32
      %mul3A_84 = arith.muli %scan3A_82, %mul3A_83 : i32
      %add3A_85 = arith.constant 0 : i32
      %add3A_86 = arith.addi %add3A_85, %mul3A_84 : i32
      %mul3A_87 = arith.constant 1568 : i32
      %mul3A_88 = arith.muli %arg1, %mul3A_87 : i32
      %mul3A_89 = arith.constant 112 : i32
      %mul3A_90 = arith.muli %add3A_86, %mul3A_89 : i32
      %add3A_91 = arith.addi %mul3A_88, %mul3A_90 : i32
      "tpu.region"() ({
        %run_scoped3A = tpu.sem_alloc : memref<!tpu.dma_semaphore, #tpu.memory_space<semaphore_mem>>
        %dma_start3A_92 = arith.constant 0 : i32
        %dma_start3A_93 = arith.constant 0 : i32
        %dma_start3A_94 = tpu.memref_slice %arg15[%dma_start3A_92, %dma_start3A_93] : memref<128x64xf32, #tpu.memory_space<vmem>> -> memref<112x64xf32, #tpu.memory_space<vmem>>
        %dma_start3A_95 = arith.constant 0 : i32
        %dma_start3A_96 = tpu.memref_slice %arg21[%add3A_91, %dma_start3A_95] : memref<25152x64xf32, #tpu.memory_space<vmem_shared>> -> memref<112x64xf32, #tpu.memory_space<vmem_shared>>
        %dma_start3A_97 = arith.constant 0 : i32
        %dma_start3A_98 = tpu.memref_slice %arg21[%add3A_91, %dma_start3A_97] : memref<25152x64xf32, #tpu.memory_space<vmem_shared>> -> memref<112x64xf32, #tpu.memory_space<vmem_shared>>
        %dma_start3A_99 = arith.constant 0 : i32
        %dma_start3A_100 = arith.constant 0 : i32
        %dma_start3A_101 = tpu.memref_slice %arg15[%dma_start3A_99, %dma_start3A_100] : memref<128x64xf32, #tpu.memory_space<vmem>> -> memref<112x64xf32, #tpu.memory_space<vmem>>
        tpu.enqueue_dma source(%dma_start3A_101 : memref<112x64xf32, #tpu.memory_space<vmem>>) target(%dma_start3A_98 : memref<112x64xf32, #tpu.memory_space<vmem_shared>>) target_semaphore(%run_scoped3A : memref<!tpu.dma_semaphore, #tpu.memory_space<semaphore_mem>>)
        %dma_wait3A_102 = arith.constant 0 : i32
        %dma_wait3A_103 = arith.constant 0 : i32
        %dma_wait3A_104 = tpu.memref_slice %arg15[%dma_wait3A_102, %dma_wait3A_103] : memref<128x64xf32, #tpu.memory_space<vmem>> -> memref<112x64xf32, #tpu.memory_space<vmem>>
        %dma_wait3A_105 = arith.constant 0 : i32
        %dma_wait3A_106 = tpu.memref_slice %arg21[%add3A_91, %dma_wait3A_105] : memref<25152x64xf32, #tpu.memory_space<vmem_shared>> -> memref<112x64xf32, #tpu.memory_space<vmem_shared>>
        %dma_wait3A_107 = arith.constant 0 : i32
        %dma_wait3A_108 = tpu.memref_slice %arg21[%add3A_91, %dma_wait3A_107] : memref<25152x64xf32, #tpu.memory_space<vmem_shared>> -> memref<112x64xf32, #tpu.memory_space<vmem_shared>>
        %dma_wait3A_109 = arith.constant 0 : i32
        %dma_wait3A_110 = arith.constant 0 : i32
        %dma_wait3A_111 = tpu.memref_slice %arg15[%dma_wait3A_109, %dma_wait3A_110] : memref<128x64xf32, #tpu.memory_space<vmem>> -> memref<112x64xf32, #tpu.memory_space<vmem>>
        tpu.wait_dma2 semaphore(%run_scoped3A : memref<!tpu.dma_semaphore, #tpu.memory_space<semaphore_mem>>) src(%dma_wait3A_111 : memref<112x64xf32, #tpu.memory_space<vmem>>) dst(%dma_wait3A_108 : memref<112x64xf32, #tpu.memory_space<vmem_shared>>)
        tpu.yield
      }) : () -> ()
    }
    %scan3A_4 = arith.constant 14 : i32
    "tpu.region"() ({
      %run_scoped3A = tpu.sem_alloc : memref<!tpu.dma_semaphore, #tpu.memory_space<semaphore_mem>>
      %dma_start3A_82 = arith.constant 0 : i32
      %dma_start3A_83 = tpu.memref_slice %arg18[%dma_start3A_82] : memref<128xf32, #tpu.memory_space<vmem>> -> memref<112xf32, #tpu.memory_space<vmem>>
      %dma_start3A_84 = arith.constant 0 : i32
      %dma_start3A_85 = tpu.memref_slice %arg18[%dma_start3A_84] : memref<128xf32, #tpu.memory_space<vmem>> -> memref<112xf32, #tpu.memory_space<vmem>>
      tpu.enqueue_dma source(%arg6 : memref<112xf32, #tpu.memory_space<hbm>>) target(%dma_start3A_85 : memref<112xf32, #tpu.memory_space<vmem>>) target_semaphore(%run_scoped3A : memref<!tpu.dma_semaphore, #tpu.memory_space<semaphore_mem>>)
      %dma_wait3A_86 = arith.constant 0 : i32
      %dma_wait3A_87 = tpu.memref_slice %arg18[%dma_wait3A_86] : memref<128xf32, #tpu.memory_space<vmem>> -> memref<112xf32, #tpu.memory_space<vmem>>
      %dma_wait3A_88 = arith.constant 0 : i32
      %dma_wait3A_89 = tpu.memref_slice %arg18[%dma_wait3A_88] : memref<128xf32, #tpu.memory_space<vmem>> -> memref<112xf32, #tpu.memory_space<vmem>>
      tpu.wait_dma2 semaphore(%run_scoped3A : memref<!tpu.dma_semaphore, #tpu.memory_space<semaphore_mem>>) src(%arg6 : memref<112xf32, #tpu.memory_space<hbm>>) dst(%dma_wait3A_89 : memref<112xf32, #tpu.memory_space<vmem>>)
      tpu.yield
    }) : () -> ()
    %scan3A_5 = arith.constant 0 : i32
    %scan3A_6 = arith.constant 14 : i32
    %scan3A_7 = arith.addi %scan3A_5, %scan3A_6 : i32
    %scan3A_8 = arith.constant 1 : i32
    scf.for %scan3A_82 = %scan3A_5 to %scan3A_7 step %scan3A_8  : i32 {
      %mul3A_83 = arith.constant 1 : i32
      %mul3A_84 = arith.muli %scan3A_82, %mul3A_83 : i32
      %add3A_85 = arith.constant 0 : i32
      %add3A_86 = arith.addi %add3A_85, %mul3A_84 : i32
      %mul3A_87 = arith.constant 1568 : i32
      %mul3A_88 = arith.muli %arg1, %mul3A_87 : i32
      %mul3A_89 = arith.constant 112 : i32
      %mul3A_90 = arith.muli %add3A_86, %mul3A_89 : i32
      %add3A_91 = arith.addi %mul3A_88, %mul3A_90 : i32
      "tpu.region"() ({
        %run_scoped3A = tpu.sem_alloc : memref<!tpu.dma_semaphore, #tpu.memory_space<semaphore_mem>>
        %dma_start3A_92 = arith.constant 0 : i32
        %dma_start3A_93 = tpu.memref_slice %arg18[%dma_start3A_92] : memref<128xf32, #tpu.memory_space<vmem>> -> memref<112xf32, #tpu.memory_space<vmem>>
        %dma_start3A_94 = tpu.memref_slice %arg22[%add3A_91] : memref<25152xf32, #tpu.memory_space<vmem_shared>> -> memref<112xf32, #tpu.memory_space<vmem_shared>>
        %dma_start3A_95 = tpu.memref_slice %arg22[%add3A_91] : memref<25152xf32, #tpu.memory_space<vmem_shared>> -> memref<112xf32, #tpu.memory_space<vmem_shared>>
        %dma_start3A_96 = arith.constant 0 : i32
        %dma_start3A_97 = tpu.memref_slice %arg18[%dma_start3A_96] : memref<128xf32, #tpu.memory_space<vmem>> -> memref<112xf32, #tpu.memory_space<vmem>>
        tpu.enqueue_dma source(%dma_start3A_97 : memref<112xf32, #tpu.memory_space<vmem>>) target(%dma_start3A_95 : memref<112xf32, #tpu.memory_space<vmem_shared>>) target_semaphore(%run_scoped3A : memref<!tpu.dma_semaphore, #tpu.memory_space<semaphore_mem>>)
        %dma_wait3A_98 = arith.constant 0 : i32
        %dma_wait3A_99 = tpu.memref_slice %arg18[%dma_wait3A_98] : memref<128xf32, #tpu.memory_space<vmem>> -> memref<112xf32, #tpu.memory_space<vmem>>
        %dma_wait3A_100 = tpu.memref_slice %arg22[%add3A_91] : memref<25152xf32, #tpu.memory_space<vmem_shared>> -> memref<112xf32, #tpu.memory_space<vmem_shared>>
        %dma_wait3A_101 = tpu.memref_slice %arg22[%add3A_91] : memref<25152xf32, #tpu.memory_space<vmem_shared>> -> memref<112xf32, #tpu.memory_space<vmem_shared>>
        %dma_wait3A_102 = arith.constant 0 : i32
        %dma_wait3A_103 = tpu.memref_slice %arg18[%dma_wait3A_102] : memref<128xf32, #tpu.memory_space<vmem>> -> memref<112xf32, #tpu.memory_space<vmem>>
        tpu.wait_dma2 semaphore(%run_scoped3A : memref<!tpu.dma_semaphore, #tpu.memory_space<semaphore_mem>>) src(%dma_wait3A_103 : memref<112xf32, #tpu.memory_space<vmem>>) dst(%dma_wait3A_101 : memref<112xf32, #tpu.memory_space<vmem_shared>>)
        tpu.yield
      }) : () -> ()
    }
    %scan3A_9 = arith.constant 14 : i32
    %scan3A_10 = arith.constant 0 : i32
    %scan3A_11 = arith.constant 8 : i32
    %scan3A_12 = arith.addi %scan3A_10, %scan3A_11 : i32
    %scan3A_13 = arith.constant 1 : i32
    scf.for %scan3A_82 = %scan3A_10 to %scan3A_12 step %scan3A_13  : i32 {
      %mul3A_83 = arith.constant 1 : i32
      %mul3A_84 = arith.muli %scan3A_82, %mul3A_83 : i32
      %add3A_85 = arith.constant 0 : i32
      %add3A_86 = arith.addi %add3A_85, %mul3A_84 : i32
      %broadcast_in_dim3A = arith.constant 1.000000e+00 : f32
      %broadcast_in_dim3A_87 = vector.broadcast %broadcast_in_dim3A : f32 to vector<16xf32>
      %mul3A_88 = arith.constant 16 : i32
      %mul3A_89 = arith.muli %add3A_86, %mul3A_88 : i32
      %swap3A = arith.index_cast %mul3A_89 : i32 to index
      %swap3A_90 = tpu.vector_load %arg18[%swap3A] {strides = array<i32>} : memref<128xf32, #tpu.memory_space<vmem>>, vector<16xf32>,
      %swap3A_91 = vector.shape_cast %swap3A_90 : vector<16xf32> to vector<16xf32>
      %swap3A_92 = vector.shape_cast %broadcast_in_dim3A_87 : vector<16xf32> to vector<16xf32>
      tpu.vector_store %arg18[%swap3A], %swap3A_92 {strides = array<i32>} : memref<128xf32, #tpu.memory_space<vmem>>, vector<16xf32>,
    }
    %scan3A_14 = arith.constant 8 : i32
    %barrier3A = arith.constant 0 : index
    tpu.barrier barrier_id(%barrier3A)
    %mul3A_15 = arith.constant 49920 : i32
    %mul3A_16 = arith.muli %arg1, %mul3A_15 : i32
    %add3A = arith.constant 0 : i32
    %add3A_17 = arith.addi %mul3A_16, %add3A : i32
    %multiple_of3A = tpu.assume_multiple %add3A_17, 8 : i32
    %dma_start3A = tpu.memref_slice %arg2[%multiple_of3A] : memref<800000xi32, #tpu.memory_space<hbm>> -> memref<128xi32, #tpu.memory_space<hbm>>
    %dma_start3A_18 = tpu.memref_slice %arg2[%multiple_of3A] : memref<800000xi32, #tpu.memory_space<hbm>> -> memref<128xi32, #tpu.memory_space<hbm>>
    tpu.enqueue_dma source(%dma_start3A_18 : memref<128xi32, #tpu.memory_space<hbm>>) target(%arg9 : memref<128xi32, #tpu.memory_space<vmem>>) target_semaphore(%arg23 : memref<!tpu.dma_semaphore, #tpu.memory_space<semaphore_mem>>)
    %dma_start3A_19 = tpu.memref_slice %arg3[%multiple_of3A] : memref<800000xi32, #tpu.memory_space<hbm>> -> memref<128xi32, #tpu.memory_space<hbm>>
    %dma_start3A_20 = tpu.memref_slice %arg3[%multiple_of3A] : memref<800000xi32, #tpu.memory_space<hbm>> -> memref<128xi32, #tpu.memory_space<hbm>>
    tpu.enqueue_dma source(%dma_start3A_20 : memref<128xi32, #tpu.memory_space<hbm>>) target(%arg12 : memref<128xi32, #tpu.memory_space<vmem>>) target_semaphore(%arg23 : memref<!tpu.dma_semaphore, #tpu.memory_space<semaphore_mem>>)
    %scan3A_21 = arith.constant 0 : i32
    %scan3A_22 = arith.constant 130 : i32
    %scan3A_23 = arith.addi %scan3A_21, %scan3A_22 : i32
    %scan3A_24 = arith.constant 1 : i32
    scf.for %scan3A_82 = %scan3A_21 to %scan3A_23 step %scan3A_24  : i32 {
      %mul3A_83 = arith.constant 3 : i32
      %mul3A_84 = arith.muli %scan3A_82, %mul3A_83 : i32
      %add3A_85 = arith.constant 0 : i32
      %add3A_86 = arith.addi %add3A_85, %mul3A_84 : i32
      %add3A_87 = arith.constant 0 : i32
      %add3A_88 = arith.addi %add3A_86, %add3A_87 : i32
      %mul3A_89 = arith.constant 128 : i32
      %mul3A_90 = arith.muli %add3A_88, %mul3A_89 : i32
      %add3A_91 = arith.addi %mul3A_16, %mul3A_90 : i32
      %multiple_of3A_92 = tpu.assume_multiple %add3A_91, 8 : i32
      %dma_wait3A_93 = tpu.memref_slice %arg2[%multiple_of3A_92] : memref<800000xi32, #tpu.memory_space<hbm>> -> memref<128xi32, #tpu.memory_space<hbm>>
      %dma_wait3A_94 = tpu.memref_slice %arg2[%multiple_of3A_92] : memref<800000xi32, #tpu.memory_space<hbm>> -> memref<128xi32, #tpu.memory_space<hbm>>
      tpu.wait_dma2 semaphore(%arg23 : memref<!tpu.dma_semaphore, #tpu.memory_space<semaphore_mem>>) src(%dma_wait3A_94 : memref<128xi32, #tpu.memory_space<hbm>>) dst(%arg9 : memref<128xi32, #tpu.memory_space<vmem>>)
      %dma_wait3A_95 = tpu.memref_slice %arg3[%multiple_of3A_92] : memref<800000xi32, #tpu.memory_space<hbm>> -> memref<128xi32, #tpu.memory_space<hbm>>
      %dma_wait3A_96 = tpu.memref_slice %arg3[%multiple_of3A_92] : memref<800000xi32, #tpu.memory_space<hbm>> -> memref<128xi32, #tpu.memory_space<hbm>>
      tpu.wait_dma2 semaphore(%arg23 : memref<!tpu.dma_semaphore, #tpu.memory_space<semaphore_mem>>) src(%dma_wait3A_96 : memref<128xi32, #tpu.memory_space<hbm>>) dst(%arg12 : memref<128xi32, #tpu.memory_space<vmem>>)
      %scan3A_97 = arith.constant 0 : i32
      %scan3A_98 = arith.constant 8 : i32
      %scan3A_99 = arith.addi %scan3A_97, %scan3A_98 : i32
      %scan3A_100 = arith.constant 1 : i32
      scf.for %scan3A_198 = %scan3A_97 to %scan3A_99 step %scan3A_100  : i32 {
        %mul3A_199 = arith.constant 1 : i32
        %mul3A_200 = arith.muli %scan3A_198, %mul3A_199 : i32
        %add3A_201 = arith.constant 0 : i32
        %add3A_202 = arith.addi %add3A_201, %mul3A_200 : i32
        %mul3A_203 = arith.constant 16 : i32
        %mul3A_204 = arith.muli %add3A_202, %mul3A_203 : i32
        %get3A = arith.index_cast %mul3A_204 : i32 to index
        %get3A_205 = tpu.vector_load %arg12[%get3A] {strides = array<i32>} : memref<128xi32, #tpu.memory_space<vmem>>, vector<16xi32>,
        %get3A_206 = vector.shape_cast %get3A_205 : vector<16xi32> to vector<16xi32>
        %sub3A = vector.broadcast %mul3A_0 : i32 to vector<16xi32>
        %sub3A_207 = arith.subi %get3A_206, %sub3A : vector<16xi32>
        %ge3A_208 = arith.constant 0 : i32
        %ge3A_209 = vector.broadcast %ge3A_208 : i32 to vector<16xi32>
        %ge3A_210 = arith.cmpi sge, %sub3A_207, %ge3A_209 : vector<16xi32>
        %lt3A = arith.constant 25000 : i32
        %lt3A_211 = vector.broadcast %lt3A : i32 to vector<16xi32>
        %lt3A_212 = arith.cmpi slt, %sub3A_207, %lt3A_211 : vector<16xi32>
        %and3A = arith.andi %ge3A_210, %lt3A_212 : vector<16xi1>
        %and3A_213 = arith.constant 63 : i32
        %and3A_214 = vector.broadcast %and3A_213 : i32 to vector<16xi32>
        %and3A_215 = arith.andi %get3A_206, %and3A_214 : vector<16xi32>
        %add3A_216 = arith.constant 25088 : i32
        %add3A_217 = vector.broadcast %add3A_216 : i32 to vector<16xi32>
        %add3A_218 = arith.addi %add3A_217, %and3A_215 : vector<16xi32>
        %select_n3A = arith.select %and3A, %sub3A_207, %add3A_218 : vector<16xi1>, vector<16xi32>
        %mul3A_219 = arith.constant 16 : i32
        %mul3A_220 = arith.muli %add3A_202, %mul3A_219 : i32
        %swap3A = arith.index_cast %mul3A_220 : i32 to index
        %swap3A_221 = tpu.vector_load %arg12[%swap3A] {strides = array<i32>} : memref<128xi32, #tpu.memory_space<vmem>>, vector<16xi32>,
        %swap3A_222 = vector.shape_cast %swap3A_221 : vector<16xi32> to vector<16xi32>
        %swap3A_223 = vector.shape_cast %select_n3A : vector<16xi32> to vector<16xi32>
        tpu.vector_store %arg12[%swap3A], %swap3A_223 {strides = array<i32>} : memref<128xi32, #tpu.memory_space<vmem>>, vector<16xi32>,
      }
      %scan3A_101 = arith.constant 8 : i32
      %dma_start3A_102 = arith.constant 0 : i32
      %dma_start3A_103 = arith.constant 0 : i32
      %dma_start3A_104 = tpu.memref_slice %arg4[%dma_start3A_102, %dma_start3A_103] : memref<50000x64xf32, #tpu.memory_space<hbm>> -> memref<50000x64xf32, #tpu.memory_space<hbm>>
      tpu.enqueue_indirect_dma source(%dma_start3A_104 : memref<50000x64xf32, #tpu.memory_space<hbm>>) target(%arg15 : memref<128x64xf32, #tpu.memory_space<vmem>>) offsets(%arg9 : memref<128xi32, #tpu.memory_space<vmem>>) semaphore(%arg26 : memref<!tpu.dma_semaphore, #tpu.memory_space<semaphore_mem>>)
      %ge3A = arith.constant 1 : i32
      %ge3A_105 = arith.cmpi sge, %add3A_88, %ge3A : i32
      %convert_element_type3A = arith.extui %ge3A_105 : i1 to i32
      %cond3A = arith.constant 0 : i32
      %cond3A_106 = arith.cmpi ne, %convert_element_type3A, %cond3A : i32
      scf.if %cond3A_106 {
        %dma_wait3A_198 = arith.constant 0 : i32
        %dma_wait3A_199 = arith.constant 0 : i32
        %dma_wait3A_200 = tpu.memref_slice %arg4[%dma_wait3A_198, %dma_wait3A_199] : memref<50000x64xf32, #tpu.memory_space<hbm>> -> memref<50000x64xf32, #tpu.memory_space<hbm>>
        tpu.wait_indirect_dma semaphore(%arg28 : memref<!tpu.dma_semaphore, #tpu.memory_space<semaphore_mem>>) src(%dma_wait3A_200 : memref<50000x64xf32, #tpu.memory_space<hbm>>) dst(%arg17 : memref<128x64xf32, #tpu.memory_space<vmem>>)
        %dma_start3A_201 = arith.constant 0 : i32
        %dma_start3A_202 = arith.constant 0 : i32
        %dma_start3A_203 = tpu.memref_slice %arg21[%dma_start3A_201, %dma_start3A_202] : memref<25152x64xf32, #tpu.memory_space<vmem_shared>> -> memref<25152x64xf32, #tpu.memory_space<vmem_shared>>
        tpu.enqueue_indirect_dma source(%arg17 : memref<128x64xf32, #tpu.memory_space<vmem>>) target(%dma_start3A_203 : memref<25152x64xf32, #tpu.memory_space<vmem_shared>>) offsets(%arg14 : memref<128xi32, #tpu.memory_space<vmem>>) semaphore(%arg31 : memref<!tpu.dma_semaphore, #tpu.memory_space<semaphore_mem>>) {add = true}
        %dma_start3A_204 = arith.constant 0 : i32
        %dma_start3A_205 = tpu.memref_slice %arg22[%dma_start3A_204] : memref<25152xf32, #tpu.memory_space<vmem_shared>> -> memref<25152xf32, #tpu.memory_space<vmem_shared>>
        tpu.enqueue_indirect_dma source(%arg18 : memref<128xf32, #tpu.memory_space<vmem>>) target(%dma_start3A_205 : memref<25152xf32, #tpu.memory_space<vmem_shared>>) offsets(%arg14 : memref<128xi32, #tpu.memory_space<vmem>>) semaphore(%arg34 : memref<!tpu.dma_semaphore, #tpu.memory_space<semaphore_mem>>) {add = true}
      } else {
      }
      %ge3A_107 = arith.constant 2 : i32
      %ge3A_108 = arith.cmpi sge, %add3A_88, %ge3A_107 : i32
      %convert_element_type3A_109 = arith.extui %ge3A_108 : i1 to i32
      %cond3A_110 = arith.constant 0 : i32
      %cond3A_111 = arith.cmpi ne, %convert_element_type3A_109, %cond3A_110 : i32
      scf.if %cond3A_111 {
        %dma_wait3A_198 = arith.constant 0 : i32
        %dma_wait3A_199 = arith.constant 0 : i32
        %dma_wait3A_200 = tpu.memref_slice %arg21[%dma_wait3A_198, %dma_wait3A_199] : memref<25152x64xf32, #tpu.memory_space<vmem_shared>> -> memref<25152x64xf32, #tpu.memory_space<vmem_shared>>
        tpu.wait_indirect_dma semaphore(%arg30 : memref<!tpu.dma_semaphore, #tpu.memory_space<semaphore_mem>>) src(%arg16 : memref<128x64xf32, #tpu.memory_space<vmem>>) dst(%dma_wait3A_200 : memref<25152x64xf32, #tpu.memory_space<vmem_shared>>)
        %dma_wait3A_201 = arith.constant 0 : i32
        %dma_wait3A_202 = tpu.memref_slice %arg22[%dma_wait3A_201] : memref<25152xf32, #tpu.memory_space<vmem_shared>> -> memref<25152xf32, #tpu.memory_space<vmem_shared>>
        tpu.wait_indirect_dma semaphore(%arg33 : memref<!tpu.dma_semaphore, #tpu.memory_space<semaphore_mem>>) src(%arg18 : memref<128xf32, #tpu.memory_space<vmem>>) dst(%dma_wait3A_202 : memref<25152xf32, #tpu.memory_space<vmem_shared>>)
      } else {
      }
      %add3A_112 = arith.constant 1 : i32
      %add3A_113 = arith.addi %add3A_88, %add3A_112 : i32
      %mul3A_114 = arith.constant 128 : i32
      %mul3A_115 = arith.muli %add3A_113, %mul3A_114 : i32
      %add3A_116 = arith.addi %mul3A_16, %mul3A_115 : i32
      %multiple_of3A_117 = tpu.assume_multiple %add3A_116, 8 : i32
      %dma_start3A_118 = tpu.memref_slice %arg2[%multiple_of3A_117] : memref<800000xi32, #tpu.memory_space<hbm>> -> memref<128xi32, #tpu.memory_space<hbm>>
      %dma_start3A_119 = tpu.memref_slice %arg2[%multiple_of3A_117] : memref<800000xi32, #tpu.memory_space<hbm>> -> memref<128xi32, #tpu.memory_space<hbm>>
      tpu.enqueue_dma source(%dma_start3A_119 : memref<128xi32, #tpu.memory_space<hbm>>) target(%arg10 : memref<128xi32, #tpu.memory_space<vmem>>) target_semaphore(%arg24 : memref<!tpu.dma_semaphore, #tpu.memory_space<semaphore_mem>>)
      %dma_start3A_120 = tpu.memref_slice %arg3[%multiple_of3A_117] : memref<800000xi32, #tpu.memory_space<hbm>> -> memref<128xi32, #tpu.memory_space<hbm>>
      %dma_start3A_121 = tpu.memref_slice %arg3[%multiple_of3A_117] : memref<800000xi32, #tpu.memory_space<hbm>> -> memref<128xi32, #tpu.memory_space<hbm>>
      tpu.enqueue_dma source(%dma_start3A_121 : memref<128xi32, #tpu.memory_space<hbm>>) target(%arg13 : memref<128xi32, #tpu.memory_space<vmem>>) target_semaphore(%arg24 : memref<!tpu.dma_semaphore, #tpu.memory_space<semaphore_mem>>)
      %add3A_122 = arith.constant 1 : i32
      %add3A_123 = arith.addi %add3A_86, %add3A_122 : i32
      %mul3A_124 = arith.constant 128 : i32
      %mul3A_125 = arith.muli %add3A_123, %mul3A_124 : i32
      %add3A_126 = arith.addi %mul3A_16, %mul3A_125 : i32
      %multiple_of3A_127 = tpu.assume_multiple %add3A_126, 8 : i32
      %dma_wait3A_128 = tpu.memref_slice %arg2[%multiple_of3A_127] : memref<800000xi32, #tpu.memory_space<hbm>> -> memref<128xi32, #tpu.memory_space<hbm>>
      %dma_wait3A_129 = tpu.memref_slice %arg2[%multiple_of3A_127] : memref<800000xi32, #tpu.memory_space<hbm>> -> memref<128xi32, #tpu.memory_space<hbm>>
      tpu.wait_dma2 semaphore(%arg24 : memref<!tpu.dma_semaphore, #tpu.memory_space<semaphore_mem>>) src(%dma_wait3A_129 : memref<128xi32, #tpu.memory_space<hbm>>) dst(%arg10 : memref<128xi32, #tpu.memory_space<vmem>>)
      %dma_wait3A_130 = tpu.memref_slice %arg3[%multiple_of3A_127] : memref<800000xi32, #tpu.memory_space<hbm>> -> memref<128xi32, #tpu.memory_space<hbm>>
      %dma_wait3A_131 = tpu.memref_slice %arg3[%multiple_of3A_127] : memref<800000xi32, #tpu.memory_space<hbm>> -> memref<128xi32, #tpu.memory_space<hbm>>
      tpu.wait_dma2 semaphore(%arg24 : memref<!tpu.dma_semaphore, #tpu.memory_space<semaphore_mem>>) src(%dma_wait3A_131 : memref<128xi32, #tpu.memory_space<hbm>>) dst(%arg13 : memref<128xi32, #tpu.memory_space<vmem>>)
      %scan3A_132 = arith.constant 0 : i32
      %scan3A_133 = arith.constant 8 : i32
      %scan3A_134 = arith.addi %scan3A_132, %scan3A_133 : i32
      %scan3A_135 = arith.constant 1 : i32
      scf.for %scan3A_198 = %scan3A_132 to %scan3A_134 step %scan3A_135  : i32 {
        %mul3A_199 = arith.constant 1 : i32
        %mul3A_200 = arith.muli %scan3A_198, %mul3A_199 : i32
        %add3A_201 = arith.constant 0 : i32
        %add3A_202 = arith.addi %add3A_201, %mul3A_200 : i32
        %mul3A_203 = arith.constant 16 : i32
        %mul3A_204 = arith.muli %add3A_202, %mul3A_203 : i32
        %get3A = arith.index_cast %mul3A_204 : i32 to index
        %get3A_205 = tpu.vector_load %arg13[%get3A] {strides = array<i32>} : memref<128xi32, #tpu.memory_space<vmem>>, vector<16xi32>,
        %get3A_206 = vector.shape_cast %get3A_205 : vector<16xi32> to vector<16xi32>
        %sub3A = vector.broadcast %mul3A_0 : i32 to vector<16xi32>
        %sub3A_207 = arith.subi %get3A_206, %sub3A : vector<16xi32>
        %ge3A_208 = arith.constant 0 : i32
        %ge3A_209 = vector.broadcast %ge3A_208 : i32 to vector<16xi32>
        %ge3A_210 = arith.cmpi sge, %sub3A_207, %ge3A_209 : vector<16xi32>
        %lt3A = arith.constant 25000 : i32
        %lt3A_211 = vector.broadcast %lt3A : i32 to vector<16xi32>
        %lt3A_212 = arith.cmpi slt, %sub3A_207, %lt3A_211 : vector<16xi32>
        %and3A = arith.andi %ge3A_210, %lt3A_212 : vector<16xi1>
        %and3A_213 = arith.constant 63 : i32
        %and3A_214 = vector.broadcast %and3A_213 : i32 to vector<16xi32>
        %and3A_215 = arith.andi %get3A_206, %and3A_214 : vector<16xi32>
        %add3A_216 = arith.constant 25088 : i32
        %add3A_217 = vector.broadcast %add3A_216 : i32 to vector<16xi32>
        %add3A_218 = arith.addi %add3A_217, %and3A_215 : vector<16xi32>
        %select_n3A = arith.select %and3A, %sub3A_207, %add3A_218 : vector<16xi1>, vector<16xi32>
        %mul3A_219 = arith.constant 16 : i32
        %mul3A_220 = arith.muli %add3A_202, %mul3A_219 : i32
        %swap3A = arith.index_cast %mul3A_220 : i32 to index
        %swap3A_221 = tpu.vector_load %arg13[%swap3A] {strides = array<i32>} : memref<128xi32, #tpu.memory_space<vmem>>, vector<16xi32>,
        %swap3A_222 = vector.shape_cast %swap3A_221 : vector<16xi32> to vector<16xi32>
        %swap3A_223 = vector.shape_cast %select_n3A : vector<16xi32> to vector<16xi32>
        tpu.vector_store %arg13[%swap3A], %swap3A_223 {strides = array<i32>} : memref<128xi32, #tpu.memory_space<vmem>>, vector<16xi32>,
      }
      %scan3A_136 = arith.constant 8 : i32
      %dma_start3A_137 = arith.constant 0 : i32
      %dma_start3A_138 = arith.constant 0 : i32
      %dma_start3A_139 = tpu.memref_slice %arg4[%dma_start3A_137, %dma_start3A_138] : memref<50000x64xf32, #tpu.memory_space<hbm>> -> memref<50000x64xf32, #tpu.memory_space<hbm>>
      tpu.enqueue_indirect_dma source(%dma_start3A_139 : memref<50000x64xf32, #tpu.memory_space<hbm>>) target(%arg16 : memref<128x64xf32, #tpu.memory_space<vmem>>) offsets(%arg10 : memref<128xi32, #tpu.memory_space<vmem>>) semaphore(%arg27 : memref<!tpu.dma_semaphore, #tpu.memory_space<semaphore_mem>>)
      %ge3A_140 = arith.constant 1 : i32
      %ge3A_141 = arith.cmpi sge, %add3A_123, %ge3A_140 : i32
      %convert_element_type3A_142 = arith.extui %ge3A_141 : i1 to i32
      %cond3A_143 = arith.constant 0 : i32
      %cond3A_144 = arith.cmpi ne, %convert_element_type3A_142, %cond3A_143 : i32
      scf.if %cond3A_144 {
        %dma_wait3A_198 = arith.constant 0 : i32
        %dma_wait3A_199 = arith.constant 0 : i32
        %dma_wait3A_200 = tpu.memref_slice %arg4[%dma_wait3A_198, %dma_wait3A_199] : memref<50000x64xf32, #tpu.memory_space<hbm>> -> memref<50000x64xf32, #tpu.memory_space<hbm>>
        tpu.wait_indirect_dma semaphore(%arg26 : memref<!tpu.dma_semaphore, #tpu.memory_space<semaphore_mem>>) src(%dma_wait3A_200 : memref<50000x64xf32, #tpu.memory_space<hbm>>) dst(%arg15 : memref<128x64xf32, #tpu.memory_space<vmem>>)
        %dma_start3A_201 = arith.constant 0 : i32
        %dma_start3A_202 = arith.constant 0 : i32
        %dma_start3A_203 = tpu.memref_slice %arg21[%dma_start3A_201, %dma_start3A_202] : memref<25152x64xf32, #tpu.memory_space<vmem_shared>> -> memref<25152x64xf32, #tpu.memory_space<vmem_shared>>
        tpu.enqueue_indirect_dma source(%arg15 : memref<128x64xf32, #tpu.memory_space<vmem>>) target(%dma_start3A_203 : memref<25152x64xf32, #tpu.memory_space<vmem_shared>>) offsets(%arg12 : memref<128xi32, #tpu.memory_space<vmem>>) semaphore(%arg29 : memref<!tpu.dma_semaphore, #tpu.memory_space<semaphore_mem>>) {add = true}
        %dma_start3A_204 = arith.constant 0 : i32
        %dma_start3A_205 = tpu.memref_slice %arg22[%dma_start3A_204] : memref<25152xf32, #tpu.memory_space<vmem_shared>> -> memref<25152xf32, #tpu.memory_space<vmem_shared>>
        tpu.enqueue_indirect_dma source(%arg18 : memref<128xf32, #tpu.memory_space<vmem>>) target(%dma_start3A_205 : memref<25152xf32, #tpu.memory_space<vmem_shared>>) offsets(%arg12 : memref<128xi32, #tpu.memory_space<vmem>>) semaphore(%arg32 : memref<!tpu.dma_semaphore, #tpu.memory_space<semaphore_mem>>) {add = true}
      } else {
      }
      %ge3A_145 = arith.constant 2 : i32
      %ge3A_146 = arith.cmpi sge, %add3A_123, %ge3A_145 : i32
      %convert_element_type3A_147 = arith.extui %ge3A_146 : i1 to i32
      %cond3A_148 = arith.constant 0 : i32
      %cond3A_149 = arith.cmpi ne, %convert_element_type3A_147, %cond3A_148 : i32
      scf.if %cond3A_149 {
        %dma_wait3A_198 = arith.constant 0 : i32
        %dma_wait3A_199 = arith.constant 0 : i32
        %dma_wait3A_200 = tpu.memref_slice %arg21[%dma_wait3A_198, %dma_wait3A_199] : memref<25152x64xf32, #tpu.memory_space<vmem_shared>> -> memref<25152x64xf32, #tpu.memory_space<vmem_shared>>
        tpu.wait_indirect_dma semaphore(%arg31 : memref<!tpu.dma_semaphore, #tpu.memory_space<semaphore_mem>>) src(%arg17 : memref<128x64xf32, #tpu.memory_space<vmem>>) dst(%dma_wait3A_200 : memref<25152x64xf32, #tpu.memory_space<vmem_shared>>)
        %dma_wait3A_201 = arith.constant 0 : i32
        %dma_wait3A_202 = tpu.memref_slice %arg22[%dma_wait3A_201] : memref<25152xf32, #tpu.memory_space<vmem_shared>> -> memref<25152xf32, #tpu.memory_space<vmem_shared>>
        tpu.wait_indirect_dma semaphore(%arg34 : memref<!tpu.dma_semaphore, #tpu.memory_space<semaphore_mem>>) src(%arg18 : memref<128xf32, #tpu.memory_space<vmem>>) dst(%dma_wait3A_202 : memref<25152xf32, #tpu.memory_space<vmem_shared>>)
      } else {
      }
      %add3A_150 = arith.constant 1 : i32
      %add3A_151 = arith.addi %add3A_123, %add3A_150 : i32
      %mul3A_152 = arith.constant 128 : i32
      %mul3A_153 = arith.muli %add3A_151, %mul3A_152 : i32
      %add3A_154 = arith.addi %mul3A_16, %mul3A_153 : i32
      %multiple_of3A_155 = tpu.assume_multiple %add3A_154, 8 : i32
      %dma_start3A_156 = tpu.memref_slice %arg2[%multiple_of3A_155] : memref<800000xi32, #tpu.memory_space<hbm>> -> memref<128xi32, #tpu.memory_space<hbm>>
      %dma_start3A_157 = tpu.memref_slice %arg2[%multiple_of3A_155] : memref<800000xi32, #tpu.memory_space<hbm>> -> memref<128xi32, #tpu.memory_space<hbm>>
      tpu.enqueue_dma source(%dma_start3A_157 : memref<128xi32, #tpu.memory_space<hbm>>) target(%arg11 : memref<128xi32, #tpu.memory_space<vmem>>) target_semaphore(%arg25 : memref<!tpu.dma_semaphore, #tpu.memory_space<semaphore_mem>>)
      %dma_start3A_158 = tpu.memref_slice %arg3[%multiple_of3A_155] : memref<800000xi32, #tpu.memory_space<hbm>> -> memref<128xi32, #tpu.memory_space<hbm>>
      %dma_start3A_159 = tpu.memref_slice %arg3[%multiple_of3A_155] : memref<800000xi32, #tpu.memory_space<hbm>> -> memref<128xi32, #tpu.memory_space<hbm>>
      tpu.enqueue_dma source(%dma_start3A_159 : memref<128xi32, #tpu.memory_space<hbm>>) target(%arg14 : memref<128xi32, #tpu.memory_space<vmem>>) target_semaphore(%arg25 : memref<!tpu.dma_semaphore, #tpu.memory_space<semaphore_mem>>)
      %add3A_160 = arith.constant 2 : i32
      %add3A_161 = arith.addi %add3A_86, %add3A_160 : i32
      %mul3A_162 = arith.constant 128 : i32
      %mul3A_163 = arith.muli %add3A_161, %mul3A_162 : i32
      %add3A_164 = arith.addi %mul3A_16, %mul3A_163 : i32
      %multiple_of3A_165 = tpu.assume_multiple %add3A_164, 8 : i32
      %dma_wait3A_166 = tpu.memref_slice %arg2[%multiple_of3A_165] : memref<800000xi32, #tpu.memory_space<hbm>> -> memref<128xi32, #tpu.memory_space<hbm>>
      %dma_wait3A_167 = tpu.memref_slice %arg2[%multiple_of3A_165] : memref<800000xi32, #tpu.memory_space<hbm>> -> memref<128xi32, #tpu.memory_space<hbm>>
      tpu.wait_dma2 semaphore(%arg25 : memref<!tpu.dma_semaphore, #tpu.memory_space<semaphore_mem>>) src(%dma_wait3A_167 : memref<128xi32, #tpu.memory_space<hbm>>) dst(%arg11 : memref<128xi32, #tpu.memory_space<vmem>>)
      %dma_wait3A_168 = tpu.memref_slice %arg3[%multiple_of3A_165] : memref<800000xi32, #tpu.memory_space<hbm>> -> memref<128xi32, #tpu.memory_space<hbm>>
      %dma_wait3A_169 = tpu.memref_slice %arg3[%multiple_of3A_165] : memref<800000xi32, #tpu.memory_space<hbm>> -> memref<128xi32, #tpu.memory_space<hbm>>
      tpu.wait_dma2 semaphore(%arg25 : memref<!tpu.dma_semaphore, #tpu.memory_space<semaphore_mem>>) src(%dma_wait3A_169 : memref<128xi32, #tpu.memory_space<hbm>>) dst(%arg14 : memref<128xi32, #tpu.memory_space<vmem>>)
      %scan3A_170 = arith.constant 0 : i32
      %scan3A_171 = arith.constant 8 : i32
      %scan3A_172 = arith.addi %scan3A_170, %scan3A_171 : i32
      %scan3A_173 = arith.constant 1 : i32
      scf.for %scan3A_198 = %scan3A_170 to %scan3A_172 step %scan3A_173  : i32 {
        %mul3A_199 = arith.constant 1 : i32
        %mul3A_200 = arith.muli %scan3A_198, %mul3A_199 : i32
        %add3A_201 = arith.constant 0 : i32
        %add3A_202 = arith.addi %add3A_201, %mul3A_200 : i32
        %mul3A_203 = arith.constant 16 : i32
        %mul3A_204 = arith.muli %add3A_202, %mul3A_203 : i32
        %get3A = arith.index_cast %mul3A_204 : i32 to index
        %get3A_205 = tpu.vector_load %arg14[%get3A] {strides = array<i32>} : memref<128xi32, #tpu.memory_space<vmem>>, vector<16xi32>,
        %get3A_206 = vector.shape_cast %get3A_205 : vector<16xi32> to vector<16xi32>
        %sub3A = vector.broadcast %mul3A_0 : i32 to vector<16xi32>
        %sub3A_207 = arith.subi %get3A_206, %sub3A : vector<16xi32>
        %ge3A_208 = arith.constant 0 : i32
        %ge3A_209 = vector.broadcast %ge3A_208 : i32 to vector<16xi32>
        %ge3A_210 = arith.cmpi sge, %sub3A_207, %ge3A_209 : vector<16xi32>
        %lt3A = arith.constant 25000 : i32
        %lt3A_211 = vector.broadcast %lt3A : i32 to vector<16xi32>
        %lt3A_212 = arith.cmpi slt, %sub3A_207, %lt3A_211 : vector<16xi32>
        %and3A = arith.andi %ge3A_210, %lt3A_212 : vector<16xi1>
        %and3A_213 = arith.constant 63 : i32
        %and3A_214 = vector.broadcast %and3A_213 : i32 to vector<16xi32>
        %and3A_215 = arith.andi %get3A_206, %and3A_214 : vector<16xi32>
        %add3A_216 = arith.constant 25088 : i32
        %add3A_217 = vector.broadcast %add3A_216 : i32 to vector<16xi32>
        %add3A_218 = arith.addi %add3A_217, %and3A_215 : vector<16xi32>
        %select_n3A = arith.select %and3A, %sub3A_207, %add3A_218 : vector<16xi1>, vector<16xi32>
        %mul3A_219 = arith.constant 16 : i32
        %mul3A_220 = arith.muli %add3A_202, %mul3A_219 : i32
        %swap3A = arith.index_cast %mul3A_220 : i32 to index
        %swap3A_221 = tpu.vector_load %arg14[%swap3A] {strides = array<i32>} : memref<128xi32, #tpu.memory_space<vmem>>, vector<16xi32>,
        %swap3A_222 = vector.shape_cast %swap3A_221 : vector<16xi32> to vector<16xi32>
        %swap3A_223 = vector.shape_cast %select_n3A : vector<16xi32> to vector<16xi32>
        tpu.vector_store %arg14[%swap3A], %swap3A_223 {strides = array<i32>} : memref<128xi32, #tpu.memory_space<vmem>>, vector<16xi32>,
      }
      %scan3A_174 = arith.constant 8 : i32
      %dma_start3A_175 = arith.constant 0 : i32
      %dma_start3A_176 = arith.constant 0 : i32
      %dma_start3A_177 = tpu.memref_slice %arg4[%dma_start3A_175, %dma_start3A_176] : memref<50000x64xf32, #tpu.memory_space<hbm>> -> memref<50000x64xf32, #tpu.memory_space<hbm>>
      tpu.enqueue_indirect_dma source(%dma_start3A_177 : memref<50000x64xf32, #tpu.memory_space<hbm>>) target(%arg17 : memref<128x64xf32, #tpu.memory_space<vmem>>) offsets(%arg11 : memref<128xi32, #tpu.memory_space<vmem>>) semaphore(%arg28 : memref<!tpu.dma_semaphore, #tpu.memory_space<semaphore_mem>>)
      %ge3A_178 = arith.constant 1 : i32
      %ge3A_179 = arith.cmpi sge, %add3A_161, %ge3A_178 : i32
      %convert_element_type3A_180 = arith.extui %ge3A_179 : i1 to i32
      %cond3A_181 = arith.constant 0 : i32
      %cond3A_182 = arith.cmpi ne, %convert_element_type3A_180, %cond3A_181 : i32
      scf.if %cond3A_182 {
        %dma_wait3A_198 = arith.constant 0 : i32
        %dma_wait3A_199 = arith.constant 0 : i32
        %dma_wait3A_200 = tpu.memref_slice %arg4[%dma_wait3A_198, %dma_wait3A_199] : memref<50000x64xf32, #tpu.memory_space<hbm>> -> memref<50000x64xf32, #tpu.memory_space<hbm>>
        tpu.wait_indirect_dma semaphore(%arg27 : memref<!tpu.dma_semaphore, #tpu.memory_space<semaphore_mem>>) src(%dma_wait3A_200 : memref<50000x64xf32, #tpu.memory_space<hbm>>) dst(%arg16 : memref<128x64xf32, #tpu.memory_space<vmem>>)
        %dma_start3A_201 = arith.constant 0 : i32
        %dma_start3A_202 = arith.constant 0 : i32
        %dma_start3A_203 = tpu.memref_slice %arg21[%dma_start3A_201, %dma_start3A_202] : memref<25152x64xf32, #tpu.memory_space<vmem_shared>> -> memref<25152x64xf32, #tpu.memory_space<vmem_shared>>
        tpu.enqueue_indirect_dma source(%arg16 : memref<128x64xf32, #tpu.memory_space<vmem>>) target(%dma_start3A_203 : memref<25152x64xf32, #tpu.memory_space<vmem_shared>>) offsets(%arg13 : memref<128xi32, #tpu.memory_space<vmem>>) semaphore(%arg30 : memref<!tpu.dma_semaphore, #tpu.memory_space<semaphore_mem>>) {add = true}
        %dma_start3A_204 = arith.constant 0 : i32
        %dma_start3A_205 = tpu.memref_slice %arg22[%dma_start3A_204] : memref<25152xf32, #tpu.memory_space<vmem_shared>> -> memref<25152xf32, #tpu.memory_space<vmem_shared>>
        tpu.enqueue_indirect_dma source(%arg18 : memref<128xf32, #tpu.memory_space<vmem>>) target(%dma_start3A_205 : memref<25152xf32, #tpu.memory_space<vmem_shared>>) offsets(%arg13 : memref<128xi32, #tpu.memory_space<vmem>>) semaphore(%arg33 : memref<!tpu.dma_semaphore, #tpu.memory_space<semaphore_mem>>) {add = true}
      } else {
      }
      %ge3A_183 = arith.constant 2 : i32
      %ge3A_184 = arith.cmpi sge, %add3A_161, %ge3A_183 : i32
      %convert_element_type3A_185 = arith.extui %ge3A_184 : i1 to i32
      %cond3A_186 = arith.constant 0 : i32
      %cond3A_187 = arith.cmpi ne, %convert_element_type3A_185, %cond3A_186 : i32
      scf.if %cond3A_187 {
        %dma_wait3A_198 = arith.constant 0 : i32
        %dma_wait3A_199 = arith.constant 0 : i32
        %dma_wait3A_200 = tpu.memref_slice %arg21[%dma_wait3A_198, %dma_wait3A_199] : memref<25152x64xf32, #tpu.memory_space<vmem_shared>> -> memref<25152x64xf32, #tpu.memory_space<vmem_shared>>
        tpu.wait_indirect_dma semaphore(%arg29 : memref<!tpu.dma_semaphore, #tpu.memory_space<semaphore_mem>>) src(%arg15 : memref<128x64xf32, #tpu.memory_space<vmem>>) dst(%dma_wait3A_200 : memref<25152x64xf32, #tpu.memory_space<vmem_shared>>)
        %dma_wait3A_201 = arith.constant 0 : i32
        %dma_wait3A_202 = tpu.memref_slice %arg22[%dma_wait3A_201] : memref<25152xf32, #tpu.memory_space<vmem_shared>> -> memref<25152xf32, #tpu.memory_space<vmem_shared>>
        tpu.wait_indirect_dma semaphore(%arg32 : memref<!tpu.dma_semaphore, #tpu.memory_space<semaphore_mem>>) src(%arg18 : memref<128xf32, #tpu.memory_space<vmem>>) dst(%dma_wait3A_202 : memref<25152xf32, #tpu.memory_space<vmem_shared>>)
      } else {
      }
      %add3A_188 = arith.constant 1 : i32
      %add3A_189 = arith.addi %add3A_161, %add3A_188 : i32
      %mul3A_190 = arith.constant 128 : i32
      %mul3A_191 = arith.muli %add3A_189, %mul3A_190 : i32
      %add3A_192 = arith.addi %mul3A_16, %mul3A_191 : i32
      %multiple_of3A_193 = tpu.assume_multiple %add3A_192, 8 : i32
      %dma_start3A_194 = tpu.memref_slice %arg2[%multiple_of3A_193] : memref<800000xi32, #tpu.memory_space<hbm>> -> memref<128xi32, #tpu.memory_space<hbm>>
      %dma_start3A_195 = tpu.memref_slice %arg2[%multiple_of3A_193] : memref<800000xi32, #tpu.memory_space<hbm>> -> memref<128xi32, #tpu.memory_space<hbm>>
      tpu.enqueue_dma source(%dma_start3A_195 : memref<128xi32, #tpu.memory_space<hbm>>) target(%arg9 : memref<128xi32, #tpu.memory_space<vmem>>) target_semaphore(%arg23 : memref<!tpu.dma_semaphore, #tpu.memory_space<semaphore_mem>>)
      %dma_start3A_196 = tpu.memref_slice %arg3[%multiple_of3A_193] : memref<800000xi32, #tpu.memory_space<hbm>> -> memref<128xi32, #tpu.memory_space<hbm>>
      %dma_start3A_197 = tpu.memref_slice %arg3[%multiple_of3A_193] : memref<800000xi32, #tpu.memory_space<hbm>> -> memref<128xi32, #tpu.memory_space<hbm>>
      tpu.enqueue_dma source(%dma_start3A_197 : memref<128xi32, #tpu.memory_space<hbm>>) target(%arg12 : memref<128xi32, #tpu.memory_space<vmem>>) target_semaphore(%arg23 : memref<!tpu.dma_semaphore, #tpu.memory_space<semaphore_mem>>)
    }
    %scan3A_25 = arith.constant 130 : i32
    %dma_wait3A = arith.constant 0 : i32
    %dma_wait3A_26 = arith.constant 0 : i32
    %dma_wait3A_27 = tpu.memref_slice %arg4[%dma_wait3A, %dma_wait3A_26] : memref<50000x64xf32, #tpu.memory_space<hbm>> -> memref<50000x64xf32, #tpu.memory_space<hbm>>
    tpu.wait_indirect_dma semaphore(%arg28 : memref<!tpu.dma_semaphore, #tpu.memory_space<semaphore_mem>>) src(%dma_wait3A_27 : memref<50000x64xf32, #tpu.memory_space<hbm>>) dst(%arg17 : memref<128x64xf32, #tpu.memory_space<vmem>>)
    %dma_start3A_28 = arith.constant 0 : i32
    %dma_start3A_29 = arith.constant 0 : i32
    %dma_start3A_30 = tpu.memref_slice %arg21[%dma_start3A_28, %dma_start3A_29] : memref<25152x64xf32, #tpu.memory_space<vmem_shared>> -> memref<25152x64xf32, #tpu.memory_space<vmem_shared>>
    tpu.enqueue_indirect_dma source(%arg17 : memref<128x64xf32, #tpu.memory_space<vmem>>) target(%dma_start3A_30 : memref<25152x64xf32, #tpu.memory_space<vmem_shared>>) offsets(%arg14 : memref<128xi32, #tpu.memory_space<vmem>>) semaphore(%arg31 : memref<!tpu.dma_semaphore, #tpu.memory_space<semaphore_mem>>) {add = true}
    %dma_start3A_31 = arith.constant 0 : i32
    %dma_start3A_32 = tpu.memref_slice %arg22[%dma_start3A_31] : memref<25152xf32, #tpu.memory_space<vmem_shared>> -> memref<25152xf32, #tpu.memory_space<vmem_shared>>
    tpu.enqueue_indirect_dma source(%arg18 : memref<128xf32, #tpu.memory_space<vmem>>) target(%dma_start3A_32 : memref<25152xf32, #tpu.memory_space<vmem_shared>>) offsets(%arg14 : memref<128xi32, #tpu.memory_space<vmem>>) semaphore(%arg34 : memref<!tpu.dma_semaphore, #tpu.memory_space<semaphore_mem>>) {add = true}
    %dma_wait3A_33 = arith.constant 0 : i32
    %dma_wait3A_34 = arith.constant 0 : i32
    %dma_wait3A_35 = tpu.memref_slice %arg21[%dma_wait3A_33, %dma_wait3A_34] : memref<25152x64xf32, #tpu.memory_space<vmem_shared>> -> memref<25152x64xf32, #tpu.memory_space<vmem_shared>>
    tpu.wait_indirect_dma semaphore(%arg30 : memref<!tpu.dma_semaphore, #tpu.memory_space<semaphore_mem>>) src(%arg16 : memref<128x64xf32, #tpu.memory_space<vmem>>) dst(%dma_wait3A_35 : memref<25152x64xf32, #tpu.memory_space<vmem_shared>>)
    %dma_wait3A_36 = arith.constant 0 : i32
    %dma_wait3A_37 = tpu.memref_slice %arg22[%dma_wait3A_36] : memref<25152xf32, #tpu.memory_space<vmem_shared>> -> memref<25152xf32, #tpu.memory_space<vmem_shared>>
    tpu.wait_indirect_dma semaphore(%arg33 : memref<!tpu.dma_semaphore, #tpu.memory_space<semaphore_mem>>) src(%arg18 : memref<128xf32, #tpu.memory_space<vmem>>) dst(%dma_wait3A_37 : memref<25152xf32, #tpu.memory_space<vmem_shared>>)
    %dma_wait3A_38 = arith.constant 0 : i32
    %dma_wait3A_39 = arith.constant 0 : i32
    %dma_wait3A_40 = tpu.memref_slice %arg21[%dma_wait3A_38, %dma_wait3A_39] : memref<25152x64xf32, #tpu.memory_space<vmem_shared>> -> memref<25152x64xf32, #tpu.memory_space<vmem_shared>>
    tpu.wait_indirect_dma semaphore(%arg31 : memref<!tpu.dma_semaphore, #tpu.memory_space<semaphore_mem>>) src(%arg17 : memref<128x64xf32, #tpu.memory_space<vmem>>) dst(%dma_wait3A_40 : memref<25152x64xf32, #tpu.memory_space<vmem_shared>>)
    %dma_wait3A_41 = arith.constant 0 : i32
    %dma_wait3A_42 = tpu.memref_slice %arg22[%dma_wait3A_41] : memref<25152xf32, #tpu.memory_space<vmem_shared>> -> memref<25152xf32, #tpu.memory_space<vmem_shared>>
    tpu.wait_indirect_dma semaphore(%arg34 : memref<!tpu.dma_semaphore, #tpu.memory_space<semaphore_mem>>) src(%arg18 : memref<128xf32, #tpu.memory_space<vmem>>) dst(%dma_wait3A_42 : memref<25152xf32, #tpu.memory_space<vmem_shared>>)
    %add3A_43 = arith.constant 49920 : i32
    %add3A_44 = arith.addi %mul3A_16, %add3A_43 : i32
    %multiple_of3A_45 = tpu.assume_multiple %add3A_44, 8 : i32
    %dma_wait3A_46 = tpu.memref_slice %arg2[%multiple_of3A_45] : memref<800000xi32, #tpu.memory_space<hbm>> -> memref<128xi32, #tpu.memory_space<hbm>>
    %dma_wait3A_47 = tpu.memref_slice %arg2[%multiple_of3A_45] : memref<800000xi32, #tpu.memory_space<hbm>> -> memref<128xi32, #tpu.memory_space<hbm>>
    tpu.wait_dma2 semaphore(%arg23 : memref<!tpu.dma_semaphore, #tpu.memory_space<semaphore_mem>>) src(%dma_wait3A_47 : memref<128xi32, #tpu.memory_space<hbm>>) dst(%arg9 : memref<128xi32, #tpu.memory_space<vmem>>)
    %dma_wait3A_48 = tpu.memref_slice %arg3[%multiple_of3A_45] : memref<800000xi32, #tpu.memory_space<hbm>> -> memref<128xi32, #tpu.memory_space<hbm>>
    %dma_wait3A_49 = tpu.memref_slice %arg3[%multiple_of3A_45] : memref<800000xi32, #tpu.memory_space<hbm>> -> memref<128xi32, #tpu.memory_space<hbm>>
    tpu.wait_dma2 semaphore(%arg23 : memref<!tpu.dma_semaphore, #tpu.memory_space<semaphore_mem>>) src(%dma_wait3A_49 : memref<128xi32, #tpu.memory_space<hbm>>) dst(%arg12 : memref<128xi32, #tpu.memory_space<vmem>>)
    %mul3A_50 = arith.constant 80 : i32
    %mul3A_51 = arith.muli %arg1, %mul3A_50 : i32
    %add3A_52 = arith.constant 798720 : i32
    %add3A_53 = arith.addi %add3A_52, %mul3A_51 : i32
    "tpu.region"() ({
      %run_scoped3A = tpu.sem_alloc : memref<!tpu.dma_semaphore, #tpu.memory_space<semaphore_mem>>
      %dma_start3A_82 = tpu.memref_slice %arg2[%add3A_53] : memref<800000xi32, #tpu.memory_space<hbm>> -> memref<80xi32, #tpu.memory_space<hbm>>
      %dma_start3A_83 = tpu.memref_slice %arg2[%add3A_53] : memref<800000xi32, #tpu.memory_space<hbm>> -> memref<80xi32, #tpu.memory_space<hbm>>
      tpu.enqueue_dma source(%dma_start3A_83 : memref<80xi32, #tpu.memory_space<hbm>>) target(%arg19 : memref<80xi32, #tpu.memory_space<vmem>>) target_semaphore(%run_scoped3A : memref<!tpu.dma_semaphore, #tpu.memory_space<semaphore_mem>>)
      %dma_wait3A_84 = tpu.memref_slice %arg2[%add3A_53] : memref<800000xi32, #tpu.memory_space<hbm>> -> memref<80xi32, #tpu.memory_space<hbm>>
      %dma_wait3A_85 = tpu.memref_slice %arg2[%add3A_53] : memref<800000xi32, #tpu.memory_space<hbm>> -> memref<80xi32, #tpu.memory_space<hbm>>
      tpu.wait_dma2 semaphore(%run_scoped3A : memref<!tpu.dma_semaphore, #tpu.memory_space<semaphore_mem>>) src(%dma_wait3A_85 : memref<80xi32, #tpu.memory_space<hbm>>) dst(%arg19 : memref<80xi32, #tpu.memory_space<vmem>>)
      tpu.yield
    }) : () -> ()
    "tpu.region"() ({
      %run_scoped3A = tpu.sem_alloc : memref<!tpu.dma_semaphore, #tpu.memory_space<semaphore_mem>>
      %dma_start3A_82 = tpu.memref_slice %arg3[%add3A_53] : memref<800000xi32, #tpu.memory_space<hbm>> -> memref<80xi32, #tpu.memory_space<hbm>>
      %dma_start3A_83 = tpu.memref_slice %arg3[%add3A_53] : memref<800000xi32, #tpu.memory_space<hbm>> -> memref<80xi32, #tpu.memory_space<hbm>>
      tpu.enqueue_dma source(%dma_start3A_83 : memref<80xi32, #tpu.memory_space<hbm>>) target(%arg20 : memref<80xi32, #tpu.memory_space<vmem>>) target_semaphore(%run_scoped3A : memref<!tpu.dma_semaphore, #tpu.memory_space<semaphore_mem>>)
      %dma_wait3A_84 = tpu.memref_slice %arg3[%add3A_53] : memref<800000xi32, #tpu.memory_space<hbm>> -> memref<80xi32, #tpu.memory_space<hbm>>
      %dma_wait3A_85 = tpu.memref_slice %arg3[%add3A_53] : memref<800000xi32, #tpu.memory_space<hbm>> -> memref<80xi32, #tpu.memory_space<hbm>>
      tpu.wait_dma2 semaphore(%run_scoped3A : memref<!tpu.dma_semaphore, #tpu.memory_space<semaphore_mem>>) src(%dma_wait3A_85 : memref<80xi32, #tpu.memory_space<hbm>>) dst(%arg20 : memref<80xi32, #tpu.memory_space<vmem>>)
      tpu.yield
    }) : () -> ()
    %dma_start3A_54 = arith.constant 0 : i32
    %dma_start3A_55 = arith.constant 0 : i32
    %dma_start3A_56 = tpu.memref_slice %arg15[%dma_start3A_54, %dma_start3A_55] : memref<128x64xf32, #tpu.memory_space<vmem>> -> memref<80x64xf32, #tpu.memory_space<vmem>>
    %dma_start3A_57 = arith.constant 0 : i32
    %dma_start3A_58 = arith.constant 0 : i32
    %dma_start3A_59 = tpu.memref_slice %arg4[%dma_start3A_57, %dma_start3A_58] : memref<50000x64xf32, #tpu.memory_space<hbm>> -> memref<50000x64xf32, #tpu.memory_space<hbm>>
    tpu.enqueue_indirect_dma source(%dma_start3A_59 : memref<50000x64xf32, #tpu.memory_space<hbm>>) target(%dma_start3A_56 : memref<80x64xf32, #tpu.memory_space<vmem>>) offsets(%arg19 : memref<80xi32, #tpu.memory_space<vmem>>) semaphore(%arg35 : memref<!tpu.dma_semaphore, #tpu.memory_space<semaphore_mem>>)
    %dma_wait3A_60 = arith.constant 0 : i32
    %dma_wait3A_61 = arith.constant 0 : i32
    %dma_wait3A_62 = tpu.memref_slice %arg15[%dma_wait3A_60, %dma_wait3A_61] : memref<128x64xf32, #tpu.memory_space<vmem>> -> memref<80x64xf32, #tpu.memory_space<vmem>>
    %dma_wait3A_63 = arith.constant 0 : i32
    %dma_wait3A_64 = arith.constant 0 : i32
    %dma_wait3A_65 = tpu.memref_slice %arg4[%dma_wait3A_63, %dma_wait3A_64] : memref<50000x64xf32, #tpu.memory_space<hbm>> -> memref<50000x64xf32, #tpu.memory_space<hbm>>
    tpu.wait_indirect_dma semaphore(%arg35 : memref<!tpu.dma_semaphore, #tpu.memory_space<semaphore_mem>>) src(%dma_wait3A_65 : memref<50000x64xf32, #tpu.memory_space<hbm>>) dst(%dma_wait3A_62 : memref<80x64xf32, #tpu.memory_space<vmem>>)
    %scan3A_66 = arith.constant 0 : i32
    %scan3A_67 = arith.constant 5 : i32
    %scan3A_68 = arith.addi %scan3A_66, %scan3A_67 : i32
    %scan3A_69 = arith.constant 1 : i32
    scf.for %scan3A_82 = %scan3A_66 to %scan3A_68 step %scan3A_69  : i32 {
      %mul3A_83 = arith.constant 1 : i32
      %mul3A_84 = arith.muli %scan3A_82, %mul3A_83 : i32
      %add3A_85 = arith.constant 0 : i32
      %add3A_86 = arith.addi %add3A_85, %mul3A_84 : i32
      %mul3A_87 = arith.constant 16 : i32
      %mul3A_88 = arith.muli %add3A_86, %mul3A_87 : i32
      %get3A = arith.index_cast %mul3A_88 : i32 to index
      %get3A_89 = tpu.vector_load %arg20[%get3A] {strides = array<i32>} : memref<80xi32, #tpu.memory_space<vmem>>, vector<16xi32>,
      %get3A_90 = vector.shape_cast %get3A_89 : vector<16xi32> to vector<16xi32>
      %sub3A = vector.broadcast %mul3A_0 : i32 to vector<16xi32>
      %sub3A_91 = arith.subi %get3A_90, %sub3A : vector<16xi32>
      %ge3A = arith.constant 0 : i32
      %ge3A_92 = vector.broadcast %ge3A : i32 to vector<16xi32>
      %ge3A_93 = arith.cmpi sge, %sub3A_91, %ge3A_92 : vector<16xi32>
      %lt3A = arith.constant 25000 : i32
      %lt3A_94 = vector.broadcast %lt3A : i32 to vector<16xi32>
      %lt3A_95 = arith.cmpi slt, %sub3A_91, %lt3A_94 : vector<16xi32>
      %and3A = arith.andi %ge3A_93, %lt3A_95 : vector<16xi1>
      %and3A_96 = arith.constant 63 : i32
      %and3A_97 = vector.broadcast %and3A_96 : i32 to vector<16xi32>
      %and3A_98 = arith.andi %get3A_90, %and3A_97 : vector<16xi32>
      %add3A_99 = arith.constant 25088 : i32
      %add3A_100 = vector.broadcast %add3A_99 : i32 to vector<16xi32>
      %add3A_101 = arith.addi %add3A_100, %and3A_98 : vector<16xi32>
      %select_n3A = arith.select %and3A, %sub3A_91, %add3A_101 : vector<16xi1>, vector<16xi32>
      %mul3A_102 = arith.constant 16 : i32
      %mul3A_103 = arith.muli %add3A_86, %mul3A_102 : i32
      %swap3A = arith.index_cast %mul3A_103 : i32 to index
      %swap3A_104 = tpu.vector_load %arg20[%swap3A] {strides = array<i32>} : memref<80xi32, #tpu.memory_space<vmem>>, vector<16xi32>,
      %swap3A_105 = vector.shape_cast %swap3A_104 : vector<16xi32> to vector<16xi32>
      %swap3A_106 = vector.shape_cast %select_n3A : vector<16xi32> to vector<16xi32>
      tpu.vector_store %arg20[%swap3A], %swap3A_106 {strides = array<i32>} : memref<80xi32, #tpu.memory_space<vmem>>, vector<16xi32>,
    }
    %scan3A_70 = arith.constant 5 : i32
    "tpu.region"() ({
      %run_scoped3A = tpu.sem_alloc : memref<!tpu.dma_semaphore, #tpu.memory_space<semaphore_mem>>
      %dma_start3A_82 = arith.constant 0 : i32
      %dma_start3A_83 = arith.constant 0 : i32
      %dma_start3A_84 = tpu.memref_slice %arg15[%dma_start3A_82, %dma_start3A_83] : memref<128x64xf32, #tpu.memory_space<vmem>> -> memref<80x64xf32, #tpu.memory_space<vmem>>
      %dma_start3A_85 = arith.constant 0 : i32
      %dma_start3A_86 = arith.constant 0 : i32
      %dma_start3A_87 = tpu.memref_slice %arg21[%dma_start3A_85, %dma_start3A_86] : memref<25152x64xf32, #tpu.memory_space<vmem_shared>> -> memref<25152x64xf32, #tpu.memory_space<vmem_shared>>
      tpu.enqueue_indirect_dma source(%dma_start3A_84 : memref<80x64xf32, #tpu.memory_space<vmem>>) target(%dma_start3A_87 : memref<25152x64xf32, #tpu.memory_space<vmem_shared>>) offsets(%arg20 : memref<80xi32, #tpu.memory_space<vmem>>) semaphore(%run_scoped3A : memref<!tpu.dma_semaphore, #tpu.memory_space<semaphore_mem>>) {add = true}
      %dma_wait3A_88 = arith.constant 0 : i32
      %dma_wait3A_89 = arith.constant 0 : i32
      %dma_wait3A_90 = tpu.memref_slice %arg15[%dma_wait3A_88, %dma_wait3A_89] : memref<128x64xf32, #tpu.memory_space<vmem>> -> memref<80x64xf32, #tpu.memory_space<vmem>>
      %dma_wait3A_91 = arith.constant 0 : i32
      %dma_wait3A_92 = arith.constant 0 : i32
      %dma_wait3A_93 = tpu.memref_slice %arg21[%dma_wait3A_91, %dma_wait3A_92] : memref<25152x64xf32, #tpu.memory_space<vmem_shared>> -> memref<25152x64xf32, #tpu.memory_space<vmem_shared>>
      tpu.wait_indirect_dma semaphore(%run_scoped3A : memref<!tpu.dma_semaphore, #tpu.memory_space<semaphore_mem>>) src(%dma_wait3A_90 : memref<80x64xf32, #tpu.memory_space<vmem>>) dst(%dma_wait3A_93 : memref<25152x64xf32, #tpu.memory_space<vmem_shared>>)
      tpu.yield
    }) : () -> ()
    "tpu.region"() ({
      %run_scoped3A = tpu.sem_alloc : memref<!tpu.dma_semaphore, #tpu.memory_space<semaphore_mem>>
      %dma_start3A_82 = arith.constant 0 : i32
      %dma_start3A_83 = tpu.memref_slice %arg18[%dma_start3A_82] : memref<128xf32, #tpu.memory_space<vmem>> -> memref<80xf32, #tpu.memory_space<vmem>>
      %dma_start3A_84 = arith.constant 0 : i32
      %dma_start3A_85 = tpu.memref_slice %arg22[%dma_start3A_84] : memref<25152xf32, #tpu.memory_space<vmem_shared>> -> memref<25152xf32, #tpu.memory_space<vmem_shared>>
      tpu.enqueue_indirect_dma source(%dma_start3A_83 : memref<80xf32, #tpu.memory_space<vmem>>) target(%dma_start3A_85 : memref<25152xf32, #tpu.memory_space<vmem_shared>>) offsets(%arg20 : memref<80xi32, #tpu.memory_space<vmem>>) semaphore(%run_scoped3A : memref<!tpu.dma_semaphore, #tpu.memory_space<semaphore_mem>>) {add = true}
      %dma_wait3A_86 = arith.constant 0 : i32
      %dma_wait3A_87 = tpu.memref_slice %arg18[%dma_wait3A_86] : memref<128xf32, #tpu.memory_space<vmem>> -> memref<80xf32, #tpu.memory_space<vmem>>
      %dma_wait3A_88 = arith.constant 0 : i32
      %dma_wait3A_89 = tpu.memref_slice %arg22[%dma_wait3A_88] : memref<25152xf32, #tpu.memory_space<vmem_shared>> -> memref<25152xf32, #tpu.memory_space<vmem_shared>>
      tpu.wait_indirect_dma semaphore(%run_scoped3A : memref<!tpu.dma_semaphore, #tpu.memory_space<semaphore_mem>>) src(%dma_wait3A_87 : memref<80xf32, #tpu.memory_space<vmem>>) dst(%dma_wait3A_89 : memref<25152xf32, #tpu.memory_space<vmem_shared>>)
      tpu.yield
    }) : () -> ()
    %barrier3A_71 = arith.constant 0 : index
    tpu.barrier barrier_id(%barrier3A_71)
    %scan3A_72 = arith.constant 0 : i32
    %scan3A_73 = arith.constant 14 : i32
    %scan3A_74 = arith.addi %scan3A_72, %scan3A_73 : i32
    %scan3A_75 = arith.constant 1 : i32
    scf.for %scan3A_82 = %scan3A_72 to %scan3A_74 step %scan3A_75  : i32 {
      %mul3A_83 = arith.constant 1 : i32
      %mul3A_84 = arith.muli %scan3A_82, %mul3A_83 : i32
      %add3A_85 = arith.constant 0 : i32
      %add3A_86 = arith.addi %add3A_85, %mul3A_84 : i32
      %mul3A_87 = arith.constant 1568 : i32
      %mul3A_88 = arith.muli %arg1, %mul3A_87 : i32
      %mul3A_89 = arith.constant 112 : i32
      %mul3A_90 = arith.muli %add3A_86, %mul3A_89 : i32
      %add3A_91 = arith.addi %mul3A_88, %mul3A_90 : i32
      "tpu.region"() ({
        %run_scoped3A = tpu.sem_alloc : memref<!tpu.dma_semaphore, #tpu.memory_space<semaphore_mem>>
        %dma_start3A_92 = arith.constant 0 : i32
        %dma_start3A_93 = arith.constant 0 : i32
        %dma_start3A_94 = tpu.memref_slice %arg15[%dma_start3A_92, %dma_start3A_93] : memref<128x64xf32, #tpu.memory_space<vmem>> -> memref<112x64xf32, #tpu.memory_space<vmem>>
        %dma_start3A_95 = arith.constant 0 : i32
        %dma_start3A_96 = tpu.memref_slice %arg21[%add3A_91, %dma_start3A_95] : memref<25152x64xf32, #tpu.memory_space<vmem_shared>> -> memref<112x64xf32, #tpu.memory_space<vmem_shared>>
        %dma_start3A_97 = arith.constant 0 : i32
        %dma_start3A_98 = arith.constant 0 : i32
        %dma_start3A_99 = tpu.memref_slice %arg15[%dma_start3A_97, %dma_start3A_98] : memref<128x64xf32, #tpu.memory_space<vmem>> -> memref<112x64xf32, #tpu.memory_space<vmem>>
        %dma_start3A_100 = arith.constant 0 : i32
        %dma_start3A_101 = tpu.memref_slice %arg21[%add3A_91, %dma_start3A_100] : memref<25152x64xf32, #tpu.memory_space<vmem_shared>> -> memref<112x64xf32, #tpu.memory_space<vmem_shared>>
        tpu.enqueue_dma source(%dma_start3A_101 : memref<112x64xf32, #tpu.memory_space<vmem_shared>>) target(%dma_start3A_99 : memref<112x64xf32, #tpu.memory_space<vmem>>) target_semaphore(%run_scoped3A : memref<!tpu.dma_semaphore, #tpu.memory_space<semaphore_mem>>)
        %dma_wait3A_102 = arith.constant 0 : i32
        %dma_wait3A_103 = arith.constant 0 : i32
        %dma_wait3A_104 = tpu.memref_slice %arg15[%dma_wait3A_102, %dma_wait3A_103] : memref<128x64xf32, #tpu.memory_space<vmem>> -> memref<112x64xf32, #tpu.memory_space<vmem>>
        %dma_wait3A_105 = arith.constant 0 : i32
        %dma_wait3A_106 = tpu.memref_slice %arg21[%add3A_91, %dma_wait3A_105] : memref<25152x64xf32, #tpu.memory_space<vmem_shared>> -> memref<112x64xf32, #tpu.memory_space<vmem_shared>>
        %dma_wait3A_107 = arith.constant 0 : i32
        %dma_wait3A_108 = arith.constant 0 : i32
        %dma_wait3A_109 = tpu.memref_slice %arg15[%dma_wait3A_107, %dma_wait3A_108] : memref<128x64xf32, #tpu.memory_space<vmem>> -> memref<112x64xf32, #tpu.memory_space<vmem>>
        %dma_wait3A_110 = arith.constant 0 : i32
        %dma_wait3A_111 = tpu.memref_slice %arg21[%add3A_91, %dma_wait3A_110] : memref<25152x64xf32, #tpu.memory_space<vmem_shared>> -> memref<112x64xf32, #tpu.memory_space<vmem_shared>>
        tpu.wait_dma2 semaphore(%run_scoped3A : memref<!tpu.dma_semaphore, #tpu.memory_space<semaphore_mem>>) src(%dma_wait3A_111 : memref<112x64xf32, #tpu.memory_space<vmem_shared>>) dst(%dma_wait3A_109 : memref<112x64xf32, #tpu.memory_space<vmem>>)
        tpu.yield
      }) : () -> ()
      "tpu.region"() ({
        %run_scoped3A = tpu.sem_alloc : memref<!tpu.dma_semaphore, #tpu.memory_space<semaphore_mem>>
        %dma_start3A_92 = arith.constant 0 : i32
        %dma_start3A_93 = arith.constant 0 : i32
        %dma_start3A_94 = tpu.memref_slice %arg15[%dma_start3A_92, %dma_start3A_93] : memref<128x64xf32, #tpu.memory_space<vmem>> -> memref<112x64xf32, #tpu.memory_space<vmem>>
        %dma_start3A_95 = arith.constant 0 : i32
        %dma_start3A_96 = tpu.memref_slice %arg7[%arg0, %add3A_91, %dma_start3A_95] : memref<2x25088x64xf32, #tpu.memory_space<hbm>> -> memref<1x112x64xf32, #tpu.memory_space<hbm>>
        %dma_start3A_97 = tpu.memref_squeeze %dma_start3A_96 : memref<1x112x64xf32, #tpu.memory_space<hbm>> -> memref<112x64xf32, #tpu.memory_space<hbm>>
        %dma_start3A_98 = arith.constant 0 : i32
        %dma_start3A_99 = tpu.memref_slice %arg7[%arg0, %add3A_91, %dma_start3A_98] : memref<2x25088x64xf32, #tpu.memory_space<hbm>> -> memref<1x112x64xf32, #tpu.memory_space<hbm>>
        %dma_start3A_100 = tpu.memref_squeeze %dma_start3A_99 : memref<1x112x64xf32, #tpu.memory_space<hbm>> -> memref<112x64xf32, #tpu.memory_space<hbm>>
        %dma_start3A_101 = arith.constant 0 : i32
        %dma_start3A_102 = arith.constant 0 : i32
        %dma_start3A_103 = tpu.memref_slice %arg15[%dma_start3A_101, %dma_start3A_102] : memref<128x64xf32, #tpu.memory_space<vmem>> -> memref<112x64xf32, #tpu.memory_space<vmem>>
        tpu.enqueue_dma source(%dma_start3A_103 : memref<112x64xf32, #tpu.memory_space<vmem>>) target(%dma_start3A_100 : memref<112x64xf32, #tpu.memory_space<hbm>>) target_semaphore(%run_scoped3A : memref<!tpu.dma_semaphore, #tpu.memory_space<semaphore_mem>>)
        %dma_wait3A_104 = arith.constant 0 : i32
        %dma_wait3A_105 = arith.constant 0 : i32
        %dma_wait3A_106 = tpu.memref_slice %arg15[%dma_wait3A_104, %dma_wait3A_105] : memref<128x64xf32, #tpu.memory_space<vmem>> -> memref<112x64xf32, #tpu.memory_space<vmem>>
        %dma_wait3A_107 = arith.constant 0 : i32
        %dma_wait3A_108 = tpu.memref_slice %arg7[%arg0, %add3A_91, %dma_wait3A_107] : memref<2x25088x64xf32, #tpu.memory_space<hbm>> -> memref<1x112x64xf32, #tpu.memory_space<hbm>>
        %dma_wait3A_109 = tpu.memref_squeeze %dma_wait3A_108 : memref<1x112x64xf32, #tpu.memory_space<hbm>> -> memref<112x64xf32, #tpu.memory_space<hbm>>
        %dma_wait3A_110 = arith.constant 0 : i32
        %dma_wait3A_111 = tpu.memref_slice %arg7[%arg0, %add3A_91, %dma_wait3A_110] : memref<2x25088x64xf32, #tpu.memory_space<hbm>> -> memref<1x112x64xf32, #tpu.memory_space<hbm>>
        %dma_wait3A_112 = tpu.memref_squeeze %dma_wait3A_111 : memref<1x112x64xf32, #tpu.memory_space<hbm>> -> memref<112x64xf32, #tpu.memory_space<hbm>>
        %dma_wait3A_113 = arith.constant 0 : i32
        %dma_wait3A_114 = arith.constant 0 : i32
        %dma_wait3A_115 = tpu.memref_slice %arg15[%dma_wait3A_113, %dma_wait3A_114] : memref<128x64xf32, #tpu.memory_space<vmem>> -> memref<112x64xf32, #tpu.memory_space<vmem>>
        tpu.wait_dma2 semaphore(%run_scoped3A : memref<!tpu.dma_semaphore, #tpu.memory_space<semaphore_mem>>) src(%dma_wait3A_115 : memref<112x64xf32, #tpu.memory_space<vmem>>) dst(%dma_wait3A_112 : memref<112x64xf32, #tpu.memory_space<hbm>>)
        tpu.yield
      }) : () -> ()
    }
    %scan3A_76 = arith.constant 14 : i32
    %scan3A_77 = arith.constant 0 : i32
    %scan3A_78 = arith.constant 14 : i32
    %scan3A_79 = arith.addi %scan3A_77, %scan3A_78 : i32
    %scan3A_80 = arith.constant 1 : i32
    scf.for %scan3A_82 = %scan3A_77 to %scan3A_79 step %scan3A_80  : i32 {
      %mul3A_83 = arith.constant 1 : i32
      %mul3A_84 = arith.muli %scan3A_82, %mul3A_83 : i32
      %add3A_85 = arith.constant 0 : i32
      %add3A_86 = arith.addi %add3A_85, %mul3A_84 : i32
      %mul3A_87 = arith.constant 1568 : i32
      %mul3A_88 = arith.muli %arg1, %mul3A_87 : i32
      %mul3A_89 = arith.constant 112 : i32
      %mul3A_90 = arith.muli %add3A_86, %mul3A_89 : i32
      %add3A_91 = arith.addi %mul3A_88, %mul3A_90 : i32
      "tpu.region"() ({
        %run_scoped3A = tpu.sem_alloc : memref<!tpu.dma_semaphore, #tpu.memory_space<semaphore_mem>>
        %dma_start3A_95 = arith.constant 0 : i32
        %dma_start3A_96 = tpu.memref_slice %arg18[%dma_start3A_95] : memref<128xf32, #tpu.memory_space<vmem>> -> memref<112xf32, #tpu.memory_space<vmem>>
        %dma_start3A_97 = tpu.memref_slice %arg22[%add3A_91] : memref<25152xf32, #tpu.memory_space<vmem_shared>> -> memref<112xf32, #tpu.memory_space<vmem_shared>>
        %dma_start3A_98 = arith.constant 0 : i32
        %dma_start3A_99 = tpu.memref_slice %arg18[%dma_start3A_98] : memref<128xf32, #tpu.memory_space<vmem>> -> memref<112xf32, #tpu.memory_space<vmem>>
        %dma_start3A_100 = tpu.memref_slice %arg22[%add3A_91] : memref<25152xf32, #tpu.memory_space<vmem_shared>> -> memref<112xf32, #tpu.memory_space<vmem_shared>>
        tpu.enqueue_dma source(%dma_start3A_100 : memref<112xf32, #tpu.memory_space<vmem_shared>>) target(%dma_start3A_99 : memref<112xf32, #tpu.memory_space<vmem>>) target_semaphore(%run_scoped3A : memref<!tpu.dma_semaphore, #tpu.memory_space<semaphore_mem>>)
        %dma_wait3A_101 = arith.constant 0 : i32
        %dma_wait3A_102 = tpu.memref_slice %arg18[%dma_wait3A_101] : memref<128xf32, #tpu.memory_space<vmem>> -> memref<112xf32, #tpu.memory_space<vmem>>
        %dma_wait3A_103 = tpu.memref_slice %arg22[%add3A_91] : memref<25152xf32, #tpu.memory_space<vmem_shared>> -> memref<112xf32, #tpu.memory_space<vmem_shared>>
        %dma_wait3A_104 = arith.constant 0 : i32
        %dma_wait3A_105 = tpu.memref_slice %arg18[%dma_wait3A_104] : memref<128xf32, #tpu.memory_space<vmem>> -> memref<112xf32, #tpu.memory_space<vmem>>
        %dma_wait3A_106 = tpu.memref_slice %arg22[%add3A_91] : memref<25152xf32, #tpu.memory_space<vmem_shared>> -> memref<112xf32, #tpu.memory_space<vmem_shared>>
        tpu.wait_dma2 semaphore(%run_scoped3A : memref<!tpu.dma_semaphore, #tpu.memory_space<semaphore_mem>>) src(%dma_wait3A_106 : memref<112xf32, #tpu.memory_space<vmem_shared>>) dst(%dma_wait3A_105 : memref<112xf32, #tpu.memory_space<vmem>>)
        tpu.yield
      }) : () -> ()
      %mul3A_92 = arith.constant 25088 : i32
      %mul3A_93 = arith.muli %arg0, %mul3A_92 : i32
      %add3A_94 = arith.addi %mul3A_93, %add3A_91 : i32
      "tpu.region"() ({
        %run_scoped3A = tpu.sem_alloc : memref<!tpu.dma_semaphore, #tpu.memory_space<semaphore_mem>>
        %dma_start3A_95 = arith.constant 0 : i32
        %dma_start3A_96 = tpu.memref_slice %arg18[%dma_start3A_95] : memref<128xf32, #tpu.memory_space<vmem>> -> memref<112xf32, #tpu.memory_space<vmem>>
        %dma_start3A_97 = tpu.memref_slice %arg8[%add3A_94] : memref<50176xf32, #tpu.memory_space<hbm>> -> memref<112xf32, #tpu.memory_space<hbm>>
        %dma_start3A_98 = tpu.memref_slice %arg8[%add3A_94] : memref<50176xf32, #tpu.memory_space<hbm>> -> memref<112xf32, #tpu.memory_space<hbm>>
        %dma_start3A_99 = arith.constant 0 : i32
        %dma_start3A_100 = tpu.memref_slice %arg18[%dma_start3A_99] : memref<128xf32, #tpu.memory_space<vmem>> -> memref<112xf32, #tpu.memory_space<vmem>>
        tpu.enqueue_dma source(%dma_start3A_100 : memref<112xf32, #tpu.memory_space<vmem>>) target(%dma_start3A_98 : memref<112xf32, #tpu.memory_space<hbm>>) target_semaphore(%run_scoped3A : memref<!tpu.dma_semaphore, #tpu.memory_space<semaphore_mem>>)
        %dma_wait3A_101 = arith.constant 0 : i32
        %dma_wait3A_102 = tpu.memref_slice %arg18[%dma_wait3A_101] : memref<128xf32, #tpu.memory_space<vmem>> -> memref<112xf32, #tpu.memory_space<vmem>>
        %dma_wait3A_103 = tpu.memref_slice %arg8[%add3A_94] : memref<50176xf32, #tpu.memory_space<hbm>> -> memref<112xf32, #tpu.memory_space<hbm>>
        %dma_wait3A_104 = tpu.memref_slice %arg8[%add3A_94] : memref<50176xf32, #tpu.memory_space<hbm>> -> memref<112xf32, #tpu.memory_space<hbm>>
        %dma_wait3A_105 = arith.constant 0 : i32
        %dma_wait3A_106 = tpu.memref_slice %arg18[%dma_wait3A_105] : memref<128xf32, #tpu.memory_space<vmem>> -> memref<112xf32, #tpu.memory_space<vmem>>
        tpu.wait_dma2 semaphore(%run_scoped3A : memref<!tpu.dma_semaphore, #tpu.memory_space<semaphore_mem>>) src(%dma_wait3A_106 : memref<112xf32, #tpu.memory_space<vmem>>) dst(%dma_wait3A_104 : memref<112xf32, #tpu.memory_space<hbm>>)
        tpu.yield
      }) : () -> ()
    }
    %scan3A_81 = arith.constant 14 : i32
    return
  }
}

#map = affine_map<(d0, d1) -> (0)>
#map1 = affine_map<(d0, d1) -> (0, 0)>
#map2 = affine_map<(d0, d1) -> (0, 0, 0)>
module attributes {stable_mosaic.version = 14 : i64} {
  func.func @sc_segsum(%arg0: i32, %arg1: i32, %arg2: memref<800000xi32, #tpu.memory_space<hbm>>, %arg3: memref<800000xi32, #tpu.memory_space<hbm>>, %arg4: memref<50000x64xf32, #tpu.memory_space<hbm>>, %arg5: memref<112x64xf32, #tpu.memory_space<hbm>>, %arg6: memref<2x25088x64xf32, #tpu.memory_space<hbm>>, %arg7: memref<128xi32, #tpu.memory_space<vmem>>, %arg8: memref<128xi32, #tpu.memory_space<vmem>>, %arg9: memref<128xi32, #tpu.memory_space<vmem>>, %arg10: memref<128xi32, #tpu.memory_space<vmem>>, %arg11: memref<128xi32, #tpu.memory_space<vmem>>, %arg12: memref<128xi32, #tpu.memory_space<vmem>>, %arg13: memref<128x64xf32, #tpu.memory_space<vmem>>, %arg14: memref<128x64xf32, #tpu.memory_space<vmem>>, %arg15: memref<128x64xf32, #tpu.memory_space<vmem>>, %arg16: memref<80xi32, #tpu.memory_space<vmem>>, %arg17: memref<80xi32, #tpu.memory_space<vmem>>, %arg18: memref<25152x64xf32, #tpu.memory_space<vmem_shared>>, %arg19: memref<!tpu.dma_semaphore, #tpu.memory_space<semaphore_mem>>, %arg20: memref<!tpu.dma_semaphore, #tpu.memory_space<semaphore_mem>>, %arg21: memref<!tpu.dma_semaphore, #tpu.memory_space<semaphore_mem>>, %arg22: memref<!tpu.dma_semaphore, #tpu.memory_space<semaphore_mem>>, %arg23: memref<!tpu.dma_semaphore, #tpu.memory_space<semaphore_mem>>, %arg24: memref<!tpu.dma_semaphore, #tpu.memory_space<semaphore_mem>>, %arg25: memref<!tpu.dma_semaphore, #tpu.memory_space<semaphore_mem>>, %arg26: memref<!tpu.dma_semaphore, #tpu.memory_space<semaphore_mem>>, %arg27: memref<!tpu.dma_semaphore, #tpu.memory_space<semaphore_mem>>, %arg28: memref<!tpu.dma_semaphore, #tpu.memory_space<semaphore_mem>>) attributes {dimension_semantics = [#tpu.dimension_semantics<core_parallel>, #tpu.dimension_semantics<subcore_parallel>], iteration_bounds = array<i64: 2, 16>, scalar_prefetch = 0 : i64, scratch_operands = 22 : i64, tpu.core_type = #tpu.core_type<sc_vector_subcore>, window_params = [{transform_indices = #map}, {transform_indices = #map}, {transform_indices = #map1}, {transform_indices = #map1}, {transform_indices = #map2}]} {
    %mul3A = arith.constant 25000 : i32
    %mul3A_0 = arith.muli %arg0, %mul3A : i32
    "tpu.region"() ({
      %run_scoped3A = tpu.sem_alloc : memref<!tpu.dma_semaphore, #tpu.memory_space<semaphore_mem>>
      %dma_start3A_61 = arith.constant 0 : i32
      %dma_start3A_62 = arith.constant 0 : i32
      %dma_start3A_63 = tpu.memref_slice %arg13[%dma_start3A_61, %dma_start3A_62] : memref<128x64xf32, #tpu.memory_space<vmem>> -> memref<112x64xf32, #tpu.memory_space<vmem>>
      %dma_start3A_64 = arith.constant 0 : i32
      %dma_start3A_65 = arith.constant 0 : i32
      %dma_start3A_66 = tpu.memref_slice %arg13[%dma_start3A_64, %dma_start3A_65] : memref<128x64xf32, #tpu.memory_space<vmem>> -> memref<112x64xf32, #tpu.memory_space<vmem>>
      tpu.enqueue_dma source(%arg5 : memref<112x64xf32, #tpu.memory_space<hbm>>) target(%dma_start3A_66 : memref<112x64xf32, #tpu.memory_space<vmem>>) target_semaphore(%run_scoped3A : memref<!tpu.dma_semaphore, #tpu.memory_space<semaphore_mem>>)
      %dma_wait3A_67 = arith.constant 0 : i32
      %dma_wait3A_68 = arith.constant 0 : i32
      %dma_wait3A_69 = tpu.memref_slice %arg13[%dma_wait3A_67, %dma_wait3A_68] : memref<128x64xf32, #tpu.memory_space<vmem>> -> memref<112x64xf32, #tpu.memory_space<vmem>>
      %dma_wait3A_70 = arith.constant 0 : i32
      %dma_wait3A_71 = arith.constant 0 : i32
      %dma_wait3A_72 = tpu.memref_slice %arg13[%dma_wait3A_70, %dma_wait3A_71] : memref<128x64xf32, #tpu.memory_space<vmem>> -> memref<112x64xf32, #tpu.memory_space<vmem>>
      tpu.wait_dma2 semaphore(%run_scoped3A : memref<!tpu.dma_semaphore, #tpu.memory_space<semaphore_mem>>) src(%arg5 : memref<112x64xf32, #tpu.memory_space<hbm>>) dst(%dma_wait3A_72 : memref<112x64xf32, #tpu.memory_space<vmem>>)
      tpu.yield
    }) : () -> ()
    %scan3A = arith.constant 0 : i32
    %scan3A_1 = arith.constant 14 : i32
    %scan3A_2 = arith.addi %scan3A, %scan3A_1 : i32
    %scan3A_3 = arith.constant 1 : i32
    scf.for %scan3A_61 = %scan3A to %scan3A_2 step %scan3A_3  : i32 {
      %mul3A_62 = arith.constant 1 : i32
      %mul3A_63 = arith.muli %scan3A_61, %mul3A_62 : i32
      %add3A_64 = arith.constant 0 : i32
      %add3A_65 = arith.addi %add3A_64, %mul3A_63 : i32
      %mul3A_66 = arith.constant 1568 : i32
      %mul3A_67 = arith.muli %arg1, %mul3A_66 : i32
      %mul3A_68 = arith.constant 112 : i32
      %mul3A_69 = arith.muli %add3A_65, %mul3A_68 : i32
      %add3A_70 = arith.addi %mul3A_67, %mul3A_69 : i32
      "tpu.region"() ({
        %run_scoped3A = tpu.sem_alloc : memref<!tpu.dma_semaphore, #tpu.memory_space<semaphore_mem>>
        %dma_start3A_71 = arith.constant 0 : i32
        %dma_start3A_72 = arith.constant 0 : i32
        %dma_start3A_73 = tpu.memref_slice %arg13[%dma_start3A_71, %dma_start3A_72] : memref<128x64xf32, #tpu.memory_space<vmem>> -> memref<112x64xf32, #tpu.memory_space<vmem>>
        %dma_start3A_74 = arith.constant 0 : i32
        %dma_start3A_75 = tpu.memref_slice %arg18[%add3A_70, %dma_start3A_74] : memref<25152x64xf32, #tpu.memory_space<vmem_shared>> -> memref<112x64xf32, #tpu.memory_space<vmem_shared>>
        %dma_start3A_76 = arith.constant 0 : i32
        %dma_start3A_77 = tpu.memref_slice %arg18[%add3A_70, %dma_start3A_76] : memref<25152x64xf32, #tpu.memory_space<vmem_shared>> -> memref<112x64xf32, #tpu.memory_space<vmem_shared>>
        %dma_start3A_78 = arith.constant 0 : i32
        %dma_start3A_79 = arith.constant 0 : i32
        %dma_start3A_80 = tpu.memref_slice %arg13[%dma_start3A_78, %dma_start3A_79] : memref<128x64xf32, #tpu.memory_space<vmem>> -> memref<112x64xf32, #tpu.memory_space<vmem>>
        tpu.enqueue_dma source(%dma_start3A_80 : memref<112x64xf32, #tpu.memory_space<vmem>>) target(%dma_start3A_77 : memref<112x64xf32, #tpu.memory_space<vmem_shared>>) target_semaphore(%run_scoped3A : memref<!tpu.dma_semaphore, #tpu.memory_space<semaphore_mem>>)
        %dma_wait3A_81 = arith.constant 0 : i32
        %dma_wait3A_82 = arith.constant 0 : i32
        %dma_wait3A_83 = tpu.memref_slice %arg13[%dma_wait3A_81, %dma_wait3A_82] : memref<128x64xf32, #tpu.memory_space<vmem>> -> memref<112x64xf32, #tpu.memory_space<vmem>>
        %dma_wait3A_84 = arith.constant 0 : i32
        %dma_wait3A_85 = tpu.memref_slice %arg18[%add3A_70, %dma_wait3A_84] : memref<25152x64xf32, #tpu.memory_space<vmem_shared>> -> memref<112x64xf32, #tpu.memory_space<vmem_shared>>
        %dma_wait3A_86 = arith.constant 0 : i32
        %dma_wait3A_87 = tpu.memref_slice %arg18[%add3A_70, %dma_wait3A_86] : memref<25152x64xf32, #tpu.memory_space<vmem_shared>> -> memref<112x64xf32, #tpu.memory_space<vmem_shared>>
        %dma_wait3A_88 = arith.constant 0 : i32
        %dma_wait3A_89 = arith.constant 0 : i32
        %dma_wait3A_90 = tpu.memref_slice %arg13[%dma_wait3A_88, %dma_wait3A_89] : memref<128x64xf32, #tpu.memory_space<vmem>> -> memref<112x64xf32, #tpu.memory_space<vmem>>
        tpu.wait_dma2 semaphore(%run_scoped3A : memref<!tpu.dma_semaphore, #tpu.memory_space<semaphore_mem>>) src(%dma_wait3A_90 : memref<112x64xf32, #tpu.memory_space<vmem>>) dst(%dma_wait3A_87 : memref<112x64xf32, #tpu.memory_space<vmem_shared>>)
        tpu.yield
      }) : () -> ()
    }
    %scan3A_4 = arith.constant 14 : i32
    %barrier3A = arith.constant 0 : index
    tpu.barrier barrier_id(%barrier3A)
    %mul3A_5 = arith.constant 49920 : i32
    %mul3A_6 = arith.muli %arg1, %mul3A_5 : i32
    %add3A = arith.constant 0 : i32
    %add3A_7 = arith.addi %mul3A_6, %add3A : i32
    %multiple_of3A = tpu.assume_multiple %add3A_7, 8 : i32
    %dma_start3A = tpu.memref_slice %arg2[%multiple_of3A] : memref<800000xi32, #tpu.memory_space<hbm>> -> memref<128xi32, #tpu.memory_space<hbm>>
    %dma_start3A_8 = tpu.memref_slice %arg2[%multiple_of3A] : memref<800000xi32, #tpu.memory_space<hbm>> -> memref<128xi32, #tpu.memory_space<hbm>>
    tpu.enqueue_dma source(%dma_start3A_8 : memref<128xi32, #tpu.memory_space<hbm>>) target(%arg7 : memref<128xi32, #tpu.memory_space<vmem>>) target_semaphore(%arg19 : memref<!tpu.dma_semaphore, #tpu.memory_space<semaphore_mem>>)
    %dma_start3A_9 = tpu.memref_slice %arg3[%multiple_of3A] : memref<800000xi32, #tpu.memory_space<hbm>> -> memref<128xi32, #tpu.memory_space<hbm>>
    %dma_start3A_10 = tpu.memref_slice %arg3[%multiple_of3A] : memref<800000xi32, #tpu.memory_space<hbm>> -> memref<128xi32, #tpu.memory_space<hbm>>
    tpu.enqueue_dma source(%dma_start3A_10 : memref<128xi32, #tpu.memory_space<hbm>>) target(%arg10 : memref<128xi32, #tpu.memory_space<vmem>>) target_semaphore(%arg19 : memref<!tpu.dma_semaphore, #tpu.memory_space<semaphore_mem>>)
    %scan3A_11 = arith.constant 0 : i32
    %scan3A_12 = arith.constant 130 : i32
    %scan3A_13 = arith.addi %scan3A_11, %scan3A_12 : i32
    %scan3A_14 = arith.constant 1 : i32
    scf.for %scan3A_61 = %scan3A_11 to %scan3A_13 step %scan3A_14  : i32 {
      %mul3A_62 = arith.constant 3 : i32
      %mul3A_63 = arith.muli %scan3A_61, %mul3A_62 : i32
      %add3A_64 = arith.constant 0 : i32
      %add3A_65 = arith.addi %add3A_64, %mul3A_63 : i32
      %add3A_66 = arith.constant 0 : i32
      %add3A_67 = arith.addi %add3A_65, %add3A_66 : i32
      %mul3A_68 = arith.constant 128 : i32
      %mul3A_69 = arith.muli %add3A_67, %mul3A_68 : i32
      %add3A_70 = arith.addi %mul3A_6, %mul3A_69 : i32
      %multiple_of3A_71 = tpu.assume_multiple %add3A_70, 8 : i32
      %dma_wait3A_72 = tpu.memref_slice %arg2[%multiple_of3A_71] : memref<800000xi32, #tpu.memory_space<hbm>> -> memref<128xi32, #tpu.memory_space<hbm>>
      %dma_wait3A_73 = tpu.memref_slice %arg2[%multiple_of3A_71] : memref<800000xi32, #tpu.memory_space<hbm>> -> memref<128xi32, #tpu.memory_space<hbm>>
      tpu.wait_dma2 semaphore(%arg19 : memref<!tpu.dma_semaphore, #tpu.memory_space<semaphore_mem>>) src(%dma_wait3A_73 : memref<128xi32, #tpu.memory_space<hbm>>) dst(%arg7 : memref<128xi32, #tpu.memory_space<vmem>>)
      %dma_wait3A_74 = tpu.memref_slice %arg3[%multiple_of3A_71] : memref<800000xi32, #tpu.memory_space<hbm>> -> memref<128xi32, #tpu.memory_space<hbm>>
      %dma_wait3A_75 = tpu.memref_slice %arg3[%multiple_of3A_71] : memref<800000xi32, #tpu.memory_space<hbm>> -> memref<128xi32, #tpu.memory_space<hbm>>
      tpu.wait_dma2 semaphore(%arg19 : memref<!tpu.dma_semaphore, #tpu.memory_space<semaphore_mem>>) src(%dma_wait3A_75 : memref<128xi32, #tpu.memory_space<hbm>>) dst(%arg10 : memref<128xi32, #tpu.memory_space<vmem>>)
      %scan3A_76 = arith.constant 0 : i32
      %scan3A_77 = arith.constant 8 : i32
      %scan3A_78 = arith.addi %scan3A_76, %scan3A_77 : i32
      %scan3A_79 = arith.constant 1 : i32
      scf.for %scan3A_177 = %scan3A_76 to %scan3A_78 step %scan3A_79  : i32 {
        %mul3A_178 = arith.constant 1 : i32
        %mul3A_179 = arith.muli %scan3A_177, %mul3A_178 : i32
        %add3A_180 = arith.constant 0 : i32
        %add3A_181 = arith.addi %add3A_180, %mul3A_179 : i32
        %mul3A_182 = arith.constant 16 : i32
        %mul3A_183 = arith.muli %add3A_181, %mul3A_182 : i32
        %get3A = arith.index_cast %mul3A_183 : i32 to index
        %get3A_184 = tpu.vector_load %arg10[%get3A] {strides = array<i32>} : memref<128xi32, #tpu.memory_space<vmem>>, vector<16xi32>,
        %get3A_185 = vector.shape_cast %get3A_184 : vector<16xi32> to vector<16xi32>
        %sub3A = vector.broadcast %mul3A_0 : i32 to vector<16xi32>
        %sub3A_186 = arith.subi %get3A_185, %sub3A : vector<16xi32>
        %ge3A_187 = arith.constant 0 : i32
        %ge3A_188 = vector.broadcast %ge3A_187 : i32 to vector<16xi32>
        %ge3A_189 = arith.cmpi sge, %sub3A_186, %ge3A_188 : vector<16xi32>
        %lt3A = arith.constant 25000 : i32
        %lt3A_190 = vector.broadcast %lt3A : i32 to vector<16xi32>
        %lt3A_191 = arith.cmpi slt, %sub3A_186, %lt3A_190 : vector<16xi32>
        %and3A = arith.andi %ge3A_189, %lt3A_191 : vector<16xi1>
        %and3A_192 = arith.constant 63 : i32
        %and3A_193 = vector.broadcast %and3A_192 : i32 to vector<16xi32>
        %and3A_194 = arith.andi %get3A_185, %and3A_193 : vector<16xi32>
        %add3A_195 = arith.constant 25088 : i32
        %add3A_196 = vector.broadcast %add3A_195 : i32 to vector<16xi32>
        %add3A_197 = arith.addi %add3A_196, %and3A_194 : vector<16xi32>
        %select_n3A = arith.select %and3A, %sub3A_186, %add3A_197 : vector<16xi1>, vector<16xi32>
        %mul3A_198 = arith.constant 16 : i32
        %mul3A_199 = arith.muli %add3A_181, %mul3A_198 : i32
        %swap3A = arith.index_cast %mul3A_199 : i32 to index
        %swap3A_200 = tpu.vector_load %arg10[%swap3A] {strides = array<i32>} : memref<128xi32, #tpu.memory_space<vmem>>, vector<16xi32>,
        %swap3A_201 = vector.shape_cast %swap3A_200 : vector<16xi32> to vector<16xi32>
        %swap3A_202 = vector.shape_cast %select_n3A : vector<16xi32> to vector<16xi32>
        tpu.vector_store %arg10[%swap3A], %swap3A_202 {strides = array<i32>} : memref<128xi32, #tpu.memory_space<vmem>>, vector<16xi32>,
      }
      %scan3A_80 = arith.constant 8 : i32
      %dma_start3A_81 = arith.constant 0 : i32
      %dma_start3A_82 = arith.constant 0 : i32
      %dma_start3A_83 = tpu.memref_slice %arg4[%dma_start3A_81, %dma_start3A_82] : memref<50000x64xf32, #tpu.memory_space<hbm>> -> memref<50000x64xf32, #tpu.memory_space<hbm>>
      tpu.enqueue_indirect_dma source(%dma_start3A_83 : memref<50000x64xf32, #tpu.memory_space<hbm>>) target(%arg13 : memref<128x64xf32, #tpu.memory_space<vmem>>) offsets(%arg7 : memref<128xi32, #tpu.memory_space<vmem>>) semaphore(%arg22 : memref<!tpu.dma_semaphore, #tpu.memory_space<semaphore_mem>>)
      %ge3A = arith.constant 1 : i32
      %ge3A_84 = arith.cmpi sge, %add3A_67, %ge3A : i32
      %convert_element_type3A = arith.extui %ge3A_84 : i1 to i32
      %cond3A = arith.constant 0 : i32
      %cond3A_85 = arith.cmpi ne, %convert_element_type3A, %cond3A : i32
      scf.if %cond3A_85 {
        %dma_wait3A_177 = arith.constant 0 : i32
        %dma_wait3A_178 = arith.constant 0 : i32
        %dma_wait3A_179 = tpu.memref_slice %arg4[%dma_wait3A_177, %dma_wait3A_178] : memref<50000x64xf32, #tpu.memory_space<hbm>> -> memref<50000x64xf32, #tpu.memory_space<hbm>>
        tpu.wait_indirect_dma semaphore(%arg24 : memref<!tpu.dma_semaphore, #tpu.memory_space<semaphore_mem>>) src(%dma_wait3A_179 : memref<50000x64xf32, #tpu.memory_space<hbm>>) dst(%arg15 : memref<128x64xf32, #tpu.memory_space<vmem>>)
        %dma_start3A_180 = arith.constant 0 : i32
        %dma_start3A_181 = arith.constant 0 : i32
        %dma_start3A_182 = tpu.memref_slice %arg18[%dma_start3A_180, %dma_start3A_181] : memref<25152x64xf32, #tpu.memory_space<vmem_shared>> -> memref<25152x64xf32, #tpu.memory_space<vmem_shared>>
        tpu.enqueue_indirect_dma source(%arg15 : memref<128x64xf32, #tpu.memory_space<vmem>>) target(%dma_start3A_182 : memref<25152x64xf32, #tpu.memory_space<vmem_shared>>) offsets(%arg12 : memref<128xi32, #tpu.memory_space<vmem>>) semaphore(%arg27 : memref<!tpu.dma_semaphore, #tpu.memory_space<semaphore_mem>>) {add = true}
      } else {
      }
      %ge3A_86 = arith.constant 2 : i32
      %ge3A_87 = arith.cmpi sge, %add3A_67, %ge3A_86 : i32
      %convert_element_type3A_88 = arith.extui %ge3A_87 : i1 to i32
      %cond3A_89 = arith.constant 0 : i32
      %cond3A_90 = arith.cmpi ne, %convert_element_type3A_88, %cond3A_89 : i32
      scf.if %cond3A_90 {
        %dma_wait3A_177 = arith.constant 0 : i32
        %dma_wait3A_178 = arith.constant 0 : i32
        %dma_wait3A_179 = tpu.memref_slice %arg18[%dma_wait3A_177, %dma_wait3A_178] : memref<25152x64xf32, #tpu.memory_space<vmem_shared>> -> memref<25152x64xf32, #tpu.memory_space<vmem_shared>>
        tpu.wait_indirect_dma semaphore(%arg26 : memref<!tpu.dma_semaphore, #tpu.memory_space<semaphore_mem>>) src(%arg14 : memref<128x64xf32, #tpu.memory_space<vmem>>) dst(%dma_wait3A_179 : memref<25152x64xf32, #tpu.memory_space<vmem_shared>>)
      } else {
      }
      %add3A_91 = arith.constant 1 : i32
      %add3A_92 = arith.addi %add3A_67, %add3A_91 : i32
      %mul3A_93 = arith.constant 128 : i32
      %mul3A_94 = arith.muli %add3A_92, %mul3A_93 : i32
      %add3A_95 = arith.addi %mul3A_6, %mul3A_94 : i32
      %multiple_of3A_96 = tpu.assume_multiple %add3A_95, 8 : i32
      %dma_start3A_97 = tpu.memref_slice %arg2[%multiple_of3A_96] : memref<800000xi32, #tpu.memory_space<hbm>> -> memref<128xi32, #tpu.memory_space<hbm>>
      %dma_start3A_98 = tpu.memref_slice %arg2[%multiple_of3A_96] : memref<800000xi32, #tpu.memory_space<hbm>> -> memref<128xi32, #tpu.memory_space<hbm>>
      tpu.enqueue_dma source(%dma_start3A_98 : memref<128xi32, #tpu.memory_space<hbm>>) target(%arg8 : memref<128xi32, #tpu.memory_space<vmem>>) target_semaphore(%arg20 : memref<!tpu.dma_semaphore, #tpu.memory_space<semaphore_mem>>)
      %dma_start3A_99 = tpu.memref_slice %arg3[%multiple_of3A_96] : memref<800000xi32, #tpu.memory_space<hbm>> -> memref<128xi32, #tpu.memory_space<hbm>>
      %dma_start3A_100 = tpu.memref_slice %arg3[%multiple_of3A_96] : memref<800000xi32, #tpu.memory_space<hbm>> -> memref<128xi32, #tpu.memory_space<hbm>>
      tpu.enqueue_dma source(%dma_start3A_100 : memref<128xi32, #tpu.memory_space<hbm>>) target(%arg11 : memref<128xi32, #tpu.memory_space<vmem>>) target_semaphore(%arg20 : memref<!tpu.dma_semaphore, #tpu.memory_space<semaphore_mem>>)
      %add3A_101 = arith.constant 1 : i32
      %add3A_102 = arith.addi %add3A_65, %add3A_101 : i32
      %mul3A_103 = arith.constant 128 : i32
      %mul3A_104 = arith.muli %add3A_102, %mul3A_103 : i32
      %add3A_105 = arith.addi %mul3A_6, %mul3A_104 : i32
      %multiple_of3A_106 = tpu.assume_multiple %add3A_105, 8 : i32
      %dma_wait3A_107 = tpu.memref_slice %arg2[%multiple_of3A_106] : memref<800000xi32, #tpu.memory_space<hbm>> -> memref<128xi32, #tpu.memory_space<hbm>>
      %dma_wait3A_108 = tpu.memref_slice %arg2[%multiple_of3A_106] : memref<800000xi32, #tpu.memory_space<hbm>> -> memref<128xi32, #tpu.memory_space<hbm>>
      tpu.wait_dma2 semaphore(%arg20 : memref<!tpu.dma_semaphore, #tpu.memory_space<semaphore_mem>>) src(%dma_wait3A_108 : memref<128xi32, #tpu.memory_space<hbm>>) dst(%arg8 : memref<128xi32, #tpu.memory_space<vmem>>)
      %dma_wait3A_109 = tpu.memref_slice %arg3[%multiple_of3A_106] : memref<800000xi32, #tpu.memory_space<hbm>> -> memref<128xi32, #tpu.memory_space<hbm>>
      %dma_wait3A_110 = tpu.memref_slice %arg3[%multiple_of3A_106] : memref<800000xi32, #tpu.memory_space<hbm>> -> memref<128xi32, #tpu.memory_space<hbm>>
      tpu.wait_dma2 semaphore(%arg20 : memref<!tpu.dma_semaphore, #tpu.memory_space<semaphore_mem>>) src(%dma_wait3A_110 : memref<128xi32, #tpu.memory_space<hbm>>) dst(%arg11 : memref<128xi32, #tpu.memory_space<vmem>>)
      %scan3A_111 = arith.constant 0 : i32
      %scan3A_112 = arith.constant 8 : i32
      %scan3A_113 = arith.addi %scan3A_111, %scan3A_112 : i32
      %scan3A_114 = arith.constant 1 : i32
      scf.for %scan3A_177 = %scan3A_111 to %scan3A_113 step %scan3A_114  : i32 {
        %mul3A_178 = arith.constant 1 : i32
        %mul3A_179 = arith.muli %scan3A_177, %mul3A_178 : i32
        %add3A_180 = arith.constant 0 : i32
        %add3A_181 = arith.addi %add3A_180, %mul3A_179 : i32
        %mul3A_182 = arith.constant 16 : i32
        %mul3A_183 = arith.muli %add3A_181, %mul3A_182 : i32
        %get3A = arith.index_cast %mul3A_183 : i32 to index
        %get3A_184 = tpu.vector_load %arg11[%get3A] {strides = array<i32>} : memref<128xi32, #tpu.memory_space<vmem>>, vector<16xi32>,
        %get3A_185 = vector.shape_cast %get3A_184 : vector<16xi32> to vector<16xi32>
        %sub3A = vector.broadcast %mul3A_0 : i32 to vector<16xi32>
        %sub3A_186 = arith.subi %get3A_185, %sub3A : vector<16xi32>
        %ge3A_187 = arith.constant 0 : i32
        %ge3A_188 = vector.broadcast %ge3A_187 : i32 to vector<16xi32>
        %ge3A_189 = arith.cmpi sge, %sub3A_186, %ge3A_188 : vector<16xi32>
        %lt3A = arith.constant 25000 : i32
        %lt3A_190 = vector.broadcast %lt3A : i32 to vector<16xi32>
        %lt3A_191 = arith.cmpi slt, %sub3A_186, %lt3A_190 : vector<16xi32>
        %and3A = arith.andi %ge3A_189, %lt3A_191 : vector<16xi1>
        %and3A_192 = arith.constant 63 : i32
        %and3A_193 = vector.broadcast %and3A_192 : i32 to vector<16xi32>
        %and3A_194 = arith.andi %get3A_185, %and3A_193 : vector<16xi32>
        %add3A_195 = arith.constant 25088 : i32
        %add3A_196 = vector.broadcast %add3A_195 : i32 to vector<16xi32>
        %add3A_197 = arith.addi %add3A_196, %and3A_194 : vector<16xi32>
        %select_n3A = arith.select %and3A, %sub3A_186, %add3A_197 : vector<16xi1>, vector<16xi32>
        %mul3A_198 = arith.constant 16 : i32
        %mul3A_199 = arith.muli %add3A_181, %mul3A_198 : i32
        %swap3A = arith.index_cast %mul3A_199 : i32 to index
        %swap3A_200 = tpu.vector_load %arg11[%swap3A] {strides = array<i32>} : memref<128xi32, #tpu.memory_space<vmem>>, vector<16xi32>,
        %swap3A_201 = vector.shape_cast %swap3A_200 : vector<16xi32> to vector<16xi32>
        %swap3A_202 = vector.shape_cast %select_n3A : vector<16xi32> to vector<16xi32>
        tpu.vector_store %arg11[%swap3A], %swap3A_202 {strides = array<i32>} : memref<128xi32, #tpu.memory_space<vmem>>, vector<16xi32>,
      }
      %scan3A_115 = arith.constant 8 : i32
      %dma_start3A_116 = arith.constant 0 : i32
      %dma_start3A_117 = arith.constant 0 : i32
      %dma_start3A_118 = tpu.memref_slice %arg4[%dma_start3A_116, %dma_start3A_117] : memref<50000x64xf32, #tpu.memory_space<hbm>> -> memref<50000x64xf32, #tpu.memory_space<hbm>>
      tpu.enqueue_indirect_dma source(%dma_start3A_118 : memref<50000x64xf32, #tpu.memory_space<hbm>>) target(%arg14 : memref<128x64xf32, #tpu.memory_space<vmem>>) offsets(%arg8 : memref<128xi32, #tpu.memory_space<vmem>>) semaphore(%arg23 : memref<!tpu.dma_semaphore, #tpu.memory_space<semaphore_mem>>)
      %ge3A_119 = arith.constant 1 : i32
      %ge3A_120 = arith.cmpi sge, %add3A_102, %ge3A_119 : i32
      %convert_element_type3A_121 = arith.extui %ge3A_120 : i1 to i32
      %cond3A_122 = arith.constant 0 : i32
      %cond3A_123 = arith.cmpi ne, %convert_element_type3A_121, %cond3A_122 : i32
      scf.if %cond3A_123 {
        %dma_wait3A_177 = arith.constant 0 : i32
        %dma_wait3A_178 = arith.constant 0 : i32
        %dma_wait3A_179 = tpu.memref_slice %arg4[%dma_wait3A_177, %dma_wait3A_178] : memref<50000x64xf32, #tpu.memory_space<hbm>> -> memref<50000x64xf32, #tpu.memory_space<hbm>>
        tpu.wait_indirect_dma semaphore(%arg22 : memref<!tpu.dma_semaphore, #tpu.memory_space<semaphore_mem>>) src(%dma_wait3A_179 : memref<50000x64xf32, #tpu.memory_space<hbm>>) dst(%arg13 : memref<128x64xf32, #tpu.memory_space<vmem>>)
        %dma_start3A_180 = arith.constant 0 : i32
        %dma_start3A_181 = arith.constant 0 : i32
        %dma_start3A_182 = tpu.memref_slice %arg18[%dma_start3A_180, %dma_start3A_181] : memref<25152x64xf32, #tpu.memory_space<vmem_shared>> -> memref<25152x64xf32, #tpu.memory_space<vmem_shared>>
        tpu.enqueue_indirect_dma source(%arg13 : memref<128x64xf32, #tpu.memory_space<vmem>>) target(%dma_start3A_182 : memref<25152x64xf32, #tpu.memory_space<vmem_shared>>) offsets(%arg10 : memref<128xi32, #tpu.memory_space<vmem>>) semaphore(%arg25 : memref<!tpu.dma_semaphore, #tpu.memory_space<semaphore_mem>>) {add = true}
      } else {
      }
      %ge3A_124 = arith.constant 2 : i32
      %ge3A_125 = arith.cmpi sge, %add3A_102, %ge3A_124 : i32
      %convert_element_type3A_126 = arith.extui %ge3A_125 : i1 to i32
      %cond3A_127 = arith.constant 0 : i32
      %cond3A_128 = arith.cmpi ne, %convert_element_type3A_126, %cond3A_127 : i32
      scf.if %cond3A_128 {
        %dma_wait3A_177 = arith.constant 0 : i32
        %dma_wait3A_178 = arith.constant 0 : i32
        %dma_wait3A_179 = tpu.memref_slice %arg18[%dma_wait3A_177, %dma_wait3A_178] : memref<25152x64xf32, #tpu.memory_space<vmem_shared>> -> memref<25152x64xf32, #tpu.memory_space<vmem_shared>>
        tpu.wait_indirect_dma semaphore(%arg27 : memref<!tpu.dma_semaphore, #tpu.memory_space<semaphore_mem>>) src(%arg15 : memref<128x64xf32, #tpu.memory_space<vmem>>) dst(%dma_wait3A_179 : memref<25152x64xf32, #tpu.memory_space<vmem_shared>>)
      } else {
      }
      %add3A_129 = arith.constant 1 : i32
      %add3A_130 = arith.addi %add3A_102, %add3A_129 : i32
      %mul3A_131 = arith.constant 128 : i32
      %mul3A_132 = arith.muli %add3A_130, %mul3A_131 : i32
      %add3A_133 = arith.addi %mul3A_6, %mul3A_132 : i32
      %multiple_of3A_134 = tpu.assume_multiple %add3A_133, 8 : i32
      %dma_start3A_135 = tpu.memref_slice %arg2[%multiple_of3A_134] : memref<800000xi32, #tpu.memory_space<hbm>> -> memref<128xi32, #tpu.memory_space<hbm>>
      %dma_start3A_136 = tpu.memref_slice %arg2[%multiple_of3A_134] : memref<800000xi32, #tpu.memory_space<hbm>> -> memref<128xi32, #tpu.memory_space<hbm>>
      tpu.enqueue_dma source(%dma_start3A_136 : memref<128xi32, #tpu.memory_space<hbm>>) target(%arg9 : memref<128xi32, #tpu.memory_space<vmem>>) target_semaphore(%arg21 : memref<!tpu.dma_semaphore, #tpu.memory_space<semaphore_mem>>)
      %dma_start3A_137 = tpu.memref_slice %arg3[%multiple_of3A_134] : memref<800000xi32, #tpu.memory_space<hbm>> -> memref<128xi32, #tpu.memory_space<hbm>>
      %dma_start3A_138 = tpu.memref_slice %arg3[%multiple_of3A_134] : memref<800000xi32, #tpu.memory_space<hbm>> -> memref<128xi32, #tpu.memory_space<hbm>>
      tpu.enqueue_dma source(%dma_start3A_138 : memref<128xi32, #tpu.memory_space<hbm>>) target(%arg12 : memref<128xi32, #tpu.memory_space<vmem>>) target_semaphore(%arg21 : memref<!tpu.dma_semaphore, #tpu.memory_space<semaphore_mem>>)
      %add3A_139 = arith.constant 2 : i32
      %add3A_140 = arith.addi %add3A_65, %add3A_139 : i32
      %mul3A_141 = arith.constant 128 : i32
      %mul3A_142 = arith.muli %add3A_140, %mul3A_141 : i32
      %add3A_143 = arith.addi %mul3A_6, %mul3A_142 : i32
      %multiple_of3A_144 = tpu.assume_multiple %add3A_143, 8 : i32
      %dma_wait3A_145 = tpu.memref_slice %arg2[%multiple_of3A_144] : memref<800000xi32, #tpu.memory_space<hbm>> -> memref<128xi32, #tpu.memory_space<hbm>>
      %dma_wait3A_146 = tpu.memref_slice %arg2[%multiple_of3A_144] : memref<800000xi32, #tpu.memory_space<hbm>> -> memref<128xi32, #tpu.memory_space<hbm>>
      tpu.wait_dma2 semaphore(%arg21 : memref<!tpu.dma_semaphore, #tpu.memory_space<semaphore_mem>>) src(%dma_wait3A_146 : memref<128xi32, #tpu.memory_space<hbm>>) dst(%arg9 : memref<128xi32, #tpu.memory_space<vmem>>)
      %dma_wait3A_147 = tpu.memref_slice %arg3[%multiple_of3A_144] : memref<800000xi32, #tpu.memory_space<hbm>> -> memref<128xi32, #tpu.memory_space<hbm>>
      %dma_wait3A_148 = tpu.memref_slice %arg3[%multiple_of3A_144] : memref<800000xi32, #tpu.memory_space<hbm>> -> memref<128xi32, #tpu.memory_space<hbm>>
      tpu.wait_dma2 semaphore(%arg21 : memref<!tpu.dma_semaphore, #tpu.memory_space<semaphore_mem>>) src(%dma_wait3A_148 : memref<128xi32, #tpu.memory_space<hbm>>) dst(%arg12 : memref<128xi32, #tpu.memory_space<vmem>>)
      %scan3A_149 = arith.constant 0 : i32
      %scan3A_150 = arith.constant 8 : i32
      %scan3A_151 = arith.addi %scan3A_149, %scan3A_150 : i32
      %scan3A_152 = arith.constant 1 : i32
      scf.for %scan3A_177 = %scan3A_149 to %scan3A_151 step %scan3A_152  : i32 {
        %mul3A_178 = arith.constant 1 : i32
        %mul3A_179 = arith.muli %scan3A_177, %mul3A_178 : i32
        %add3A_180 = arith.constant 0 : i32
        %add3A_181 = arith.addi %add3A_180, %mul3A_179 : i32
        %mul3A_182 = arith.constant 16 : i32
        %mul3A_183 = arith.muli %add3A_181, %mul3A_182 : i32
        %get3A = arith.index_cast %mul3A_183 : i32 to index
        %get3A_184 = tpu.vector_load %arg12[%get3A] {strides = array<i32>} : memref<128xi32, #tpu.memory_space<vmem>>, vector<16xi32>,
        %get3A_185 = vector.shape_cast %get3A_184 : vector<16xi32> to vector<16xi32>
        %sub3A = vector.broadcast %mul3A_0 : i32 to vector<16xi32>
        %sub3A_186 = arith.subi %get3A_185, %sub3A : vector<16xi32>
        %ge3A_187 = arith.constant 0 : i32
        %ge3A_188 = vector.broadcast %ge3A_187 : i32 to vector<16xi32>
        %ge3A_189 = arith.cmpi sge, %sub3A_186, %ge3A_188 : vector<16xi32>
        %lt3A = arith.constant 25000 : i32
        %lt3A_190 = vector.broadcast %lt3A : i32 to vector<16xi32>
        %lt3A_191 = arith.cmpi slt, %sub3A_186, %lt3A_190 : vector<16xi32>
        %and3A = arith.andi %ge3A_189, %lt3A_191 : vector<16xi1>
        %and3A_192 = arith.constant 63 : i32
        %and3A_193 = vector.broadcast %and3A_192 : i32 to vector<16xi32>
        %and3A_194 = arith.andi %get3A_185, %and3A_193 : vector<16xi32>
        %add3A_195 = arith.constant 25088 : i32
        %add3A_196 = vector.broadcast %add3A_195 : i32 to vector<16xi32>
        %add3A_197 = arith.addi %add3A_196, %and3A_194 : vector<16xi32>
        %select_n3A = arith.select %and3A, %sub3A_186, %add3A_197 : vector<16xi1>, vector<16xi32>
        %mul3A_198 = arith.constant 16 : i32
        %mul3A_199 = arith.muli %add3A_181, %mul3A_198 : i32
        %swap3A = arith.index_cast %mul3A_199 : i32 to index
        %swap3A_200 = tpu.vector_load %arg12[%swap3A] {strides = array<i32>} : memref<128xi32, #tpu.memory_space<vmem>>, vector<16xi32>,
        %swap3A_201 = vector.shape_cast %swap3A_200 : vector<16xi32> to vector<16xi32>
        %swap3A_202 = vector.shape_cast %select_n3A : vector<16xi32> to vector<16xi32>
        tpu.vector_store %arg12[%swap3A], %swap3A_202 {strides = array<i32>} : memref<128xi32, #tpu.memory_space<vmem>>, vector<16xi32>,
      }
      %scan3A_153 = arith.constant 8 : i32
      %dma_start3A_154 = arith.constant 0 : i32
      %dma_start3A_155 = arith.constant 0 : i32
      %dma_start3A_156 = tpu.memref_slice %arg4[%dma_start3A_154, %dma_start3A_155] : memref<50000x64xf32, #tpu.memory_space<hbm>> -> memref<50000x64xf32, #tpu.memory_space<hbm>>
      tpu.enqueue_indirect_dma source(%dma_start3A_156 : memref<50000x64xf32, #tpu.memory_space<hbm>>) target(%arg15 : memref<128x64xf32, #tpu.memory_space<vmem>>) offsets(%arg9 : memref<128xi32, #tpu.memory_space<vmem>>) semaphore(%arg24 : memref<!tpu.dma_semaphore, #tpu.memory_space<semaphore_mem>>)
      %ge3A_157 = arith.constant 1 : i32
      %ge3A_158 = arith.cmpi sge, %add3A_140, %ge3A_157 : i32
      %convert_element_type3A_159 = arith.extui %ge3A_158 : i1 to i32
      %cond3A_160 = arith.constant 0 : i32
      %cond3A_161 = arith.cmpi ne, %convert_element_type3A_159, %cond3A_160 : i32
      scf.if %cond3A_161 {
        %dma_wait3A_177 = arith.constant 0 : i32
        %dma_wait3A_178 = arith.constant 0 : i32
        %dma_wait3A_179 = tpu.memref_slice %arg4[%dma_wait3A_177, %dma_wait3A_178] : memref<50000x64xf32, #tpu.memory_space<hbm>> -> memref<50000x64xf32, #tpu.memory_space<hbm>>
        tpu.wait_indirect_dma semaphore(%arg23 : memref<!tpu.dma_semaphore, #tpu.memory_space<semaphore_mem>>) src(%dma_wait3A_179 : memref<50000x64xf32, #tpu.memory_space<hbm>>) dst(%arg14 : memref<128x64xf32, #tpu.memory_space<vmem>>)
        %dma_start3A_180 = arith.constant 0 : i32
        %dma_start3A_181 = arith.constant 0 : i32
        %dma_start3A_182 = tpu.memref_slice %arg18[%dma_start3A_180, %dma_start3A_181] : memref<25152x64xf32, #tpu.memory_space<vmem_shared>> -> memref<25152x64xf32, #tpu.memory_space<vmem_shared>>
        tpu.enqueue_indirect_dma source(%arg14 : memref<128x64xf32, #tpu.memory_space<vmem>>) target(%dma_start3A_182 : memref<25152x64xf32, #tpu.memory_space<vmem_shared>>) offsets(%arg11 : memref<128xi32, #tpu.memory_space<vmem>>) semaphore(%arg26 : memref<!tpu.dma_semaphore, #tpu.memory_space<semaphore_mem>>) {add = true}
      } else {
      }
      %ge3A_162 = arith.constant 2 : i32
      %ge3A_163 = arith.cmpi sge, %add3A_140, %ge3A_162 : i32
      %convert_element_type3A_164 = arith.extui %ge3A_163 : i1 to i32
      %cond3A_165 = arith.constant 0 : i32
      %cond3A_166 = arith.cmpi ne, %convert_element_type3A_164, %cond3A_165 : i32
      scf.if %cond3A_166 {
        %dma_wait3A_177 = arith.constant 0 : i32
        %dma_wait3A_178 = arith.constant 0 : i32
        %dma_wait3A_179 = tpu.memref_slice %arg18[%dma_wait3A_177, %dma_wait3A_178] : memref<25152x64xf32, #tpu.memory_space<vmem_shared>> -> memref<25152x64xf32, #tpu.memory_space<vmem_shared>>
        tpu.wait_indirect_dma semaphore(%arg25 : memref<!tpu.dma_semaphore, #tpu.memory_space<semaphore_mem>>) src(%arg13 : memref<128x64xf32, #tpu.memory_space<vmem>>) dst(%dma_wait3A_179 : memref<25152x64xf32, #tpu.memory_space<vmem_shared>>)
      } else {
      }
      %add3A_167 = arith.constant 1 : i32
      %add3A_168 = arith.addi %add3A_140, %add3A_167 : i32
      %mul3A_169 = arith.constant 128 : i32
      %mul3A_170 = arith.muli %add3A_168, %mul3A_169 : i32
      %add3A_171 = arith.addi %mul3A_6, %mul3A_170 : i32
      %multiple_of3A_172 = tpu.assume_multiple %add3A_171, 8 : i32
      %dma_start3A_173 = tpu.memref_slice %arg2[%multiple_of3A_172] : memref<800000xi32, #tpu.memory_space<hbm>> -> memref<128xi32, #tpu.memory_space<hbm>>
      %dma_start3A_174 = tpu.memref_slice %arg2[%multiple_of3A_172] : memref<800000xi32, #tpu.memory_space<hbm>> -> memref<128xi32, #tpu.memory_space<hbm>>
      tpu.enqueue_dma source(%dma_start3A_174 : memref<128xi32, #tpu.memory_space<hbm>>) target(%arg7 : memref<128xi32, #tpu.memory_space<vmem>>) target_semaphore(%arg19 : memref<!tpu.dma_semaphore, #tpu.memory_space<semaphore_mem>>)
      %dma_start3A_175 = tpu.memref_slice %arg3[%multiple_of3A_172] : memref<800000xi32, #tpu.memory_space<hbm>> -> memref<128xi32, #tpu.memory_space<hbm>>
      %dma_start3A_176 = tpu.memref_slice %arg3[%multiple_of3A_172] : memref<800000xi32, #tpu.memory_space<hbm>> -> memref<128xi32, #tpu.memory_space<hbm>>
      tpu.enqueue_dma source(%dma_start3A_176 : memref<128xi32, #tpu.memory_space<hbm>>) target(%arg10 : memref<128xi32, #tpu.memory_space<vmem>>) target_semaphore(%arg19 : memref<!tpu.dma_semaphore, #tpu.memory_space<semaphore_mem>>)
    }
    %scan3A_15 = arith.constant 130 : i32
    %dma_wait3A = arith.constant 0 : i32
    %dma_wait3A_16 = arith.constant 0 : i32
    %dma_wait3A_17 = tpu.memref_slice %arg4[%dma_wait3A, %dma_wait3A_16] : memref<50000x64xf32, #tpu.memory_space<hbm>> -> memref<50000x64xf32, #tpu.memory_space<hbm>>
    tpu.wait_indirect_dma semaphore(%arg24 : memref<!tpu.dma_semaphore, #tpu.memory_space<semaphore_mem>>) src(%dma_wait3A_17 : memref<50000x64xf32, #tpu.memory_space<hbm>>) dst(%arg15 : memref<128x64xf32, #tpu.memory_space<vmem>>)
    %dma_start3A_18 = arith.constant 0 : i32
    %dma_start3A_19 = arith.constant 0 : i32
    %dma_start3A_20 = tpu.memref_slice %arg18[%dma_start3A_18, %dma_start3A_19] : memref<25152x64xf32, #tpu.memory_space<vmem_shared>> -> memref<25152x64xf32, #tpu.memory_space<vmem_shared>>
    tpu.enqueue_indirect_dma source(%arg15 : memref<128x64xf32, #tpu.memory_space<vmem>>) target(%dma_start3A_20 : memref<25152x64xf32, #tpu.memory_space<vmem_shared>>) offsets(%arg12 : memref<128xi32, #tpu.memory_space<vmem>>) semaphore(%arg27 : memref<!tpu.dma_semaphore, #tpu.memory_space<semaphore_mem>>) {add = true}
    %dma_wait3A_21 = arith.constant 0 : i32
    %dma_wait3A_22 = arith.constant 0 : i32
    %dma_wait3A_23 = tpu.memref_slice %arg18[%dma_wait3A_21, %dma_wait3A_22] : memref<25152x64xf32, #tpu.memory_space<vmem_shared>> -> memref<25152x64xf32, #tpu.memory_space<vmem_shared>>
    tpu.wait_indirect_dma semaphore(%arg26 : memref<!tpu.dma_semaphore, #tpu.memory_space<semaphore_mem>>) src(%arg14 : memref<128x64xf32, #tpu.memory_space<vmem>>) dst(%dma_wait3A_23 : memref<25152x64xf32, #tpu.memory_space<vmem_shared>>)
    %dma_wait3A_24 = arith.constant 0 : i32
    %dma_wait3A_25 = arith.constant 0 : i32
    %dma_wait3A_26 = tpu.memref_slice %arg18[%dma_wait3A_24, %dma_wait3A_25] : memref<25152x64xf32, #tpu.memory_space<vmem_shared>> -> memref<25152x64xf32, #tpu.memory_space<vmem_shared>>
    tpu.wait_indirect_dma semaphore(%arg27 : memref<!tpu.dma_semaphore, #tpu.memory_space<semaphore_mem>>) src(%arg15 : memref<128x64xf32, #tpu.memory_space<vmem>>) dst(%dma_wait3A_26 : memref<25152x64xf32, #tpu.memory_space<vmem_shared>>)
    %add3A_27 = arith.constant 49920 : i32
    %add3A_28 = arith.addi %mul3A_6, %add3A_27 : i32
    %multiple_of3A_29 = tpu.assume_multiple %add3A_28, 8 : i32
    %dma_wait3A_30 = tpu.memref_slice %arg2[%multiple_of3A_29] : memref<800000xi32, #tpu.memory_space<hbm>> -> memref<128xi32, #tpu.memory_space<hbm>>
    %dma_wait3A_31 = tpu.memref_slice %arg2[%multiple_of3A_29] : memref<800000xi32, #tpu.memory_space<hbm>> -> memref<128xi32, #tpu.memory_space<hbm>>
    tpu.wait_dma2 semaphore(%arg19 : memref<!tpu.dma_semaphore, #tpu.memory_space<semaphore_mem>>) src(%dma_wait3A_31 : memref<128xi32, #tpu.memory_space<hbm>>) dst(%arg7 : memref<128xi32, #tpu.memory_space<vmem>>)
    %dma_wait3A_32 = tpu.memref_slice %arg3[%multiple_of3A_29] : memref<800000xi32, #tpu.memory_space<hbm>> -> memref<128xi32, #tpu.memory_space<hbm>>
    %dma_wait3A_33 = tpu.memref_slice %arg3[%multiple_of3A_29] : memref<800000xi32, #tpu.memory_space<hbm>> -> memref<128xi32, #tpu.memory_space<hbm>>
    tpu.wait_dma2 semaphore(%arg19 : memref<!tpu.dma_semaphore, #tpu.memory_space<semaphore_mem>>) src(%dma_wait3A_33 : memref<128xi32, #tpu.memory_space<hbm>>) dst(%arg10 : memref<128xi32, #tpu.memory_space<vmem>>)
    %mul3A_34 = arith.constant 80 : i32
    %mul3A_35 = arith.muli %arg1, %mul3A_34 : i32
    %add3A_36 = arith.constant 798720 : i32
    %add3A_37 = arith.addi %add3A_36, %mul3A_35 : i32
    "tpu.region"() ({
      %run_scoped3A = tpu.sem_alloc : memref<!tpu.dma_semaphore, #tpu.memory_space<semaphore_mem>>
      %dma_start3A_61 = tpu.memref_slice %arg2[%add3A_37] : memref<800000xi32, #tpu.memory_space<hbm>> -> memref<80xi32, #tpu.memory_space<hbm>>
      %dma_start3A_62 = tpu.memref_slice %arg2[%add3A_37] : memref<800000xi32, #tpu.memory_space<hbm>> -> memref<80xi32, #tpu.memory_space<hbm>>
      tpu.enqueue_dma source(%dma_start3A_62 : memref<80xi32, #tpu.memory_space<hbm>>) target(%arg16 : memref<80xi32, #tpu.memory_space<vmem>>) target_semaphore(%run_scoped3A : memref<!tpu.dma_semaphore, #tpu.memory_space<semaphore_mem>>)
      %dma_wait3A_63 = tpu.memref_slice %arg2[%add3A_37] : memref<800000xi32, #tpu.memory_space<hbm>> -> memref<80xi32, #tpu.memory_space<hbm>>
      %dma_wait3A_64 = tpu.memref_slice %arg2[%add3A_37] : memref<800000xi32, #tpu.memory_space<hbm>> -> memref<80xi32, #tpu.memory_space<hbm>>
      tpu.wait_dma2 semaphore(%run_scoped3A : memref<!tpu.dma_semaphore, #tpu.memory_space<semaphore_mem>>) src(%dma_wait3A_64 : memref<80xi32, #tpu.memory_space<hbm>>) dst(%arg16 : memref<80xi32, #tpu.memory_space<vmem>>)
      tpu.yield
    }) : () -> ()
    "tpu.region"() ({
      %run_scoped3A = tpu.sem_alloc : memref<!tpu.dma_semaphore, #tpu.memory_space<semaphore_mem>>
      %dma_start3A_61 = tpu.memref_slice %arg3[%add3A_37] : memref<800000xi32, #tpu.memory_space<hbm>> -> memref<80xi32, #tpu.memory_space<hbm>>
      %dma_start3A_62 = tpu.memref_slice %arg3[%add3A_37] : memref<800000xi32, #tpu.memory_space<hbm>> -> memref<80xi32, #tpu.memory_space<hbm>>
      tpu.enqueue_dma source(%dma_start3A_62 : memref<80xi32, #tpu.memory_space<hbm>>) target(%arg17 : memref<80xi32, #tpu.memory_space<vmem>>) target_semaphore(%run_scoped3A : memref<!tpu.dma_semaphore, #tpu.memory_space<semaphore_mem>>)
      %dma_wait3A_63 = tpu.memref_slice %arg3[%add3A_37] : memref<800000xi32, #tpu.memory_space<hbm>> -> memref<80xi32, #tpu.memory_space<hbm>>
      %dma_wait3A_64 = tpu.memref_slice %arg3[%add3A_37] : memref<800000xi32, #tpu.memory_space<hbm>> -> memref<80xi32, #tpu.memory_space<hbm>>
      tpu.wait_dma2 semaphore(%run_scoped3A : memref<!tpu.dma_semaphore, #tpu.memory_space<semaphore_mem>>) src(%dma_wait3A_64 : memref<80xi32, #tpu.memory_space<hbm>>) dst(%arg17 : memref<80xi32, #tpu.memory_space<vmem>>)
      tpu.yield
    }) : () -> ()
    %dma_start3A_38 = arith.constant 0 : i32
    %dma_start3A_39 = arith.constant 0 : i32
    %dma_start3A_40 = tpu.memref_slice %arg13[%dma_start3A_38, %dma_start3A_39] : memref<128x64xf32, #tpu.memory_space<vmem>> -> memref<80x64xf32, #tpu.memory_space<vmem>>
    %dma_start3A_41 = arith.constant 0 : i32
    %dma_start3A_42 = arith.constant 0 : i32
    %dma_start3A_43 = tpu.memref_slice %arg4[%dma_start3A_41, %dma_start3A_42] : memref<50000x64xf32, #tpu.memory_space<hbm>> -> memref<50000x64xf32, #tpu.memory_space<hbm>>
    tpu.enqueue_indirect_dma source(%dma_start3A_43 : memref<50000x64xf32, #tpu.memory_space<hbm>>) target(%dma_start3A_40 : memref<80x64xf32, #tpu.memory_space<vmem>>) offsets(%arg16 : memref<80xi32, #tpu.memory_space<vmem>>) semaphore(%arg28 : memref<!tpu.dma_semaphore, #tpu.memory_space<semaphore_mem>>)
    %dma_wait3A_44 = arith.constant 0 : i32
    %dma_wait3A_45 = arith.constant 0 : i32
    %dma_wait3A_46 = tpu.memref_slice %arg13[%dma_wait3A_44, %dma_wait3A_45] : memref<128x64xf32, #tpu.memory_space<vmem>> -> memref<80x64xf32, #tpu.memory_space<vmem>>
    %dma_wait3A_47 = arith.constant 0 : i32
    %dma_wait3A_48 = arith.constant 0 : i32
    %dma_wait3A_49 = tpu.memref_slice %arg4[%dma_wait3A_47, %dma_wait3A_48] : memref<50000x64xf32, #tpu.memory_space<hbm>> -> memref<50000x64xf32, #tpu.memory_space<hbm>>
    tpu.wait_indirect_dma semaphore(%arg28 : memref<!tpu.dma_semaphore, #tpu.memory_space<semaphore_mem>>) src(%dma_wait3A_49 : memref<50000x64xf32, #tpu.memory_space<hbm>>) dst(%dma_wait3A_46 : memref<80x64xf32, #tpu.memory_space<vmem>>)
    %scan3A_50 = arith.constant 0 : i32
    %scan3A_51 = arith.constant 5 : i32
    %scan3A_52 = arith.addi %scan3A_50, %scan3A_51 : i32
    %scan3A_53 = arith.constant 1 : i32
    scf.for %scan3A_61 = %scan3A_50 to %scan3A_52 step %scan3A_53  : i32 {
      %mul3A_62 = arith.constant 1 : i32
      %mul3A_63 = arith.muli %scan3A_61, %mul3A_62 : i32
      %add3A_64 = arith.constant 0 : i32
      %add3A_65 = arith.addi %add3A_64, %mul3A_63 : i32
      %mul3A_66 = arith.constant 16 : i32
      %mul3A_67 = arith.muli %add3A_65, %mul3A_66 : i32
      %get3A = arith.index_cast %mul3A_67 : i32 to index
      %get3A_68 = tpu.vector_load %arg17[%get3A] {strides = array<i32>} : memref<80xi32, #tpu.memory_space<vmem>>, vector<16xi32>,
      %get3A_69 = vector.shape_cast %get3A_68 : vector<16xi32> to vector<16xi32>
      %sub3A = vector.broadcast %mul3A_0 : i32 to vector<16xi32>
      %sub3A_70 = arith.subi %get3A_69, %sub3A : vector<16xi32>
      %ge3A = arith.constant 0 : i32
      %ge3A_71 = vector.broadcast %ge3A : i32 to vector<16xi32>
      %ge3A_72 = arith.cmpi sge, %sub3A_70, %ge3A_71 : vector<16xi32>
      %lt3A = arith.constant 25000 : i32
      %lt3A_73 = vector.broadcast %lt3A : i32 to vector<16xi32>
      %lt3A_74 = arith.cmpi slt, %sub3A_70, %lt3A_73 : vector<16xi32>
      %and3A = arith.andi %ge3A_72, %lt3A_74 : vector<16xi1>
      %and3A_75 = arith.constant 63 : i32
      %and3A_76 = vector.broadcast %and3A_75 : i32 to vector<16xi32>
      %and3A_77 = arith.andi %get3A_69, %and3A_76 : vector<16xi32>
      %add3A_78 = arith.constant 25088 : i32
      %add3A_79 = vector.broadcast %add3A_78 : i32 to vector<16xi32>
      %add3A_80 = arith.addi %add3A_79, %and3A_77 : vector<16xi32>
      %select_n3A = arith.select %and3A, %sub3A_70, %add3A_80 : vector<16xi1>, vector<16xi32>
      %mul3A_81 = arith.constant 16 : i32
      %mul3A_82 = arith.muli %add3A_65, %mul3A_81 : i32
      %swap3A = arith.index_cast %mul3A_82 : i32 to index
      %swap3A_83 = tpu.vector_load %arg17[%swap3A] {strides = array<i32>} : memref<80xi32, #tpu.memory_space<vmem>>, vector<16xi32>,
      %swap3A_84 = vector.shape_cast %swap3A_83 : vector<16xi32> to vector<16xi32>
      %swap3A_85 = vector.shape_cast %select_n3A : vector<16xi32> to vector<16xi32>
      tpu.vector_store %arg17[%swap3A], %swap3A_85 {strides = array<i32>} : memref<80xi32, #tpu.memory_space<vmem>>, vector<16xi32>,
    }
    %scan3A_54 = arith.constant 5 : i32
    "tpu.region"() ({
      %run_scoped3A = tpu.sem_alloc : memref<!tpu.dma_semaphore, #tpu.memory_space<semaphore_mem>>
      %dma_start3A_61 = arith.constant 0 : i32
      %dma_start3A_62 = arith.constant 0 : i32
      %dma_start3A_63 = tpu.memref_slice %arg13[%dma_start3A_61, %dma_start3A_62] : memref<128x64xf32, #tpu.memory_space<vmem>> -> memref<80x64xf32, #tpu.memory_space<vmem>>
      %dma_start3A_64 = arith.constant 0 : i32
      %dma_start3A_65 = arith.constant 0 : i32
      %dma_start3A_66 = tpu.memref_slice %arg18[%dma_start3A_64, %dma_start3A_65] : memref<25152x64xf32, #tpu.memory_space<vmem_shared>> -> memref<25152x64xf32, #tpu.memory_space<vmem_shared>>
      tpu.enqueue_indirect_dma source(%dma_start3A_63 : memref<80x64xf32, #tpu.memory_space<vmem>>) target(%dma_start3A_66 : memref<25152x64xf32, #tpu.memory_space<vmem_shared>>) offsets(%arg17 : memref<80xi32, #tpu.memory_space<vmem>>) semaphore(%run_scoped3A : memref<!tpu.dma_semaphore, #tpu.memory_space<semaphore_mem>>) {add = true}
      %dma_wait3A_67 = arith.constant 0 : i32
      %dma_wait3A_68 = arith.constant 0 : i32
      %dma_wait3A_69 = tpu.memref_slice %arg13[%dma_wait3A_67, %dma_wait3A_68] : memref<128x64xf32, #tpu.memory_space<vmem>> -> memref<80x64xf32, #tpu.memory_space<vmem>>
      %dma_wait3A_70 = arith.constant 0 : i32
      %dma_wait3A_71 = arith.constant 0 : i32
      %dma_wait3A_72 = tpu.memref_slice %arg18[%dma_wait3A_70, %dma_wait3A_71] : memref<25152x64xf32, #tpu.memory_space<vmem_shared>> -> memref<25152x64xf32, #tpu.memory_space<vmem_shared>>
      tpu.wait_indirect_dma semaphore(%run_scoped3A : memref<!tpu.dma_semaphore, #tpu.memory_space<semaphore_mem>>) src(%dma_wait3A_69 : memref<80x64xf32, #tpu.memory_space<vmem>>) dst(%dma_wait3A_72 : memref<25152x64xf32, #tpu.memory_space<vmem_shared>>)
      tpu.yield
    }) : () -> ()
    %barrier3A_55 = arith.constant 0 : index
    tpu.barrier barrier_id(%barrier3A_55)
    %scan3A_56 = arith.constant 0 : i32
    %scan3A_57 = arith.constant 14 : i32
    %scan3A_58 = arith.addi %scan3A_56, %scan3A_57 : i32
    %scan3A_59 = arith.constant 1 : i32
    scf.for %scan3A_61 = %scan3A_56 to %scan3A_58 step %scan3A_59  : i32 {
      %mul3A_62 = arith.constant 1 : i32
      %mul3A_63 = arith.muli %scan3A_61, %mul3A_62 : i32
      %add3A_64 = arith.constant 0 : i32
      %add3A_65 = arith.addi %add3A_64, %mul3A_63 : i32
      %mul3A_66 = arith.constant 1568 : i32
      %mul3A_67 = arith.muli %arg1, %mul3A_66 : i32
      %mul3A_68 = arith.constant 112 : i32
      %mul3A_69 = arith.muli %add3A_65, %mul3A_68 : i32
      %add3A_70 = arith.addi %mul3A_67, %mul3A_69 : i32
      "tpu.region"() ({
        %run_scoped3A = tpu.sem_alloc : memref<!tpu.dma_semaphore, #tpu.memory_space<semaphore_mem>>
        %dma_start3A_71 = arith.constant 0 : i32
        %dma_start3A_72 = arith.constant 0 : i32
        %dma_start3A_73 = tpu.memref_slice %arg13[%dma_start3A_71, %dma_start3A_72] : memref<128x64xf32, #tpu.memory_space<vmem>> -> memref<112x64xf32, #tpu.memory_space<vmem>>
        %dma_start3A_74 = arith.constant 0 : i32
        %dma_start3A_75 = tpu.memref_slice %arg18[%add3A_70, %dma_start3A_74] : memref<25152x64xf32, #tpu.memory_space<vmem_shared>> -> memref<112x64xf32, #tpu.memory_space<vmem_shared>>
        %dma_start3A_76 = arith.constant 0 : i32
        %dma_start3A_77 = arith.constant 0 : i32
        %dma_start3A_78 = tpu.memref_slice %arg13[%dma_start3A_76, %dma_start3A_77] : memref<128x64xf32, #tpu.memory_space<vmem>> -> memref<112x64xf32, #tpu.memory_space<vmem>>
        %dma_start3A_79 = arith.constant 0 : i32
        %dma_start3A_80 = tpu.memref_slice %arg18[%add3A_70, %dma_start3A_79] : memref<25152x64xf32, #tpu.memory_space<vmem_shared>> -> memref<112x64xf32, #tpu.memory_space<vmem_shared>>
        tpu.enqueue_dma source(%dma_start3A_80 : memref<112x64xf32, #tpu.memory_space<vmem_shared>>) target(%dma_start3A_78 : memref<112x64xf32, #tpu.memory_space<vmem>>) target_semaphore(%run_scoped3A : memref<!tpu.dma_semaphore, #tpu.memory_space<semaphore_mem>>)
        %dma_wait3A_81 = arith.constant 0 : i32
        %dma_wait3A_82 = arith.constant 0 : i32
        %dma_wait3A_83 = tpu.memref_slice %arg13[%dma_wait3A_81, %dma_wait3A_82] : memref<128x64xf32, #tpu.memory_space<vmem>> -> memref<112x64xf32, #tpu.memory_space<vmem>>
        %dma_wait3A_84 = arith.constant 0 : i32
        %dma_wait3A_85 = tpu.memref_slice %arg18[%add3A_70, %dma_wait3A_84] : memref<25152x64xf32, #tpu.memory_space<vmem_shared>> -> memref<112x64xf32, #tpu.memory_space<vmem_shared>>
        %dma_wait3A_86 = arith.constant 0 : i32
        %dma_wait3A_87 = arith.constant 0 : i32
        %dma_wait3A_88 = tpu.memref_slice %arg13[%dma_wait3A_86, %dma_wait3A_87] : memref<128x64xf32, #tpu.memory_space<vmem>> -> memref<112x64xf32, #tpu.memory_space<vmem>>
        %dma_wait3A_89 = arith.constant 0 : i32
        %dma_wait3A_90 = tpu.memref_slice %arg18[%add3A_70, %dma_wait3A_89] : memref<25152x64xf32, #tpu.memory_space<vmem_shared>> -> memref<112x64xf32, #tpu.memory_space<vmem_shared>>
        tpu.wait_dma2 semaphore(%run_scoped3A : memref<!tpu.dma_semaphore, #tpu.memory_space<semaphore_mem>>) src(%dma_wait3A_90 : memref<112x64xf32, #tpu.memory_space<vmem_shared>>) dst(%dma_wait3A_88 : memref<112x64xf32, #tpu.memory_space<vmem>>)
        tpu.yield
      }) : () -> ()
      "tpu.region"() ({
        %run_scoped3A = tpu.sem_alloc : memref<!tpu.dma_semaphore, #tpu.memory_space<semaphore_mem>>
        %dma_start3A_71 = arith.constant 0 : i32
        %dma_start3A_72 = arith.constant 0 : i32
        %dma_start3A_73 = tpu.memref_slice %arg13[%dma_start3A_71, %dma_start3A_72] : memref<128x64xf32, #tpu.memory_space<vmem>> -> memref<112x64xf32, #tpu.memory_space<vmem>>
        %dma_start3A_74 = arith.constant 0 : i32
        %dma_start3A_75 = tpu.memref_slice %arg6[%arg0, %add3A_70, %dma_start3A_74] : memref<2x25088x64xf32, #tpu.memory_space<hbm>> -> memref<1x112x64xf32, #tpu.memory_space<hbm>>
        %dma_start3A_76 = tpu.memref_squeeze %dma_start3A_75 : memref<1x112x64xf32, #tpu.memory_space<hbm>> -> memref<112x64xf32, #tpu.memory_space<hbm>>
        %dma_start3A_77 = arith.constant 0 : i32
        %dma_start3A_78 = tpu.memref_slice %arg6[%arg0, %add3A_70, %dma_start3A_77] : memref<2x25088x64xf32, #tpu.memory_space<hbm>> -> memref<1x112x64xf32, #tpu.memory_space<hbm>>
        %dma_start3A_79 = tpu.memref_squeeze %dma_start3A_78 : memref<1x112x64xf32, #tpu.memory_space<hbm>> -> memref<112x64xf32, #tpu.memory_space<hbm>>
        %dma_start3A_80 = arith.constant 0 : i32
        %dma_start3A_81 = arith.constant 0 : i32
        %dma_start3A_82 = tpu.memref_slice %arg13[%dma_start3A_80, %dma_start3A_81] : memref<128x64xf32, #tpu.memory_space<vmem>> -> memref<112x64xf32, #tpu.memory_space<vmem>>
        tpu.enqueue_dma source(%dma_start3A_82 : memref<112x64xf32, #tpu.memory_space<vmem>>) target(%dma_start3A_79 : memref<112x64xf32, #tpu.memory_space<hbm>>) target_semaphore(%run_scoped3A : memref<!tpu.dma_semaphore, #tpu.memory_space<semaphore_mem>>)
        %dma_wait3A_83 = arith.constant 0 : i32
        %dma_wait3A_84 = arith.constant 0 : i32
        %dma_wait3A_85 = tpu.memref_slice %arg13[%dma_wait3A_83, %dma_wait3A_84] : memref<128x64xf32, #tpu.memory_space<vmem>> -> memref<112x64xf32, #tpu.memory_space<vmem>>
        %dma_wait3A_86 = arith.constant 0 : i32
        %dma_wait3A_87 = tpu.memref_slice %arg6[%arg0, %add3A_70, %dma_wait3A_86] : memref<2x25088x64xf32, #tpu.memory_space<hbm>> -> memref<1x112x64xf32, #tpu.memory_space<hbm>>
        %dma_wait3A_88 = tpu.memref_squeeze %dma_wait3A_87 : memref<1x112x64xf32, #tpu.memory_space<hbm>> -> memref<112x64xf32, #tpu.memory_space<hbm>>
        %dma_wait3A_89 = arith.constant 0 : i32
        %dma_wait3A_90 = tpu.memref_slice %arg6[%arg0, %add3A_70, %dma_wait3A_89] : memref<2x25088x64xf32, #tpu.memory_space<hbm>> -> memref<1x112x64xf32, #tpu.memory_space<hbm>>
        %dma_wait3A_91 = tpu.memref_squeeze %dma_wait3A_90 : memref<1x112x64xf32, #tpu.memory_space<hbm>> -> memref<112x64xf32, #tpu.memory_space<hbm>>
        %dma_wait3A_92 = arith.constant 0 : i32
        %dma_wait3A_93 = arith.constant 0 : i32
        %dma_wait3A_94 = tpu.memref_slice %arg13[%dma_wait3A_92, %dma_wait3A_93] : memref<128x64xf32, #tpu.memory_space<vmem>> -> memref<112x64xf32, #tpu.memory_space<vmem>>
        tpu.wait_dma2 semaphore(%run_scoped3A : memref<!tpu.dma_semaphore, #tpu.memory_space<semaphore_mem>>) src(%dma_wait3A_94 : memref<112x64xf32, #tpu.memory_space<vmem>>) dst(%dma_wait3A_91 : memref<112x64xf32, #tpu.memory_space<hbm>>)
        tpu.yield
      }) : () -> ()
    }
    %scan3A_60 = arith.constant 14 : i32
    return
  }
}

module attributes {stable_mosaic.version = 14 : i64} {
  func.func @_layer1_tc_body(%arg0: i32, %arg1: i32, %arg2: memref<1x1000x64xf32, #tpu.memory_space<vmem>>, %arg3: memref<1x1000x1xf32, #tpu.memory_space<vmem>>, %arg4: memref<1000x64xf32, #tpu.memory_space<vmem>>, %arg5: memref<64x128xf32, #tpu.memory_space<vmem>>, %arg6: memref<1x128xf32, #tpu.memory_space<vmem>>, %arg7: memref<64x128xf32, #tpu.memory_space<vmem>>, %arg8: memref<128x64xf32, #tpu.memory_space<vmem>>, %arg9: memref<128x64xf32, #tpu.memory_space<vmem>>, %arg10: memref<1x64xf32, #tpu.memory_space<vmem>>, %arg11: memref<1000x64xf32, #tpu.memory_space<vmem>>, %arg12: memref<1000x64xf32, #tpu.memory_space<vmem>>, %arg13: memref<1x1000x1xf32, #tpu.memory_space<vmem>>) attributes {dimension_semantics = [#tpu.dimension_semantics<arbitrary>, #tpu.dimension_semantics<arbitrary>], iteration_bounds = array<i64: 2, 25>, scalar_prefetch = 0 : i64, scratch_operands = 0 : i64, tpu.core_type = #tpu.core_type<tc>, window_params = [{transform_indices = @transform_0, window_bounds = array<i64: 1, 1000, 64>}, {transform_indices = @transform_1, window_bounds = array<i64: 1, 1000, 1>}, {transform_indices = @transform_2, window_bounds = array<i64: 1000, 64>}, {pipeline_mode = #tpu.pipeline_mode<synchronous>, transform_indices = @transform_3, window_bounds = array<i64: 64, 128>}, {pipeline_mode = #tpu.pipeline_mode<synchronous>, transform_indices = @transform_4, window_bounds = array<i64: 1, 128>}, {pipeline_mode = #tpu.pipeline_mode<synchronous>, transform_indices = @transform_5, window_bounds = array<i64: 64, 128>}, {pipeline_mode = #tpu.pipeline_mode<synchronous>, transform_indices = @transform_6, window_bounds = array<i64: 128, 64>}, {pipeline_mode = #tpu.pipeline_mode<synchronous>, transform_indices = @transform_7, window_bounds = array<i64: 128, 64>}, {pipeline_mode = #tpu.pipeline_mode<synchronous>, transform_indices = @transform_8, window_bounds = array<i64: 1, 64>}, {transform_indices = @transform_9, window_bounds = array<i64: 1000, 64>}, {transform_indices = @transform_10, window_bounds = array<i64: 1000, 64>}, {transform_indices = @transform_11, window_bounds = array<i64: 1, 1000, 1>}]} {
    %get3A = arith.constant 0 : index
    %get3A_0 = arith.constant 0 : index
    %get3A_1 = arith.constant 0 : index
    %get3A_2 = vector.load %arg3[%get3A, %get3A_0, %get3A_1] : memref<1x1000x1xf32, #tpu.memory_space<vmem>>, vector<1x1000x1xf32>
    %get3A_3 = vector.shape_cast %get3A_2 : vector<1x1000x1xf32> to vector<1000x1xf32>
    %max3A = arith.constant 1.000000e+00 : f32
    %max3A_4 = vector.broadcast %max3A : f32 to vector<1000x1xf32>
    %max3A_5 = arith.maximumf %get3A_3, %max3A_4 : vector<1000x1xf32>
    %div3A = arith.constant 1.000000e+00 : f32
    %div3A_6 = vector.broadcast %div3A : f32 to vector<1000x1xf32>
    %div3A_7 = arith.divf %div3A_6, %max3A_5 : vector<1000x1xf32>
    %get3A_8 = arith.constant 0 : index
    %get3A_9 = arith.constant 0 : index
    %get3A_10 = arith.constant 0 : index
    %get3A_11 = vector.load %arg2[%get3A_8, %get3A_9, %get3A_10] : memref<1x1000x64xf32, #tpu.memory_space<vmem>>, vector<1x1000x64xf32>
    %get3A_12 = vector.shape_cast %get3A_11 : vector<1x1000x64xf32> to vector<1000x64xf32>
    %mul3A = vector.broadcast %div3A_7 : vector<1000x1xf32> to vector<1000x64xf32>
    %mul3A_13 = arith.mulf %get3A_12, %mul3A : vector<1000x64xf32>
    %get3A_14 = arith.constant 0 : index
    %get3A_15 = arith.constant 0 : index
    %get3A_16 = vector.load %arg5[%get3A_14, %get3A_15] : memref<64x128xf32, #tpu.memory_space<vmem>>, vector<64x128xf32>
    %dot_general3A = arith.constant dense<0.000000e+00> : vector<1000x128xf32>
    %dot_general3A_17 = tpu.matmul %mul3A_13, %get3A_16, %dot_general3A {dimension_numbers = #tpu.dot_dimension_numbers<[1], [0], [0], [1], [0, 0, 1, 1], [], []>, transpose_lhs_hint = false} : vector<1000x64xf32>, vector<64x128xf32>, vector<1000x128xf32> -> vector<1000x128xf32>
    %get3A_18 = arith.constant 0 : index
    %get3A_19 = arith.constant 0 : index
    %get3A_20 = vector.load %arg6[%get3A_18, %get3A_19] : memref<1x128xf32, #tpu.memory_space<vmem>>, vector<1x128xf32>
    %add3A = vector.broadcast %get3A_20 : vector<1x128xf32> to vector<1000x128xf32>
    %add3A_21 = arith.addf %dot_general3A_17, %add3A : vector<1000x128xf32>
    %get3A_22 = arith.constant 0 : index
    %get3A_23 = arith.constant 0 : index
    %get3A_24 = vector.load %arg4[%get3A_22, %get3A_23] : memref<1000x64xf32, #tpu.memory_space<vmem>>, vector<1000x64xf32>
    %get3A_25 = arith.constant 0 : index
    %get3A_26 = arith.constant 0 : index
    %get3A_27 = vector.load %arg7[%get3A_25, %get3A_26] : memref<64x128xf32, #tpu.memory_space<vmem>>, vector<64x128xf32>
    %dot_general3A_28 = arith.constant dense<0.000000e+00> : vector<1000x128xf32>
    %dot_general3A_29 = tpu.matmul %get3A_24, %get3A_27, %dot_general3A_28 {dimension_numbers = #tpu.dot_dimension_numbers<[1], [0], [0], [1], [0, 0, 1, 1], [], []>, transpose_lhs_hint = false} : vector<1000x64xf32>, vector<64x128xf32>, vector<1000x128xf32> -> vector<1000x128xf32>
    %add3A_30 = arith.addf %add3A_21, %dot_general3A_29 : vector<1000x128xf32>
    %max3A_31 = arith.constant 0.000000e+00 : f32
    %max3A_32 = vector.broadcast %max3A_31 : f32 to vector<1000x128xf32>
    %max3A_33 = arith.maximumf %add3A_30, %max3A_32 : vector<1000x128xf32>
    %get3A_34 = arith.constant 0 : index
    %get3A_35 = arith.constant 0 : index
    %get3A_36 = vector.load %arg8[%get3A_34, %get3A_35] : memref<128x64xf32, #tpu.memory_space<vmem>>, vector<128x64xf32>
    %dot_general3A_37 = arith.constant dense<0.000000e+00> : vector<1000x64xf32>
    %dot_general3A_38 = tpu.matmul %max3A_33, %get3A_36, %dot_general3A_37 {dimension_numbers = #tpu.dot_dimension_numbers<[1], [0], [0], [1], [0, 0, 1, 1], [], []>, transpose_lhs_hint = false} : vector<1000x128xf32>, vector<128x64xf32>, vector<1000x64xf32> -> vector<1000x64xf32>
    %swap3A = arith.constant 0 : index
    %swap3A_39 = arith.constant 0 : index
    %swap3A_40 = vector.load %arg11[%swap3A, %swap3A_39] : memref<1000x64xf32, #tpu.memory_space<vmem>>, vector<1000x64xf32>
    tpu.vector_store %arg11[%swap3A, %swap3A_39], %dot_general3A_38 {strides = array<i32>} : memref<1000x64xf32, #tpu.memory_space<vmem>>, vector<1000x64xf32>,
    %get3A_41 = arith.constant 0 : index
    %get3A_42 = arith.constant 0 : index
    %get3A_43 = vector.load %arg9[%get3A_41, %get3A_42] : memref<128x64xf32, #tpu.memory_space<vmem>>, vector<128x64xf32>
    %dot_general3A_44 = arith.constant dense<0.000000e+00> : vector<1000x64xf32>
    %dot_general3A_45 = tpu.matmul %max3A_33, %get3A_43, %dot_general3A_44 {dimension_numbers = #tpu.dot_dimension_numbers<[1], [0], [0], [1], [0, 0, 1, 1], [], []>, transpose_lhs_hint = false} : vector<1000x128xf32>, vector<128x64xf32>, vector<1000x64xf32> -> vector<1000x64xf32>
    %get3A_46 = arith.constant 0 : index
    %get3A_47 = arith.constant 0 : index
    %get3A_48 = vector.load %arg10[%get3A_46, %get3A_47] : memref<1x64xf32, #tpu.memory_space<vmem>>, vector<1x64xf32>
    %add3A_49 = vector.broadcast %get3A_48 : vector<1x64xf32> to vector<1000x64xf32>
    %add3A_50 = arith.addf %dot_general3A_45, %add3A_49 : vector<1000x64xf32>
    %swap3A_51 = arith.constant 0 : index
    %swap3A_52 = arith.constant 0 : index
    %swap3A_53 = vector.load %arg12[%swap3A_51, %swap3A_52] : memref<1000x64xf32, #tpu.memory_space<vmem>>, vector<1000x64xf32>
    tpu.vector_store %arg12[%swap3A_51, %swap3A_52], %add3A_50 {strides = array<i32>} : memref<1000x64xf32, #tpu.memory_space<vmem>>, vector<1000x64xf32>,
    %swap3A_54 = arith.constant 0 : index
    %swap3A_55 = arith.constant 0 : index
    %swap3A_56 = arith.constant 0 : index
    %swap3A_57 = vector.load %arg13[%swap3A_54, %swap3A_55, %swap3A_56] : memref<1x1000x1xf32, #tpu.memory_space<vmem>>, vector<1x1000x1xf32>
    %swap3A_58 = vector.shape_cast %swap3A_57 : vector<1x1000x1xf32> to vector<1000x1xf32>
    %swap3A_59 = vector.shape_cast %div3A_7 : vector<1000x1xf32> to vector<1x1000x1xf32>
    tpu.vector_store %arg13[%swap3A_54, %swap3A_55, %swap3A_56], %swap3A_59 {strides = array<i32>} : memref<1x1000x1xf32, #tpu.memory_space<vmem>>, vector<1x1000x1xf32>,
    return
  }
  func.func @transform_0(%arg0: i32, %arg1: i32) -> (i32, i32, i32) {
    %c0_i32 = arith.constant 0 : i32
    %c0_i32_0 = arith.constant 0 : i32
    return %arg0, %arg1, %c0_i32 : i32, i32, i32
  }
  func.func @transform_1(%arg0: i32, %arg1: i32) -> (i32, i32, i32) {
    %c0_i32 = arith.constant 0 : i32
    %c0_i32_0 = arith.constant 0 : i32
    return %arg0, %arg1, %c0_i32 : i32, i32, i32
  }
  func.func @transform_2(%arg0: i32, %arg1: i32) -> (i32, i32) {
    %mul3A = arith.constant 25 : i32
    %mul3A_0 = arith.muli %arg0, %mul3A : i32
    %add3A = arith.addi %mul3A_0, %arg1 : i32
    %c0_i32 = arith.constant 0 : i32
    %c0_i32_1 = arith.constant 0 : i32
    return %add3A, %c0_i32 : i32, i32
  }
  func.func @transform_3(%arg0: i32, %arg1: i32) -> (i32, i32) {
    %c0_i32 = arith.constant 0 : i32
    %c0_i32_0 = arith.constant 0 : i32
    %c0_i32_1 = arith.constant 0 : i32
    return %c0_i32, %c0_i32_0 : i32, i32
  }
  func.func @transform_4(%arg0: i32, %arg1: i32) -> (i32, i32) {
    %c0_i32 = arith.constant 0 : i32
    %c0_i32_0 = arith.constant 0 : i32
    %c0_i32_1 = arith.constant 0 : i32
    return %c0_i32, %c0_i32_0 : i32, i32
  }
  func.func @transform_5(%arg0: i32, %arg1: i32) -> (i32, i32) {
    %c0_i32 = arith.constant 0 : i32
    %c0_i32_0 = arith.constant 0 : i32
    %c0_i32_1 = arith.constant 0 : i32
    return %c0_i32, %c0_i32_0 : i32, i32
  }
  func.func @transform_6(%arg0: i32, %arg1: i32) -> (i32, i32) {
    %c0_i32 = arith.constant 0 : i32
    %c0_i32_0 = arith.constant 0 : i32
    %c0_i32_1 = arith.constant 0 : i32
    return %c0_i32, %c0_i32_0 : i32, i32
  }
  func.func @transform_7(%arg0: i32, %arg1: i32) -> (i32, i32) {
    %c0_i32 = arith.constant 0 : i32
    %c0_i32_0 = arith.constant 0 : i32
    %c0_i32_1 = arith.constant 0 : i32
    return %c0_i32, %c0_i32_0 : i32, i32
  }
  func.func @transform_8(%arg0: i32, %arg1: i32) -> (i32, i32) {
    %c0_i32 = arith.constant 0 : i32
    %c0_i32_0 = arith.constant 0 : i32
    %c0_i32_1 = arith.constant 0 : i32
    return %c0_i32, %c0_i32_0 : i32, i32
  }
  func.func @transform_9(%arg0: i32, %arg1: i32) -> (i32, i32) {
    %mul3A = arith.constant 25 : i32
    %mul3A_0 = arith.muli %arg0, %mul3A : i32
    %add3A = arith.addi %mul3A_0, %arg1 : i32
    %c0_i32 = arith.constant 0 : i32
    %c0_i32_1 = arith.constant 0 : i32
    return %add3A, %c0_i32 : i32, i32
  }
  func.func @transform_10(%arg0: i32, %arg1: i32) -> (i32, i32) {
    %mul3A = arith.constant 25 : i32
    %mul3A_0 = arith.muli %arg0, %mul3A : i32
    %add3A = arith.addi %mul3A_0, %arg1 : i32
    %c0_i32 = arith.constant 0 : i32
    %c0_i32_1 = arith.constant 0 : i32
    return %add3A, %c0_i32 : i32, i32
  }
  func.func @transform_11(%arg0: i32, %arg1: i32) -> (i32, i32, i32) {
    %c0_i32 = arith.constant 0 : i32
    %c0_i32_0 = arith.constant 0 : i32
    return %arg0, %arg1, %c0_i32 : i32, i32, i32
  }
}

module attributes {stable_mosaic.version = 14 : i64} {
  func.func @_layer2_tc_body(%arg0: i32, %arg1: i32, %arg2: memref<1x1000x64xf32, #tpu.memory_space<vmem>>, %arg3: memref<1x1000x1xf32, #tpu.memory_space<vmem>>, %arg4: memref<1000x64xf32, #tpu.memory_space<vmem>>, %arg5: memref<1000x64xf32, #tpu.memory_space<vmem>>) attributes {dimension_semantics = [#tpu.dimension_semantics<arbitrary>, #tpu.dimension_semantics<arbitrary>], iteration_bounds = array<i64: 2, 25>, scalar_prefetch = 0 : i64, scratch_operands = 0 : i64, tpu.core_type = #tpu.core_type<tc>, window_params = [{transform_indices = @transform_0, window_bounds = array<i64: 1, 1000, 64>}, {transform_indices = @transform_1, window_bounds = array<i64: 1, 1000, 1>}, {transform_indices = @transform_2, window_bounds = array<i64: 1000, 64>}, {transform_indices = @transform_3, window_bounds = array<i64: 1000, 64>}]} {
    %get3A = arith.constant 0 : index
    %get3A_0 = arith.constant 0 : index
    %get3A_1 = arith.constant 0 : index
    %get3A_2 = vector.load %arg2[%get3A, %get3A_0, %get3A_1] : memref<1x1000x64xf32, #tpu.memory_space<vmem>>, vector<1x1000x64xf32>
    %get3A_3 = vector.shape_cast %get3A_2 : vector<1x1000x64xf32> to vector<1000x64xf32>
    %get3A_4 = arith.constant 0 : index
    %get3A_5 = arith.constant 0 : index
    %get3A_6 = arith.constant 0 : index
    %get3A_7 = vector.load %arg3[%get3A_4, %get3A_5, %get3A_6] : memref<1x1000x1xf32, #tpu.memory_space<vmem>>, vector<1x1000x1xf32>
    %get3A_8 = vector.shape_cast %get3A_7 : vector<1x1000x1xf32> to vector<1000x1xf32>
    %mul3A = vector.broadcast %get3A_8 : vector<1000x1xf32> to vector<1000x64xf32>
    %mul3A_9 = arith.mulf %get3A_3, %mul3A : vector<1000x64xf32>
    %get3A_10 = arith.constant 0 : index
    %get3A_11 = arith.constant 0 : index
    %get3A_12 = vector.load %arg4[%get3A_10, %get3A_11] : memref<1000x64xf32, #tpu.memory_space<vmem>>, vector<1000x64xf32>
    %add3A = arith.addf %mul3A_9, %get3A_12 : vector<1000x64xf32>
    %swap3A = arith.constant 0 : index
    %swap3A_13 = arith.constant 0 : index
    %swap3A_14 = vector.load %arg5[%swap3A, %swap3A_13] : memref<1000x64xf32, #tpu.memory_space<vmem>>, vector<1000x64xf32>
    tpu.vector_store %arg5[%swap3A, %swap3A_13], %add3A {strides = array<i32>} : memref<1000x64xf32, #tpu.memory_space<vmem>>, vector<1000x64xf32>,
    return
  }
  func.func @transform_0(%arg0: i32, %arg1: i32) -> (i32, i32, i32) {
    %c0_i32 = arith.constant 0 : i32
    %c0_i32_0 = arith.constant 0 : i32
    return %arg0, %arg1, %c0_i32 : i32, i32, i32
  }
  func.func @transform_1(%arg0: i32, %arg1: i32) -> (i32, i32, i32) {
    %c0_i32 = arith.constant 0 : i32
    %c0_i32_0 = arith.constant 0 : i32
    return %arg0, %arg1, %c0_i32 : i32, i32, i32
  }
  func.func @transform_2(%arg0: i32, %arg1: i32) -> (i32, i32) {
    %mul3A = arith.constant 25 : i32
    %mul3A_0 = arith.muli %arg0, %mul3A : i32
    %add3A = arith.addi %mul3A_0, %arg1 : i32
    %c0_i32 = arith.constant 0 : i32
    %c0_i32_1 = arith.constant 0 : i32
    return %add3A, %c0_i32 : i32, i32
  }
  func.func @transform_3(%arg0: i32, %arg1: i32) -> (i32, i32) {
    %mul3A = arith.constant 25 : i32
    %mul3A_0 = arith.muli %arg0, %mul3A : i32
    %add3A = arith.addi %mul3A_0, %arg1 : i32
    %c0_i32 = arith.constant 0 : i32
    %c0_i32_1 = arith.constant 0 : i32
    return %add3A, %c0_i32 : i32, i32
  }
}

</mosaic_0001>

<sc_bundles>
// kernel: sc_segsum.3.cloned.1.call-start
scs
__scs_entry_jumppad:
0x0: {  	(pc) =	sbr.rel $0x88, $3  }
0x1: {  	(tag) =	ssettag $0x0;
	lr =	simm.s32 $0x1  }
0x2: {  	[smem:$0x3F98] =	sst lr;
	_ =	strace $0xD0000000  }
0x3: {  	_ = 	snop  }
0x4: {  	_ = 	snop  }
0x5: {  	_ = 	snop  }
0x6: {  	_ = 	snop  }
0x7: {  	_ = 	snop  }
__scs_overlays_trampoline_lowered:
0x8: {  	[smem:$0x3FA7] =	sst s0  }
0x9: {  	[smem:$0x3FA8] =	sst s1  }
0xa: {  	[smem:$0x3FA9] =	sst s2  }
0xb: {  	[smem:$0x3FAA] =	sst s3  }
0xc: {  	[smem:$0x3FAB] =	sst s4  }
0xd: {  	[smem:$0x3FAC] =	sst s5  }
0xe: {  	[smem:$0x3FAD] =	sst s6  }
0xf: {  	[smem:$0x3FAE] =	sst s7  }
0x10: {  	[smem:$0x3FAF] =	sst s8  }
0x11: {  	[smem:$0x3FB0] =	sst s9;
	s0 =	simm.s32 @!p0 $0x0  }
0x12: {  	s1 =	sld [smem:$0x3F96];
	s0 =	simm.s32 @p0 $0x1  }
0x13: {  	[smem:$0x3FB1] =	sst s0;
	s0 =	simm.s32 @!p1 $0x0  }
0x14: {  	s2 =	sld [smem:$0x3F95];
	s0 =	simm.s32 @p1 $0x1  }
0x15: {  	[smem:$0x3FB2] =	sst s0;
	s0 =	simm.s32 @!p2 $0x0  }
0x16: {  	s3 =	sld [smem:$0x3FDB];
	s0 =	simm.s32 @p2 $0x1  }
0x17: {  	s4 =	simm.s32 $0x1BF5;
	[smem:$0x3FB4] =	sst s0  }
0x18: {  	s0 =	sld [smem:$0x3F97];
	_ =	swait.ge [sflag:s4], $0x0  }
0x19: {  	s7 =	sld [smem:$0x3F98]  }
0x1a: {  	s8 =	sadd.s32 $0xFFFFE003, lr  }
0x1b: {  	s9 =	sadd.s32 $0xFFFFFEF7, lr;
	s5 =	simm.s32 $0xFFFFFFFF;
	p2 =	slt.u32 s8, $0xFFFFF086  }
0x1c: {  	p1 =	slt.u32 s9, $0xF7A;
	s5 =	simm.s32 @!p2 $0x0  }
0x1d: {  	s5 =	simm.s32 @p1 $0x1;
	p0 =	seq.s32 s7, s2  }
0x1e: {  	s7 =	smul.u32 @!p0 $0xF7A, s2;
	p2 =	seq.s32 @!p0 s5, $0x0  }
0x1f: {  	s9 =	smul.u32 $0xF7A, s1;
	s8 =	simm.s32 @!p0 $0x1BF5;
	p2 =	por !p2, p0  }
0x20: {  	[sflag:s8] =	ssyncset.s32 @!p0 $0xFFFFF086;
	s6 =	sadd.s32 @!p0 s3, s7;
	s7 =	simm.s32 @!p0 $0x108  }
0x21: {  	s3 =	sadd.s32 s3, s9;
	s6 =	sadd.s32 @!p0 $0x88, s6;
	s7 =	simm.s32 @p2 $0x1082  }
0x22: {  	[simem:s7], [sflag:s8] =	dma.local @!p0 [hbm:s6], $0xF7A  }
0x23: {  	s9 =	sor.u32 $0xD0000000, s2;
	s6 =	simm.s32 $0x108;
	_ =	swait.ge @!p0 [sflag:s8], $0x0  }
0x24: {  	s3 =	sadd.s32 $0x88, s3;
	s6 =	simm.s32 @!p1 $0x1082;
	[sflag:s4] =	ssyncset.s32 $0xFFFFF086  }
0x25: {  	[simem:s6], [sflag:s4] =	dma.local [hbm:s3], $0xF7A  }
0x26: {  	[smem:$0x3F98] =	sst s1;
	(tag) =	ssettag s2;
	_ =	strace s9  }
0x27: {  	s1 =	sld [smem:$0x3FA8]  }
0x28: {  	s2 =	sld [smem:$0x3FA9]  }
0x29: {  	s4 =	sld [smem:$0x3FAB]  }
0x2a: {  	p0 =	seq.s32 s5, $0x0;
	s5 =	sld [smem:$0x3FAC]  }
0x2b: {  	s6 =	sld [smem:$0x3FAD]  }
0x2c: {  	s7 =	sld [smem:$0x3FAE]  }
0x2d: {  	s3 =	simm.s32 $0x108;
	s8 =	sld [smem:$0x3FAF]  }
0x2e: {  	s3 =	simm.s32 @!p0 $0x1082;
	s9 =	sld [smem:$0x3FB0]  }
0x2f: {  	lr =	sadd.s32 s0, s3;
	s0 =	sld [smem:$0x3FA7]  }
0x30: {  	s3 =	sld [smem:$0x3FAA]  }
0x31: {  	[smem:$0x3FB3] =	sst s10  }
0x32: {  	s10 =	sld [smem:$0x3FB1];
	_ =	sdelay $0x3  }
0x33: {  	p0 =	seq.s32 s10, $0x1;
	s10 =	sld [smem:$0x3FB3];
	_ =	sdelay $0x3  }
0x34: {  	[smem:$0x3FB3] =	sst s10  }
0x35: {  	s10 =	sld [smem:$0x3FB2];
	_ =	sdelay $0x3  }
0x36: {  	p1 =	seq.s32 s10, $0x1;
	s10 =	sld [smem:$0x3FB3];
	_ =	sdelay $0x3  }
0x37: {  	[smem:$0x3FB3] =	sst s10  }
0x38: {  	s10 =	sld [smem:$0x3FB4]  }
0x39: {  	_ = 	snop;
	(pc) =	sbr.ind lr, $3  }
0x3a: {  	_ = 	snop  }
0x3b: {  	_ = 	snop  }
0x3c: {  	p2 =	seq.s32 s10, $0x1;
	s10 =	sld [smem:$0x3FB3]  }
0x3d: {  	_ =	shalt  }
0x3e: {  	_ =	shalt  }
0x3f: {  	_ =	shalt  }
0x40: {  	_ =	shalt  }
0x41: {  	_ =	shalt  }
0x42: {  	_ =	shalt  }
0x43: {  	_ =	shalt  }
0x44: {  	_ =	shalt  }
0x45: {  	_ =	shalt  }
0x46: {  	_ =	shalt  }
0x47: {  	_ =	shalt  }
0x48: {  	_ =	shalt  }
0x49: {  	_ =	shalt  }
0x4a: {  	_ =	shalt  }
0x4b: {  	_ =	shalt  }
0x4c: {  	_ =	shalt  }
0x4d: {  	_ =	shalt  }
0x4e: {  	_ =	shalt  }
0x4f: {  	_ =	shalt  }
0x50: {  	_ =	shalt  }
0x51: {  	_ =	shalt  }
0x52: {  	_ =	shalt  }
0x53: {  	_ =	shalt  }
0x54: {  	_ =	shalt  }
0x55: {  	_ =	shalt  }
0x56: {  	_ =	shalt  }
0x57: {  	_ =	shalt  }
0x58: {  	_ =	shalt  }
0x59: {  	_ =	shalt  }
0x5a: {  	_ =	shalt  }
0x5b: {  	_ =	shalt  }
0x5c: {  	_ =	shalt  }
0x5d: {  	_ =	shalt  }
0x5e: {  	_ =	shalt  }
0x5f: {  	_ =	shalt  }
0x60: {  	_ =	shalt  }
0x61: {  	_ =	shalt  }
0x62: {  	_ =	shalt  }
0x63: {  	_ =	shalt  }
0x64: {  	_ =	shalt  }
0x65: {  	_ =	shalt  }
0x66: {  	_ =	shalt  }
0x67: {  	_ =	shalt  }
0x68: {  	_ =	shalt  }
0x69: {  	_ =	shalt  }
0x6a: {  	_ =	shalt  }
0x6b: {  	_ =	shalt  }
0x6c: {  	_ =	shalt  }
0x6d: {  	_ =	shalt  }
0x6e: {  	_ =	shalt  }
0x6f: {  	_ =	shalt  }
0x70: {  	_ =	shalt  }
0x71: {  	_ =	shalt  }
0x72: {  	_ =	shalt  }
0x73: {  	_ =	shalt  }
0x74: {  	_ =	shalt  }
0x75: {  	_ =	shalt  }
0x76: {  	_ =	shalt  }
0x77: {  	_ =	shalt  }
0x78: {  	_ =	shalt  }
0x79: {  	_ =	shalt  }
0x7a: {  	_ =	shalt  }
0x7b: {  	_ =	shalt  }
0x7c: {  	_ =	shalt  }
0x7d: {  	_ =	shalt  }
0x7e: {  	_ =	shalt  }
0x7f: {  	_ =	shalt  }
0x80: {  	_ =	shalt  }
0x81: {  	_ =	shalt  }
0x82: {  	_ =	shalt  }
0x83: {  	_ =	shalt  }
0x84: {  	_ =	shalt  }
0x85: {  	_ =	shalt  }
0x86: {  	_ =	shalt  }
0x87: {  	_ =	shalt  }
.Lfunc_end0:
.L_simem_size_0:
called_computation.1_lowered:
.L_overlay_start_0:
0x88: {  	s2 =	sld [smem:$0x3FD9]  }
0x89: {  	s3 =	sld [smem:$0x3FFE];
	_ =	sdelay $0x1  }
0x8a: {  	s1 =	srdreg.scid  }
0x8b: {  	s0 =	sand.u32 $0x1, s1  }
0x8c: {  	s17 =	sshll.u32 s0, $0xA;
	s2 =	sadd.s32 s3, s2  }
0x8d: {  	s2 =	sadd.s32 s2, s17  }
0x8e: {  	[smem:$0x3FBF] =	sst s2  }
0x8f: {  	_ = 	snop  }
0x90: {  	s2 =	sld [smem:$0x3FD0];
	(tm) =	ssettm $0x1  }
0x91: {  	s18 =	sld [smem:$0x3FFB];
	_ =	sdelay $0x3  }
0x92: {  	_ =	strace s18  }
0x93: {  	s3 =	sld [smem:$0x3FFC];
	_ =	sdelay $0x3  }
0x94: {  	_ =	strace s3  }
0x95: {  	s3 =	sld [smem:$0x3FFD];
	_ =	sdelay $0x3  }
0x96: {  	_ =	strace s3  }
0x97: {  	_ =	strace $0x8FFFFFFF  }
0x98: {  	s19 =	sld [smem:$0x3FDB];
	_ =	sdelay $0x1  }
0x99: {  	s4 =	simm.s32 $_scs_section_size  }
0x9a: {  	s5 =	simm.s32 $_size__tile_overlayer_lowered;
	s6 =	simm.s32 $_tile_overlayer_lowered  }
0x9b: {  	s22 =	simm.s32 $0x1BFF;
	s21 =	sshll.u32 s6, $0x1;
	s3 =	sadd.s32 s4, s19  }
0x9c: {  	s7 =	simm.s32 $0x0;
	s20 =	sshll.u32 s5, $0x1;
	s5 =	sadd.s32 s21, s3  }
0x9d: {  	[timem:s7], [sflag:s22] =	dma.local [hbm:s5], s20  }
0x9e: {  	_ =	swait.ge [sflag:s22], s20  }
0x9f: {  	s4 =	ssub.s32 $0x0, s20;
	[sflag:s22] =	ssyncset.done $0x0  }
0xa0: {  	[sflag:s22] =	ssyncadd.s32 s4;
	_ =	sdelay $0x1  }
0xa1: {  	s23 =	simm.s32 $0x1B8B  }
0xa2: {  	_ =	swait.ge [sflag:s23], $0x1  }
0xa3: {  	[sflag:s23] =	ssyncset.done $0x0  }
0xa4: {  	s25 =	simm.s32 $0x1B8E;
	s24 =	sld [smem:$0x3FFE];
	[sflag:s23] =	ssyncadd.s32 $0xFFFFFFFF  }
0xa5: {  	s26 =	simm.s32 $execute0_lowered;
	[smem:$0x3FD2] =	sst s25  }
0xa6: {  	s5 =	sshll.u32 s26, $0x1;
	_ =	strace $0x80000049;
	[dreg:$0x1] =	wrdreg $0xFFFFFFFF  }
0xa7: {  	s28 =	simm.s32 $_size_execute0_lowered;
	s3 =	sadd.s32 s3, s5;
	[dreg:$0x0] =	wrdreg $0x0  }
0xa8: {  	s5 =	sshll.u32 s28, $0x1;
	[dreg:$0x2] =	wrdreg s3  }
0xa9: {  	[dreg:$0x3] =	wrdreg s5  }
0xaa: {  	[dreg:$0x4] =	wrdreg $0xC0  }
0xab: {  	_ =	task [dreg:s7], $0x5FFFF  }
0xac: {  	[dreg:$0x1] =	wrdreg $0xFFFFFFFF  }
0xad: {  	[dreg:$0x0] =	wrdreg $0x60  }
0xae: {  	[dreg:$0x2] =	wrdreg s24  }
0xaf: {  	[dreg:$0x3] =	wrdreg s2  }
0xb0: {  	[dreg:$0x4] =	wrdreg $0x63A00  }
0xb1: {  	[dreg:$0x5] =	wrdreg $0x9  }
0xb2: {  	_ =	task.clear_ibuf [dreg:s7], $0x6FFFF;
	_ =	strace $0x90000049  }
0xb3: {  	s29 =	simm.s32 $0x9;
	_ =	strace $0x8000004B  }
0xb4: {  	_ =	swait.ge [sflag:s29], $0x1  }
0xb5: {  	[sflag:s29] =	ssyncadd.s32 $0xFFFFFFFF  }
0xb6: {  	_ =	strace $0x9000004B  }
0xb7: {  	_ =	sfence  }
0xb8: {  	s30 =	sld [smem:$0x0];
	_ =	sdelay $0x2  }
0xb9: {  	s31 =	sshll.u32 s1, $0xD;
	s1 =	sshrl.u32 s1, $0x2  }
0xba: {  	s3 =	sand.u32 $0x4000, s31;
	s1 =	sadd.s32 s1, s30  }
0xbb: {  	s0 =	sor.u32 s3, s0;
	s1 =	sshll.u32 s1, $0x11  }
0xbc: {  	s0 =	sor.u32 s1, s0  }
0xbd: {  	s0 =	sadd.s32 $0x8F2B, s0  }
0xbe: {  	[sflag:s0] =	ssyncadd.remote.s32 $0x1  }
0xbf: {  	_ =	sfence.sel $0xFFFF  }
0xc0: {  	[dreg:$0x0] =	wrdreg $0xFFFFFFFF;
	(pc) =	sbr.abs _section_cstart, $3  }
0xc1: {  	[dreg:$0x1] =	wrdreg $0xFFFFFFFF  }
0xc2: {  	_ =	task.clear_ibuf [dreg:s7], $0x2FFFF;
	_ =	strace $0x9FFFFFFF  }
0xc3: {  	(tm) =	ssettm $0x7FFFFFFF  }
tec
execute0_lowered:
.L_overlay_start_1:
0x0: {  	(tag) =	ssettag $0x1  }
0x1: {  	s0 =	rddreg [dreg:$0x0]  }
0x2: {  	s1 =	rddreg [dreg:$0x1]  }
0x3: {  	s2 =	rddreg [dreg:$0x2];
	s12 =	stileid.u32  }
0x4: {  	s3 =	srdreg.scid;
	s6 =	smul.u32 $0x18800, s12  }
0x5: {  	s4 =	simm.s32 $0x0;
	s28 =	simm.s32 $0xB;
	s19 =	smul.u32 $0xC300, s12  }
0x6: {  	s29 =	simm.s32 $0x180;
	s30 =	simm.s32 $0x1;
	s10 =	smul.u32 $0xA, s12  }
0x7: {  	s31 =	simm.s32 $0x80;
	s3 =	sand.u32 $0x1, s3;
	s22 =	smul.u32 $0x62000, s12  }
0x8: {  	[smem:$0x7FF] =	sst s4;
	s7 =	sadd.s32 $0x1AA00, s0;
	s14 =	smul.u32 $0x1860, s12  }
0x9: {  	s8 =	sadd.s32 $0x2200, s0;
	s9 =	sadd.s32 $0xF6A00, s0;
	s5 =	smul.u32 $0x188000, s3  }
0xa: {  	_ =	strace $0x8000004A;
	[dreg:$0x6] =	wrdreg s9;
	s21 =	sshrl.u32 s19, $0x3  }
0xb: {  	s18 =	ssub.s32 $0x2, s3;
	s24 =	sor.u32 $0x18600, s10;
	s23 =	sadd.s32 s7, s21  }
0xc: {  	s5 =	sadd.s32 s6, s5;
	s6 =	sadd.s32 s8, s21;
	[dreg:$0x7] =	wrdreg s23  }
0xd: {  	s19 =	smul.u32 $0x61A8, s3;
	s25 =	sadd.s32 s7, s24;
	[dreg:$0x8] =	wrdreg s6  }
0xe: {  	s26 =	sshrl.u32 s22, $0x2;
	s3 =	sadd.s32 s8, s24;
	[dreg:$0x9] =	wrdreg s25  }
0xf: {  	s11 =	sadd.s32 s26, s2;
	s21 =	sadd.s32 s14, s8;
	[dreg:$0xa] =	wrdreg s3  }
0x10: {  	s12 =	simm.s32 $0x5;
	s10 =	sadd.s32 $0x1C00, s11;
	[dreg:$0x4] =	wrdreg s21  }
0x11: {  	s20 =	sshrl.u32 s18, $0x1;
	s13 =	sadd.s32 $0x3800, s11;
	[dreg:$0xc] =	wrdreg s10  }
0x12: {  	s8 =	simm.s32 $0x280;
	s15 =	sadd.s32 $0x5400, s11;
	[dreg:$0xd] =	wrdreg s13  }
0x13: {  	s5 =	sshrl.u32 s5, $0x3;
	s16 =	sadd.s32 $0x7000, s11;
	[dreg:$0xe] =	wrdreg s15  }
0x14: {  	s17 =	sadd.s32 $0x8C00, s11;
	s6 =	sadd.s32 $0xE000, s11;
	[dreg:$0xf] =	wrdreg s16  }
0x15: {  	s22 =	sadd.s32 $0xFC00, s11;
	s23 =	sadd.s32 $0x11800, s11;
	[dreg:$0x10] =	wrdreg s17  }
0x16: {  	s3 =	sadd.s32 s14, s7;
	s24 =	sadd.s32 $0x13400, s11;
	[dreg:$0x13] =	wrdreg s6  }
0x17: {  	s25 =	sadd.s32 $0x15000, s11;
	s26 =	sadd.s32 $0x16C00, s11;
	[dreg:$0x14] =	wrdreg s22  }
0x18: {  	s7 =	simm.s32 $0x100;
	s14 =	simm.s32 $0x6;
	[dreg:$0x15] =	wrdreg s23  }
0x19: {  	v0 =	vmov s19;
	s19 =	simm.s32 $0x50;
	s21 =	simm.s32 $0x0;
	[dreg:$0x16] =	wrdreg s24  }
0x1a: {  	s0 =	sadd.s32 s5, s0;
	s5 =	ssub.s32 s18, s20;
	[dreg:$0x5] =	wrdreg s3  }
0x1b: {  	s18 =	sadd.s32 $0xA800, s11;
	s20 =	sadd.s32 $0xC400, s11;
	[dreg:$0x17] =	wrdreg s25  }
0x1c: {  	[dreg:$0x18] =	wrdreg s26;
	s26 =	simm.s32 $0x300;
	s3 =	simm.s32 $0x2  }
0x1d: {  	s6 =	simm.s32 $0x4;
	s10 =	simm.s32 $0x4300;
	s13 =	simm.s32 $0x7  }
0x1e: {  	s15 =	simm.s32 $0x8;
	s16 =	simm.s32 $0x9;
	[dreg:$0x11] =	wrdreg s18  }
0x1f: {  	s9 =	smax.u32 s5, $0x1;
	[dreg:$0x12] =	wrdreg s20;
	s24 =	sadd.s32 $0x33200, s0  }
0x20: {  	s0 =	simm.s32 $0x200;
	s5 =	simm.s32 $0x2300;
	s18 =	simm.s32 $0x6350  }
0x21: {  	s20 =	simm.s32 $0xA;
	[dreg:$0xb] =	wrdreg s9;
	s9 =	simm.s32 $0x3  }
.LBB2_1:
0x22: {  	s17 =	rddreg [dreg:$0x6]  }
0x23: {  	[tilespmem:s26], [sflag:$0xB] =	stream.linear.gather [hbm4b:s17+s4], $0x1C00, $0x38;
	[tilespmem:$0x1ECA0] =	vst v63  }
0x24: {  	_ =	swait.ge [sflag:s28], $0x1C00  }
0x25: {  	[sflag:s28] =	ssyncset.done $0x0  }
0x26: {  	[sflag:s28] =	ssyncadd.s32 $0xFFFFE400  }
0x27: {  	[spmem:s11] =	stream.linear.scatter [tilespmem:s26], [sflag:$0xB], $0x1C00, $0x38;
	[tilespmem:$0x1ECA0] =	vst v63  }
0x28: {  	_ =	swait.ge [sflag:s28], $0x1C00  }
0x29: {  	[sflag:s28] =	ssyncset.done $0x0  }
0x2a: {  	s22 =	rddreg [dreg:$0xc];
	[sflag:s28] =	ssyncadd.s32 $0xFFFFE400  }
0x2b: {  	[spmem:s22] =	stream.linear.scatter [tilespmem:s26], [sflag:$0xB], $0x1C00, $0x38;
	[tilespmem:$0x1ECA0] =	vst v63  }
0x2c: {  	_ =	swait.ge [sflag:s28], $0x1C00  }
0x2d: {  	[sflag:s28] =	ssyncset.done $0x0  }
0x2e: {  	s23 =	rddreg [dreg:$0xd];
	[sflag:s28] =	ssyncadd.s32 $0xFFFFE400  }
0x2f: {  	[spmem:s23] =	stream.linear.scatter [tilespmem:s26], [sflag:$0xB], $0x1C00, $0x38;
	[tilespmem:$0x1ECA0] =	vst v63  }
0x30: {  	_ =	swait.ge [sflag:s28], $0x1C00  }
0x31: {  	[sflag:s28] =	ssyncset.done $0x0  }
0x32: {  	s25 =	rddreg [dreg:$0xe];
	[sflag:s28] =	ssyncadd.s32 $0xFFFFE400  }
0x33: {  	[spmem:s25] =	stream.linear.scatter [tilespmem:s26], [sflag:$0xB], $0x1C00, $0x38;
	[tilespmem:$0x1ECA0] =	vst v63  }
0x34: {  	_ =	swait.ge [sflag:s28], $0x1C00  }
0x35: {  	[sflag:s28] =	ssyncset.done $0x0  }
0x36: {  	s22 =	rddreg [dreg:$0xf];
	[sflag:s28] =	ssyncadd.s32 $0xFFFFE400  }
0x37: {  	[spmem:s22] =	stream.linear.scatter [tilespmem:s26], [sflag:$0xB], $0x1C00, $0x38;
	[tilespmem:$0x1ECA0] =	vst v63  }
0x38: {  	_ =	swait.ge [sflag:s28], $0x1C00  }
0x39: {  	[sflag:s28] =	ssyncset.done $0x0  }
0x3a: {  	s23 =	rddreg [dreg:$0x10];
	[sflag:s28] =	ssyncadd.s32 $0xFFFFE400  }
0x3b: {  	[spmem:s23] =	stream.linear.scatter [tilespmem:s26], [sflag:$0xB], $0x1C00, $0x38;
	[tilespmem:$0x1ECA0] =	vst v63  }
0x3c: {  	_ =	swait.ge [sflag:s28], $0x1C00  }
0x3d: {  	[sflag:s28] =	ssyncset.done $0x0  }
0x3e: {  	s25 =	rddreg [dreg:$0x11];
	[sflag:s28] =	ssyncadd.s32 $0xFFFFE400  }
0x3f: {  	[spmem:s25] =	stream.linear.scatter [tilespmem:s26], [sflag:$0xB], $0x1C00, $0x38;
	[tilespmem:$0x1ECA0] =	vst v63  }
0x40: {  	_ =	swait.ge [sflag:s28], $0x1C00  }
0x41: {  	[sflag:s28] =	ssyncset.done $0x0  }
0x42: {  	s22 =	rddreg [dreg:$0x12];
	[sflag:s28] =	ssyncadd.s32 $0xFFFFE400  }
0x43: {  	[spmem:s22] =	stream.linear.scatter [tilespmem:s26], [sflag:$0xB], $0x1C00, $0x38;
	[tilespmem:$0x1ECA0] =	vst v63  }
0x44: {  	_ =	swait.ge [sflag:s28], $0x1C00  }
0x45: {  	[sflag:s28] =	ssyncset.done $0x0  }
0x46: {  	s23 =	rddreg [dreg:$0x13];
	[sflag:s28] =	ssyncadd.s32 $0xFFFFE400  }
0x47: {  	[spmem:s23] =	stream.linear.scatter [tilespmem:s26], [sflag:$0xB], $0x1C00, $0x38;
	[tilespmem:$0x1ECA0] =	vst v63  }
0x48: {  	_ =	swait.ge [sflag:s28], $0x1C00  }
0x49: {  	[sflag:s28] =	ssyncset.done $0x0  }
0x4a: {  	s25 =	rddreg [dreg:$0x14];
	[sflag:s28] =	ssyncadd.s32 $0xFFFFE400  }
0x4b: {  	[spmem:s25] =	stream.linear.scatter [tilespmem:s26], [sflag:$0xB], $0x1C00, $0x38;
	[tilespmem:$0x1ECA0] =	vst v63  }
0x4c: {  	_ =	swait.ge [sflag:s28], $0x1C00  }
0x4d: {  	[sflag:s28] =	ssyncset.done $0x0  }
0x4e: {  	s22 =	rddreg [dreg:$0x15];
	[sflag:s28] =	ssyncadd.s32 $0xFFFFE400  }
0x4f: {  	[spmem:s22] =	stream.linear.scatter [tilespmem:s26], [sflag:$0xB], $0x1C00, $0x38;
	[tilespmem:$0x1ECA0] =	vst v63  }
0x50: {  	_ =	swait.ge [sflag:s28], $0x1C00  }
0x51: {  	[sflag:s28] =	ssyncset.done $0x0  }
0x52: {  	s23 =	rddreg [dreg:$0x16];
	[sflag:s28] =	ssyncadd.s32 $0xFFFFE400  }
0x53: {  	[spmem:s23] =	stream.linear.scatter [tilespmem:s26], [sflag:$0xB], $0x1C00, $0x38;
	[tilespmem:$0x1ECA0] =	vst v63  }
0x54: {  	_ =	swait.ge [sflag:s28], $0x1C00  }
0x55: {  	[sflag:s28] =	ssyncset.done $0x0  }
0x56: {  	s25 =	rddreg [dreg:$0x17];
	[sflag:s28] =	ssyncadd.s32 $0xFFFFE400  }
0x57: {  	[spmem:s25] =	stream.linear.scatter [tilespmem:s26], [sflag:$0xB], $0x1C00, $0x38;
	[tilespmem:$0x1ECA0] =	vst v63  }
0x58: {  	_ =	swait.ge [sflag:s28], $0x1C00  }
0x59: {  	[sflag:s28] =	ssyncset.done $0x0  }
0x5a: {  	s22 =	rddreg [dreg:$0x18];
	[sflag:s28] =	ssyncadd.s32 $0xFFFFE400  }
0x5b: {  	[spmem:s22] =	stream.linear.scatter [tilespmem:s26], [sflag:$0xB], $0x1C00, $0x38;
	[tilespmem:$0x1ECA0] =	vst v63  }
0x5c: {  	_ =	swait.ge [sflag:s28], $0x1C00  }
0x5d: {  	[sflag:s28] =	ssyncset.done $0x0  }
0x5e: {  	[sflag:s28] =	ssyncadd.s32 $0xFFFFE400  }
0x5f: {  	[bflag:$0x0] =	sbarrier.arrive $0xFFFF  }
0x60: {  	s23 =	rddreg [dreg:$0x7]  }
0x61: {  	[tilespmem:s4], [sflag:$0x1] =	stream.linear.gather [hbm4b:s23+s4], $0x80, $0x38;
	[tilespmem:$0x1ECA0] =	vst v63  }
0x62: {  	s22 =	simm.s32 $0x0;
	s25 =	rddreg [dreg:$0x8]  }
0x63: {  	[tilespmem:s29], [sflag:$0x1] =	stream.linear.gather [hbm4b:s25+s4], $0x80, $0x38;
	[tilespmem:$0x1ECA0] =	vst v63  }
.LBB2_2:
0x64: {  	_ =	swait.ge [sflag:s30], $0x80  }
0x65: {  	[sflag:s30] =	ssyncset.done $0x0  }
0x66: {  	[sflag:s30] =	ssyncadd.s32 $0xFFFFFF80  }
0x67: {  	_ =	swait.ge [sflag:s30], $0x80  }
0x68: {  	[sflag:s30] =	ssyncset.done $0x0  }
0x69: {  	[sflag:s30] =	ssyncadd.s32 $0xFFFFFF80  }
0x6a: {  	v1 =	vld [tilespmem:$0x180]  }
0x6b: {  	v2 =	vld [tilespmem:$0x190]  }
0x6c: {  	v3 =	vld [tilespmem:$0x1A0]  }
0x6d: {  	v5 =	vld [tilespmem:$0x1B0]  }
0x6e: {  	v7 =	vld [tilespmem:$0x1C0]  }
0x6f: {  	v24 =	vld [tilespmem:$0x1D0]  }
0x70: {  	v9 =	vld [tilespmem:$0x1E0]  }
0x71: {  	v10 =	vld [tilespmem:$0x1F0]  }
0x72: {  	v4 =	vsub.s32 v1, v0;
	v1 =	vand.u32 $0x3F, v1;
	v6 =	vsub.s32 v2, v0  }
0x73: {  	v2 =	vand.u32 $0x3F, v2;
	v23 =	vsub.s32 v3, v0;
	v3 =	vand.u32 $0x3F, v3  }
0x74: {  	v8 =	vsub.s32 v5, v0;
	v25 =	vand.u32 $0x3F, v5;
	v26 =	vsub.s32 v7, v0  }
0x75: {  	v7 =	vand.u32 $0x3F, v7;
	v28 =	vsub.s32 v24, v0;
	v29 =	vand.u32 $0x3F, v24  }
0x76: {  	v30 =	vsub.s32 v9, v0;
	v31 =	vand.u32 $0x3F, v10;
	vm0 =	vlt.u32 v4, $0x61A8  }
0x77: {  	v1 =	vor.u32 $0x6200, v1;
	vm5 =	vlt.u32 v6, $0x61A8;
	v2 =	vor.u32 $0x6200, v2  }
0x78: {  	vm6 =	vlt.u32 v23, $0x61A8;
	v3 =	vor.u32 $0x6200, v3;
	v1 =	vsel vm0, v4, v1  }
0x79: {  	vm7 =	vlt.u32 v8, $0x61A8;
	vm8 =	vlt.u32 v26, $0x61A8;
	v2 =	vsel vm5, v6, v2;
	[tilespmem:$0x180] =	vst v1  }
0x7a: {  	v27 =	vor.u32 $0x6200, v7;
	v3 =	vsel vm6, v23, v3;
	v4 =	vor.u32 $0x6200, v25;
	[tilespmem:$0x190] =	vst v2  }
0x7b: {  	vm9 =	vlt.u32 v28, $0x61A8;
	v1 =	vsel vm7, v8, v4;
	[tilespmem:$0x1A0] =	vst v3;
	v3 =	vor.u32 $0x6200, v29  }
0x7c: {  	v2 =	vsel vm8, v26, v27;
	[tilespmem:$0x1B0] =	vst v1;
	v1 =	vsel vm9, v28, v3;
	v3 =	vand.u32 $0x3F, v9  }
0x7d: {  	vm10 =	vlt.u32 v30, $0x61A8;
	[tilespmem:$0x1C0] =	vst v2;
	v2 =	vor.u32 $0x6200, v3;
	v3 =	vsub.s32 v10, v0  }
0x7e: {  	[tilespmem:$0x1D0] =	vst v1;
	v1 =	vsel vm10, v30, v2;
	vm11 =	vlt.u32 v3, $0x61A8;
	v2 =	vor.u32 $0x6200, v31  }
0x7f: {  	p0 =	seq.s32 s22, $0x0;
	[tilespmem:$0x1E0] =	vst v1;
	v1 =	vsel vm11, v3, v2  }
0x80: {  	s23 =	simm.s32 @!p0 $0x6;
	[tilespmem:$0x1F0] =	vst v1  }
0x81: {  	[tilespmem:s26], [sflag:$0x4] =	stream.indirect.gather [hbm4b:s1+s31], $0x40, s4, s31, $0xb8;
	[tilespmem:$0x1ECA0] =	vst v63  }
0x82: {  	_ =	swait.ge @!p0 [sflag:s23], $0x2000  }
0x83: {  	s25 =	simm.s32 @!p0 $0x280;
	[sflag:s23] =	ssyncset.done @!p0 $0x0  }
0x84: {  	s17 =	simm.s32 @!p0 $0x4300;
	[sflag:s23] =	ssyncadd.s32 @!p0 $0xFFFFE000;
	s23 =	simm.s32 @!p0 $0x80  }
0x85: {  	[spmem:s2] =	stream.indirect.scatter.add.f32 @!p0 [tilespmem:s17], [sflag:$0x9], $0x40, s25, s23, $0xb8;
	[tilespmem:$0x1ECA0] =	vst v63  }
0x86: {  	s17 =	simm.s32 @!p0 $0x8  }
0x87: {  	_ =	swait.ge @!p0 [sflag:s17], $0x2000  }
0x88: {  	s25 =	rddreg [dreg:$0x5]  }
0x89: {  	[sflag:s17] =	ssyncset.done @!p0 $0x0;
	s23 =	sadd.s32 s22, s25;
	s25 =	rddreg [dreg:$0x4]  }
0x8a: {  	[sflag:s17] =	ssyncadd.s32 @!p0 $0xFFFFE000;
	s17 =	sadd.s32 $0x10, s23;
	s25 =	sadd.s32 s22, s25  }
0x8b: {  	[tilespmem:s31], [sflag:$0x2] =	stream.linear.gather [hbm4b:s17+s4], $0x80, $0x38;
	[tilespmem:$0x1ECA0] =	vst v63  }
0x8c: {  	s17 =	sadd.s32 $0x10, s25  }
0x8d: {  	[tilespmem:s0], [sflag:$0x2] =	stream.linear.gather [hbm4b:s17+s4], $0x80, $0x38;
	[tilespmem:$0x1ECA0] =	vst v63  }
0x8e: {  	_ =	swait.ge [sflag:s3], $0x80  }
0x8f: {  	[sflag:s3] =	ssyncset.done $0x0  }
0x90: {  	[sflag:s3] =	ssyncadd.s32 $0xFFFFFF80  }
0x91: {  	_ =	swait.ge [sflag:s3], $0x80  }
0x92: {  	[sflag:s3] =	ssyncset.done $0x0  }
0x93: {  	[sflag:s3] =	ssyncadd.s32 $0xFFFFFF80  }
0x94: {  	v1 =	vld [tilespmem:$0x200]  }
0x95: {  	v2 =	vld [tilespmem:$0x210]  }
0x96: {  	v3 =	vld [tilespmem:$0x220]  }
0x97: {  	v33 =	vld [tilespmem:$0x230]  }
0x98: {  	v35 =	vld [tilespmem:$0x240]  }
0x99: {  	v37 =	vld [tilespmem:$0x250]  }
0x9a: {  	v39 =	vld [tilespmem:$0x260]  }
0x9b: {  	v42 =	vld [tilespmem:$0x270]  }
0x9c: {  	v32 =	vsub.s32 v1, v0;
	v1 =	vand.u32 $0x3F, v1;
	v34 =	vsub.s32 v2, v0  }
0x9d: {  	v2 =	vand.u32 $0x3F, v2;
	v36 =	vsub.s32 v3, v0;
	v3 =	vand.u32 $0x3F, v3  }
0x9e: {  	v38 =	vsub.s32 v33, v0;
	v40 =	vand.u32 $0x3F, v33;
	v41 =	vsub.s32 v35, v0  }
0x9f: {  	v7 =	vand.u32 $0x3F, v35;
	v44 =	vsub.s32 v37, v0;
	v45 =	vand.u32 $0x3F, v37  }
0xa0: {  	v46 =	vsub.s32 v39, v0;
	v47 =	vand.u32 $0x3F, v42;
	vm12 =	vlt.u32 v32, $0x61A8  }
0xa1: {  	v1 =	vor.u32 $0x6200, v1;
	vm13 =	vlt.u32 v34, $0x61A8;
	v2 =	vor.u32 $0x6200, v2  }
0xa2: {  	vm14 =	vlt.u32 v36, $0x61A8;
	v3 =	vor.u32 $0x6200, v3;
	v1 =	vsel vm12, v32, v1  }
0xa3: {  	vm15 =	vlt.u32 v38, $0x61A8;
	v4 =	vor.u32 $0x6200, v40;
	v2 =	vsel vm13, v34, v2;
	[tilespmem:$0x200] =	vst v1  }
0xa4: {  	vm4 =	vlt.u32 v41, $0x61A8;
	v43 =	vor.u32 $0x6200, v7;
	v3 =	vsel vm14, v36, v3;
	[tilespmem:$0x210] =	vst v2  }
0xa5: {  	vm5 =	vlt.u32 v44, $0x61A8;
	v1 =	vsel vm15, v38, v4;
	[tilespmem:$0x220] =	vst v3;
	v3 =	vor.u32 $0x6200, v45  }
0xa6: {  	v2 =	vsel vm4, v41, v43;
	[tilespmem:$0x230] =	vst v1;
	v1 =	vsel vm5, v44, v3;
	v3 =	vand.u32 $0x3F, v39  }
0xa7: {  	vm6 =	vlt.u32 v46, $0x61A8;
	[tilespmem:$0x240] =	vst v2;
	v2 =	vor.u32 $0x6200, v3;
	v3 =	vsub.s32 v42, v0  }
0xa8: {  	[tilespmem:$0x250] =	vst v1;
	v1 =	vsel vm6, v46, v2;
	vm7 =	vlt.u32 v3, $0x61A8;
	v2 =	vor.u32 $0x6200, v47  }
0xa9: {  	[tilespmem:$0x260] =	vst v1;
	v1 =	vsel vm7, v3, v2  }
0xaa: {  	[tilespmem:$0x270] =	vst v1  }
0xab: {  	[tilespmem:s5], [sflag:$0x5] =	stream.indirect.gather [hbm4b:s1+s31], $0x40, s31, s31, $0xb8;
	[tilespmem:$0x1ECA0] =	vst v63  }
0xac: {  	_ =	swait.ge [sflag:s6], $0x2000  }
0xad: {  	[sflag:s6] =	ssyncset.done $0x0  }
0xae: {  	s17 =	simm.s32 @!p0 $0x9;
	[sflag:s6] =	ssyncadd.s32 $0xFFFFE000  }
0xaf: {  	[spmem:s2] =	stream.indirect.scatter.add.f32 [tilespmem:s26], [sflag:$0x7], $0x40, s29, s31, $0xb8;
	[tilespmem:$0x1ECA0] =	vst v63  }
0xb0: {  	_ =	swait.ge @!p0 [sflag:s17], $0x2000  }
0xb1: {  	[sflag:s17] =	ssyncset.done @!p0 $0x0  }
0xb2: {  	[sflag:s17] =	ssyncadd.s32 @!p0 $0xFFFFE000;
	s17 =	sadd.s32 $0x20, s23  }
0xb3: {  	[tilespmem:s7], [sflag:$0x3] =	stream.linear.gather [hbm4b:s17+s4], $0x80, $0x38;
	[tilespmem:$0x1ECA0] =	vst v63  }
0xb4: {  	s17 =	sadd.s32 $0x20, s25  }
0xb5: {  	[tilespmem:s8], [sflag:$0x3] =	stream.linear.gather [hbm4b:s17+s4], $0x80, $0x38;
	[tilespmem:$0x1ECA0] =	vst v63  }
0xb6: {  	_ =	swait.ge [sflag:s9], $0x80  }
0xb7: {  	[sflag:s9] =	ssyncset.done $0x0  }
0xb8: {  	[sflag:s9] =	ssyncadd.s32 $0xFFFFFF80  }
0xb9: {  	_ =	swait.ge [sflag:s9], $0x80  }
0xba: {  	[sflag:s9] =	ssyncset.done $0x0  }
0xbb: {  	[sflag:s9] =	ssyncadd.s32 $0xFFFFFF80  }
0xbc: {  	v1 =	vld [tilespmem:$0x280]  }
0xbd: {  	v2 =	vld [tilespmem:$0x290]  }
0xbe: {  	v3 =	vld [tilespmem:$0x2A0]  }
0xbf: {  	v49 =	vld [tilespmem:$0x2B0]  }
0xc0: {  	v51 =	vld [tilespmem:$0x2C0]  }
0xc1: {  	v53 =	vld [tilespmem:$0x2D0]  }
0xc2: {  	v55 =	vld [tilespmem:$0x2E0]  }
0xc3: {  	v58 =	vld [tilespmem:$0x2F0]  }
0xc4: {  	v48 =	vsub.s32 v1, v0;
	v1 =	vand.u32 $0x3F, v1;
	v50 =	vsub.s32 v2, v0  }
0xc5: {  	v2 =	vand.u32 $0x3F, v2;
	v52 =	vsub.s32 v3, v0;
	v3 =	vand.u32 $0x3F, v3  }
0xc6: {  	v54 =	vsub.s32 v49, v0;
	v56 =	vand.u32 $0x3F, v49;
	v57 =	vsub.s32 v51, v0  }
0xc7: {  	v7 =	vand.u32 $0x3F, v51;
	v60 =	vsub.s32 v53, v0;
	v61 =	vand.u32 $0x3F, v53  }
0xc8: {  	v62 =	vsub.s32 v55, v0;
	v63 =	vand.u32 $0x3F, v58;
	vm8 =	vlt.u32 v48, $0x61A8  }
0xc9: {  	v1 =	vor.u32 $0x6200, v1;
	vm9 =	vlt.u32 v50, $0x61A8;
	v2 =	vor.u32 $0x6200, v2  }
0xca: {  	vm10 =	vlt.u32 v52, $0x61A8;
	v3 =	vor.u32 $0x6200, v3;
	v1 =	vsel vm8, v48, v1  }
0xcb: {  	vm11 =	vlt.u32 v54, $0x61A8;
	v4 =	vor.u32 $0x6200, v56;
	v2 =	vsel vm9, v50, v2;
	[tilespmem:$0x280] =	vst v1  }
0xcc: {  	vm12 =	vlt.u32 v57, $0x61A8;
	v59 =	vor.u32 $0x6200, v7;
	v3 =	vsel vm10, v52, v3;
	[tilespmem:$0x290] =	vst v2  }
0xcd: {  	vm13 =	vlt.u32 v60, $0x61A8;
	v1 =	vsel vm11, v54, v4;
	[tilespmem:$0x2A0] =	vst v3;
	v3 =	vor.u32 $0x6200, v61  }
0xce: {  	v2 =	vsel vm12, v57, v59;
	[tilespmem:$0x2B0] =	vst v1;
	v1 =	vsel vm13, v60, v3;
	v3 =	vand.u32 $0x3F, v55  }
0xcf: {  	vm14 =	vlt.u32 v62, $0x61A8;
	[tilespmem:$0x2C0] =	vst v2;
	v2 =	vor.u32 $0x6200, v3;
	v3 =	vsub.s32 v58, v0  }
0xd0: {  	[tilespmem:$0x2D0] =	vst v1;
	v1 =	vsel vm14, v62, v2;
	vm15 =	vlt.u32 v3, $0x61A8;
	v2 =	vor.u32 $0x6200, v63  }
0xd1: {  	[tilespmem:$0x2E0] =	vst v1;
	v1 =	vsel vm15, v3, v2  }
0xd2: {  	[tilespmem:$0x2F0] =	vst v1  }
0xd3: {  	[tilespmem:s10], [sflag:$0x6] =	stream.indirect.gather [hbm4b:s1+s31], $0x40, s7, s31, $0xb8;
	[tilespmem:$0x1ECA0] =	vst v63  }
0xd4: {  	_ =	swait.ge [sflag:s12], $0x2000  }
0xd5: {  	[sflag:s12] =	ssyncset.done $0x0  }
0xd6: {  	s22 =	sadd.s32 $0x30, s22;
	[sflag:s12] =	ssyncadd.s32 $0xFFFFE000  }
0xd7: {  	[spmem:s2] =	stream.indirect.scatter.add.f32 [tilespmem:s5], [sflag:$0x8], $0x40, s0, s31, $0xb8;
	[tilespmem:$0x1ECA0] =	vst v63  }
0xd8: {  	p0 =	sne.s32 s22, $0x1860;
	_ =	swait.ge [sflag:s13], $0x2000  }
.Ltmp0:
0xd9: {  	[sflag:s13] =	ssyncset.done $0x0;
	(pc) =	sbr.rel @p0 .LBB2_2-.Ltmp0, $4  }
0xda: {  	s23 =	sadd.s32 $0x30, s23;
	[sflag:s13] =	ssyncadd.s32 $0xFFFFE000  }
0xdb: {  	[tilespmem:s4], [sflag:$0x1] =	stream.linear.gather [hbm4b:s23+s4], $0x80, $0x38;
	[tilespmem:$0x1ECA0] =	vst v63  }
0xdc: {  	s25 =	sadd.s32 $0x30, s25  }
0xdd: {  	[tilespmem:s29], [sflag:$0x1] =	stream.linear.gather [hbm4b:s25+s4], $0x80, $0x38;
	[tilespmem:$0x1ECA0] =	vst v63  }
0xde: {  	_ =	swait.ge [sflag:s14], $0x2000  }
0xdf: {  	[sflag:s14] =	ssyncset.done $0x0  }
0xe0: {  	[sflag:s14] =	ssyncadd.s32 $0xFFFFE000  }
0xe1: {  	[spmem:s2] =	stream.indirect.scatter.add.f32 [tilespmem:s10], [sflag:$0x9], $0x40, s8, s31, $0xb8;
	[tilespmem:$0x1ECA0] =	vst v63  }
0xe2: {  	_ =	swait.ge [sflag:s15], $0x2000  }
0xe3: {  	[sflag:s15] =	ssyncset.done $0x0  }
0xe4: {  	[sflag:s15] =	ssyncadd.s32 $0xFFFFE000  }
0xe5: {  	_ =	swait.ge [sflag:s16], $0x2000  }
0xe6: {  	[sflag:s16] =	ssyncset.done $0x0  }
0xe7: {  	[sflag:s16] =	ssyncadd.s32 $0xFFFFE000  }
0xe8: {  	_ =	swait.ge [sflag:s30], $0x80  }
0xe9: {  	[sflag:s30] =	ssyncset.done $0x0  }
0xea: {  	[sflag:s30] =	ssyncadd.s32 $0xFFFFFF80  }
0xeb: {  	_ =	swait.ge [sflag:s30], $0x80  }
0xec: {  	s17 =	simm.s32 $0x0;
	[sflag:s30] =	ssyncset.done $0x0  }
0xed: {  	s23 =	simm.s32 $0x6300;
	s22 =	rddreg [dreg:$0x9];
	[sflag:s30] =	ssyncadd.s32 $0xFFFFFF80  }
0xee: {  	[tilespmem:s23], [sflag:$0xB] =	stream.linear.gather [hbm4b:s22+s17], $0x50, $0x38;
	[tilespmem:$0x1ECA0] =	vst v63  }
0xef: {  	_ =	swait.ge [sflag:s28], $0x50  }
0xf0: {  	[sflag:s28] =	ssyncset.done $0x0  }
0xf1: {  	s25 =	rddreg [dreg:$0xa];
	[sflag:s28] =	ssyncadd.s32 $0xFFFFFFB0  }
0xf2: {  	[tilespmem:s18], [sflag:$0xB] =	stream.linear.gather [hbm4b:s25+s17], $0x50, $0x38;
	[tilespmem:$0x1ECA0] =	vst v63  }
0xf3: {  	_ =	swait.ge [sflag:s28], $0x50  }
0xf4: {  	[sflag:s28] =	ssyncset.done $0x0  }
0xf5: {  	[sflag:s28] =	ssyncadd.s32 $0xFFFFFFB0  }
0xf6: {  	[tilespmem:s26], [sflag:$0xA] =	stream.indirect.gather [hbm4b:s1+s19], $0x40, s23, s19, $0xb8;
	[tilespmem:$0x1ECA0] =	vst v63  }
0xf7: {  	_ =	swait.ge [sflag:s20], $0x1400  }
0xf8: {  	[sflag:s20] =	ssyncset.done $0x0  }
0xf9: {  	[sflag:s20] =	ssyncadd.s32 $0xFFFFEC00  }
0xfa: {  	v1 =	vld [tilespmem:$0x6350]  }
0xfb: {  	v2 =	vld [tilespmem:$0x6360]  }
0xfc: {  	v3 =	vld [tilespmem:$0x6370]  }
0xfd: {  	v5 =	vld [tilespmem:$0x6380]  }
0xfe: {  	v7 =	vld [tilespmem:$0x6390];
	_ =	sdelay $0x2  }
0xff: {  	v4 =	vsub.s32 v1, v0;
	v1 =	vand.u32 $0x3F, v1;
	v6 =	vsub.s32 v2, v0  }
0x100: {  	v2 =	vand.u32 $0x3F, v2;
	v61 =	vsub.s32 v3, v0;
	v3 =	vand.u32 $0x3F, v3  }
0x101: {  	v62 =	vsub.s32 v5, v0;
	v63 =	vand.u32 $0x3F, v7;
	vm0 =	vlt.u32 v4, $0x61A8  }
0x102: {  	v1 =	vor.u32 $0x6200, v1;
	vm12 =	vlt.u32 v6, $0x61A8;
	v2 =	vor.u32 $0x6200, v2  }
0x103: {  	vm13 =	vlt.u32 v61, $0x61A8;
	v3 =	vor.u32 $0x6200, v3;
	v1 =	vsel vm0, v4, v1  }
0x104: {  	v2 =	vsel vm12, v6, v2;
	[tilespmem:$0x6350] =	vst v1;
	v1 =	vsel vm13, v61, v3;
	v3 =	vand.u32 $0x3F, v5  }
0x105: {  	vm14 =	vlt.u32 v62, $0x61A8;
	[tilespmem:$0x6360] =	vst v2;
	v2 =	vor.u32 $0x6200, v3;
	v3 =	vsub.s32 v7, v0  }
0x106: {  	[tilespmem:$0x6370] =	vst v1;
	v1 =	vsel vm14, v62, v2;
	vm15 =	vlt.u32 v3, $0x61A8;
	v2 =	vor.u32 $0x6200, v63  }
0x107: {  	[tilespmem:$0x6380] =	vst v1;
	v1 =	vsel vm15, v3, v2  }
0x108: {  	[tilespmem:$0x6390] =	vst v1  }
0x109: {  	[spmem:s2] =	stream.indirect.scatter.add.f32 [tilespmem:s26], [sflag:$0xB], $0x40, s18, s19, $0xb8;
	[tilespmem:$0x1ECA0] =	vst v63  }
0x10a: {  	_ =	swait.ge [sflag:s28], $0x1400  }
0x10b: {  	[sflag:s28] =	ssyncset.done $0x0  }
0x10c: {  	[sflag:s28] =	ssyncadd.s32 $0xFFFFEC00  }
0x10d: {  	[bflag:$0x0] =	sbarrier.arrive $0xFFFF  }
0x10e: {  	[tilespmem:s26], [sflag:$0xB] =	stream.linear.gather [spmem:s11], $0x1C00, $0x38;
	[tilespmem:$0x1ECA0] =	vst v63  }
0x10f: {  	_ =	swait.ge [sflag:s28], $0x1C00  }
0x110: {  	[sflag:s28] =	ssyncset.done $0x0  }
0x111: {  	s25 =	sadd.s32 $0x0, s24;
	[sflag:s28] =	ssyncadd.s32 $0xFFFFE400  }
0x112: {  	[hbm4b:s25+s4] =	stream.linear.scatter [tilespmem:s26], [sflag:$0xB], $0x1C00, $0x38;
	[tilespmem:$0x1ECA0] =	vst v63  }
0x113: {  	_ =	swait.ge [sflag:s28], $0x1C00  }
0x114: {  	s22 =	simm.s32 $0x380;
	s23 =	smov.u32 s11;
	[sflag:s28] =	ssyncset.done $0x0  }
.LBB2_4:
0x115: {  	p0 =	sne.s32 s22, $0x2D80;
	[sflag:s28] =	ssyncadd.s32 $0xFFFFE400;
	s23 =	sadd.s32 $0x1C00, s23  }
0x116: {  	[tilespmem:s26], [sflag:$0xB] =	stream.linear.gather [spmem:s23], $0x1C00, $0x38;
	[tilespmem:$0x1ECA0] =	vst v63  }
0x117: {  	s17 =	smov.u32 s22;
	s22 =	sadd.s32 $0x380, s22;
	_ =	swait.ge [sflag:s28], $0x1C00  }
.Ltmp1:
0x118: {  	[sflag:s28] =	ssyncset.done $0x0;
	(pc) =	sbr.rel @p0 .LBB2_4-.Ltmp1, $4  }
0x119: {  	s17 =	sadd.s32 s17, s24;
	[sflag:s28] =	ssyncadd.s32 $0xFFFFE400  }
0x11a: {  	[hbm4b:s17+s4] =	stream.linear.scatter [tilespmem:s26], [sflag:$0xB], $0x1C00, $0x38;
	[tilespmem:$0x1ECA0] =	vst v63  }
0x11b: {  	_ =	swait.ge [sflag:s28], $0x1C00  }
0x11c: {  	[sflag:s28] =	ssyncset.done $0x0  }
0x11d: {  	s21 =	sadd.s32 $0x1, s21;
	s17 =	rddreg [dreg:$0xb]  }
0x11e: {  	p0 =	sne.s32 s21, s17  }
.Ltmp2:
0x11f: {  	_ = 	snop;
	(pc) =	sbr.rel @p0 .LBB2_1-.Ltmp2, $2  }
0x120: {  	_ =	sdelay $0x2  }
0x121: {  	[sflag:s28] =	ssyncadd.s32 $0xFFFFE400  }
0x122: {  	_ =	sfence.sel $0x180000  }
0x123: {  	[bflag:$0x0] =	sbarrier.arrive $0xFFFF  }
0x124: {  	_ =	strace $0x9000004A  }
0x125: {  	s0 =	stileid.u32;
	[bflag:$0x2] =	sbarrier.arrive $0xFFFF  }
0x126: {  	p0 =	sne.s32 s0, $0x0;
	s0 =	rddreg [dreg:$0x3]  }
0x127: {  	s0 =	sadd.s32 @!p0 $0x100000, s0  }
0x128: {  	[sflag:s0] =	ssyncadd.tile.s32 @!p0 $0x1;
	_ =	shalt  }
.Lfunc_end2:
_tile_overlayer_lowered:
.L_overlay_start_2:
0x129: {  	(tag) =	ssettag $0x2  }
0x12a: {  	s0 =	rddreg [dreg:$0x0];
	s2 =	stileid.u32  }
0x12b: {  	s1 =	rddreg [dreg:$0x1];
	p0 =	sne.s32 s2, $0x0  }
0x12c: {  	s3 =	rddreg [dreg:$0x2];
	[bflag:$0x3] =	sbarrier.arrive $0xFFFF;
	s2 =	simm.s32 @!p0 $0x1C0B  }
0x12d: {  	[timem:s3], [sflag:s2] =	dma.local @!p0 [hbm:s0], s1  }
0x12e: {  	s0 =	simm.s32 @!p0 $0xB  }
0x12f: {  	_ =	swait.ge @!p0 [sflag:s0], s1  }
0x130: {  	s1 =	ssub.s32 @!p0 $0x0, s1;
	[sflag:s0] =	ssyncset.done @!p0 $0x0  }
0x131: {  	[sflag:s0] =	ssyncadd.s32 @!p0 s1  }
0x132: {  	[bflag:$0x3] =	sbarrier.arrive $0xFFFF  }
0x133: {  	_ =	shalt  }

// kernel: sc_segsum_cnt.3.cloned.1.call-start
scs
__scs_entry_jumppad:
0x0: {  	(pc) =	sbr.rel $0x88, $3  }
0x1: {  	(tag) =	ssettag $0x0;
	lr =	simm.s32 $0x1  }
0x2: {  	[smem:$0x3F98] =	sst lr;
	_ =	strace $0xD0000000  }
0x3: {  	_ = 	snop  }
0x4: {  	_ = 	snop  }
0x5: {  	_ = 	snop  }
0x6: {  	_ = 	snop  }
0x7: {  	_ = 	snop  }
__scs_overlays_trampoline_lowered:
0x8: {  	[smem:$0x3FA7] =	sst s0  }
0x9: {  	[smem:$0x3FA8] =	sst s1  }
0xa: {  	[smem:$0x3FA9] =	sst s2  }
0xb: {  	[smem:$0x3FAA] =	sst s3  }
0xc: {  	[smem:$0x3FAB] =	sst s4  }
0xd: {  	[smem:$0x3FAC] =	sst s5  }
0xe: {  	[smem:$0x3FAD] =	sst s6  }
0xf: {  	[smem:$0x3FAE] =	sst s7  }
0x10: {  	[smem:$0x3FAF] =	sst s8  }
0x11: {  	[smem:$0x3FB0] =	sst s9;
	s0 =	simm.s32 @!p0 $0x0  }
0x12: {  	s1 =	sld [smem:$0x3F96];
	s0 =	simm.s32 @p0 $0x1  }
0x13: {  	[smem:$0x3FB1] =	sst s0;
	s0 =	simm.s32 @!p1 $0x0  }
0x14: {  	s2 =	sld [smem:$0x3F95];
	s0 =	simm.s32 @p1 $0x1  }
0x15: {  	[smem:$0x3FB2] =	sst s0;
	s0 =	simm.s32 @!p2 $0x0  }
0x16: {  	s3 =	sld [smem:$0x3FDB];
	s0 =	simm.s32 @p2 $0x1  }
0x17: {  	s4 =	simm.s32 $0x1BF5;
	[smem:$0x3FB4] =	sst s0  }
0x18: {  	s0 =	sld [smem:$0x3F97];
	_ =	swait.ge [sflag:s4], $0x0  }
0x19: {  	s7 =	sld [smem:$0x3F98]  }
0x1a: {  	s8 =	sadd.s32 $0xFFFFE003, lr  }
0x1b: {  	s9 =	sadd.s32 $0xFFFFFEF7, lr;
	s5 =	simm.s32 $0xFFFFFFFF;
	p2 =	slt.u32 s8, $0xFFFFF086  }
0x1c: {  	p1 =	slt.u32 s9, $0xF7A;
	s5 =	simm.s32 @!p2 $0x0  }
0x1d: {  	s5 =	simm.s32 @p1 $0x1;
	p0 =	seq.s32 s7, s2  }
0x1e: {  	s7 =	smul.u32 @!p0 $0xF7A, s2;
	p2 =	seq.s32 @!p0 s5, $0x0  }
0x1f: {  	s9 =	smul.u32 $0xF7A, s1;
	s8 =	simm.s32 @!p0 $0x1BF5;
	p2 =	por !p2, p0  }
0x20: {  	[sflag:s8] =	ssyncset.s32 @!p0 $0xFFFFF086;
	s6 =	sadd.s32 @!p0 s3, s7;
	s7 =	simm.s32 @!p0 $0x108  }
0x21: {  	s3 =	sadd.s32 s3, s9;
	s6 =	sadd.s32 @!p0 $0x88, s6;
	s7 =	simm.s32 @p2 $0x1082  }
0x22: {  	[simem:s7], [sflag:s8] =	dma.local @!p0 [hbm:s6], $0xF7A  }
0x23: {  	s9 =	sor.u32 $0xD0000000, s2;
	s6 =	simm.s32 $0x108;
	_ =	swait.ge @!p0 [sflag:s8], $0x0  }
0x24: {  	s3 =	sadd.s32 $0x88, s3;
	s6 =	simm.s32 @!p1 $0x1082;
	[sflag:s4] =	ssyncset.s32 $0xFFFFF086  }
0x25: {  	[simem:s6], [sflag:s4] =	dma.local [hbm:s3], $0xF7A  }
0x26: {  	[smem:$0x3F98] =	sst s1;
	(tag) =	ssettag s2;
	_ =	strace s9  }
0x27: {  	s1 =	sld [smem:$0x3FA8]  }
0x28: {  	s2 =	sld [smem:$0x3FA9]  }
0x29: {  	s4 =	sld [smem:$0x3FAB]  }
0x2a: {  	p0 =	seq.s32 s5, $0x0;
	s5 =	sld [smem:$0x3FAC]  }
0x2b: {  	s6 =	sld [smem:$0x3FAD]  }
0x2c: {  	s7 =	sld [smem:$0x3FAE]  }
0x2d: {  	s3 =	simm.s32 $0x108;
	s8 =	sld [smem:$0x3FAF]  }
0x2e: {  	s3 =	simm.s32 @!p0 $0x1082;
	s9 =	sld [smem:$0x3FB0]  }
0x2f: {  	lr =	sadd.s32 s0, s3;
	s0 =	sld [smem:$0x3FA7]  }
0x30: {  	s3 =	sld [smem:$0x3FAA]  }
0x31: {  	[smem:$0x3FB3] =	sst s10  }
0x32: {  	s10 =	sld [smem:$0x3FB1];
	_ =	sdelay $0x3  }
0x33: {  	p0 =	seq.s32 s10, $0x1;
	s10 =	sld [smem:$0x3FB3];
	_ =	sdelay $0x3  }
0x34: {  	[smem:$0x3FB3] =	sst s10  }
0x35: {  	s10 =	sld [smem:$0x3FB2];
	_ =	sdelay $0x3  }
0x36: {  	p1 =	seq.s32 s10, $0x1;
	s10 =	sld [smem:$0x3FB3];
	_ =	sdelay $0x3  }
0x37: {  	[smem:$0x3FB3] =	sst s10  }
0x38: {  	s10 =	sld [smem:$0x3FB4]  }
0x39: {  	_ = 	snop;
	(pc) =	sbr.ind lr, $3  }
0x3a: {  	_ = 	snop  }
0x3b: {  	_ = 	snop  }
0x3c: {  	p2 =	seq.s32 s10, $0x1;
	s10 =	sld [smem:$0x3FB3]  }
0x3d: {  	_ =	shalt  }
0x3e: {  	_ =	shalt  }
0x3f: {  	_ =	shalt  }
0x40: {  	_ =	shalt  }
0x41: {  	_ =	shalt  }
0x42: {  	_ =	shalt  }
0x43: {  	_ =	shalt  }
0x44: {  	_ =	shalt  }
0x45: {  	_ =	shalt  }
0x46: {  	_ =	shalt  }
0x47: {  	_ =	shalt  }
0x48: {  	_ =	shalt  }
0x49: {  	_ =	shalt  }
0x4a: {  	_ =	shalt  }
0x4b: {  	_ =	shalt  }
0x4c: {  	_ =	shalt  }
0x4d: {  	_ =	shalt  }
0x4e: {  	_ =	shalt  }
0x4f: {  	_ =	shalt  }
0x50: {  	_ =	shalt  }
0x51: {  	_ =	shalt  }
0x52: {  	_ =	shalt  }
0x53: {  	_ =	shalt  }
0x54: {  	_ =	shalt  }
0x55: {  	_ =	shalt  }
0x56: {  	_ =	shalt  }
0x57: {  	_ =	shalt  }
0x58: {  	_ =	shalt  }
0x59: {  	_ =	shalt  }
0x5a: {  	_ =	shalt  }
0x5b: {  	_ =	shalt  }
0x5c: {  	_ =	shalt  }
0x5d: {  	_ =	shalt  }
0x5e: {  	_ =	shalt  }
0x5f: {  	_ =	shalt  }
0x60: {  	_ =	shalt  }
0x61: {  	_ =	shalt  }
0x62: {  	_ =	shalt  }
0x63: {  	_ =	shalt  }
0x64: {  	_ =	shalt  }
0x65: {  	_ =	shalt  }
0x66: {  	_ =	shalt  }
0x67: {  	_ =	shalt  }
0x68: {  	_ =	shalt  }
0x69: {  	_ =	shalt  }
0x6a: {  	_ =	shalt  }
0x6b: {  	_ =	shalt  }
0x6c: {  	_ =	shalt  }
0x6d: {  	_ =	shalt  }
0x6e: {  	_ =	shalt  }
0x6f: {  	_ =	shalt  }
0x70: {  	_ =	shalt  }
0x71: {  	_ =	shalt  }
0x72: {  	_ =	shalt  }
0x73: {  	_ =	shalt  }
0x74: {  	_ =	shalt  }
0x75: {  	_ =	shalt  }
0x76: {  	_ =	shalt  }
0x77: {  	_ =	shalt  }
0x78: {  	_ =	shalt  }
0x79: {  	_ =	shalt  }
0x7a: {  	_ =	shalt  }
0x7b: {  	_ =	shalt  }
0x7c: {  	_ =	shalt  }
0x7d: {  	_ =	shalt  }
0x7e: {  	_ =	shalt  }
0x7f: {  	_ =	shalt  }
0x80: {  	_ =	shalt  }
0x81: {  	_ =	shalt  }
0x82: {  	_ =	shalt  }
0x83: {  	_ =	shalt  }
0x84: {  	_ =	shalt  }
0x85: {  	_ =	shalt  }
0x86: {  	_ =	shalt  }
0x87: {  	_ =	shalt  }
.Lfunc_end0:
.L_simem_size_0:
called_computation_lowered:
.L_overlay_start_0:
0x88: {  	s2 =	sld [smem:$0x3FD9]  }
0x89: {  	s3 =	sld [smem:$0x3FFE];
	_ =	sdelay $0x1  }
0x8a: {  	s1 =	srdreg.scid  }
0x8b: {  	s0 =	sand.u32 $0x1, s1  }
0x8c: {  	s17 =	sshll.u32 s0, $0xA;
	s2 =	sadd.s32 s3, s2  }
0x8d: {  	s2 =	sadd.s32 s2, s17  }
0x8e: {  	[smem:$0x3FBF] =	sst s2  }
0x8f: {  	_ = 	snop  }
0x90: {  	s2 =	sld [smem:$0x3FD0];
	(tm) =	ssettm $0x1  }
0x91: {  	s18 =	sld [smem:$0x3FFB];
	_ =	sdelay $0x3  }
0x92: {  	_ =	strace s18  }
0x93: {  	s3 =	sld [smem:$0x3FFC];
	_ =	sdelay $0x3  }
0x94: {  	_ =	strace s3  }
0x95: {  	s3 =	sld [smem:$0x3FFD];
	_ =	sdelay $0x3  }
0x96: {  	_ =	strace s3  }
0x97: {  	_ =	strace $0x8FFFFFFF  }
0x98: {  	s19 =	sld [smem:$0x3FDB];
	_ =	sdelay $0x1  }
0x99: {  	s4 =	simm.s32 $_scs_section_size  }
0x9a: {  	s5 =	simm.s32 $_size__tile_overlayer_lowered;
	s6 =	simm.s32 $_tile_overlayer_lowered  }
0x9b: {  	s22 =	simm.s32 $0x1BFF;
	s21 =	sshll.u32 s6, $0x1;
	s3 =	sadd.s32 s4, s19  }
0x9c: {  	s7 =	simm.s32 $0x0;
	s20 =	sshll.u32 s5, $0x1;
	s5 =	sadd.s32 s21, s3  }
0x9d: {  	[timem:s7], [sflag:s22] =	dma.local [hbm:s5], s20  }
0x9e: {  	_ =	swait.ge [sflag:s22], s20  }
0x9f: {  	s4 =	ssub.s32 $0x0, s20;
	[sflag:s22] =	ssyncset.done $0x0  }
0xa0: {  	[sflag:s22] =	ssyncadd.s32 s4;
	_ =	sdelay $0x1  }
0xa1: {  	s23 =	simm.s32 $0x1B8B  }
0xa2: {  	_ =	swait.ge [sflag:s23], $0x1  }
0xa3: {  	[sflag:s23] =	ssyncset.done $0x0  }
0xa4: {  	s25 =	simm.s32 $0x1B8E;
	s24 =	sld [smem:$0x3FFE];
	[sflag:s23] =	ssyncadd.s32 $0xFFFFFFFF  }
0xa5: {  	s26 =	simm.s32 $execute0_lowered;
	[smem:$0x3FD2] =	sst s25  }
0xa6: {  	s5 =	sshll.u32 s26, $0x1;
	_ =	strace $0x80000046;
	[dreg:$0x1] =	wrdreg $0xFFFFFFFF  }
0xa7: {  	s28 =	simm.s32 $_size_execute0_lowered;
	s3 =	sadd.s32 s3, s5;
	[dreg:$0x0] =	wrdreg $0x0  }
0xa8: {  	s5 =	sshll.u32 s28, $0x1;
	[dreg:$0x2] =	wrdreg s3  }
0xa9: {  	[dreg:$0x3] =	wrdreg s5  }
0xaa: {  	[dreg:$0x4] =	wrdreg $0xC0  }
0xab: {  	_ =	task [dreg:s7], $0x5FFFF  }
0xac: {  	[dreg:$0x1] =	wrdreg $0xFFFFFFFF  }
0xad: {  	[dreg:$0x0] =	wrdreg $0x60  }
0xae: {  	[dreg:$0x2] =	wrdreg s24  }
0xaf: {  	[dreg:$0x3] =	wrdreg s2  }
0xb0: {  	[dreg:$0x4] =	wrdreg $0x64200  }
0xb1: {  	[dreg:$0x5] =	wrdreg $0x1ED200  }
0xb2: {  	[dreg:$0x6] =	wrdreg $0x9  }
0xb3: {  	_ =	task.clear_ibuf [dreg:s7], $0x7FFFF;
	_ =	strace $0x90000046  }
0xb4: {  	s29 =	simm.s32 $0x9;
	_ =	strace $0x80000048  }
0xb5: {  	_ =	swait.ge [sflag:s29], $0x1  }
0xb6: {  	[sflag:s29] =	ssyncadd.s32 $0xFFFFFFFF  }
0xb7: {  	_ =	strace $0x90000048  }
0xb8: {  	_ =	sfence  }
0xb9: {  	s30 =	sld [smem:$0x0];
	_ =	sdelay $0x2  }
0xba: {  	s31 =	sshll.u32 s1, $0xD;
	s1 =	sshrl.u32 s1, $0x2  }
0xbb: {  	s3 =	sand.u32 $0x4000, s31;
	s1 =	sadd.s32 s1, s30  }
0xbc: {  	s0 =	sor.u32 s3, s0;
	s1 =	sshll.u32 s1, $0x11  }
0xbd: {  	s0 =	sor.u32 s1, s0  }
0xbe: {  	s0 =	sadd.s32 $0x8F2B, s0  }
0xbf: {  	[sflag:s0] =	ssyncadd.remote.s32 $0x1  }
0xc0: {  	_ =	sfence.sel $0xFFFF  }
0xc1: {  	[dreg:$0x0] =	wrdreg $0xFFFFFFFF;
	(pc) =	sbr.abs _section_cstart, $3  }
0xc2: {  	[dreg:$0x1] =	wrdreg $0xFFFFFFFF  }
0xc3: {  	_ =	task.clear_ibuf [dreg:s7], $0x2FFFF;
	_ =	strace $0x9FFFFFFF  }
0xc4: {  	(tm) =	ssettm $0x7FFFFFFF  }
0xc5: {  	_ =	shalt  }
tec
execute0_lowered:
.L_overlay_start_1:
0x0: {  	(tag) =	ssettag $0x1  }
0x1: {  	s0 =	rddreg [dreg:$0x0]  }
0x2: {  	s1 =	rddreg [dreg:$0x1];
	s14 =	stileid.u32  }
0x3: {  	s2 =	rddreg [dreg:$0x2];
	s7 =	smul.u32 $0x18800, s14  }
0x4: {  	s3 =	rddreg [dreg:$0x3];
	s20 =	smul.u32 $0x620, s14  }
0x5: {  	s4 =	srdreg.scid;
	s22 =	smul.u32 $0x1880, s14  }
0x6: {  	s5 =	simm.s32 $0x0;
	s4 =	sand.u32 $0x1, s4;
	s13 =	smul.u32 $0xC300, s14  }
0x7: {  	[smem:$0x7FF] =	sst s5;
	s9 =	sadd.s32 $0x1AA00, s0;
	s23 =	smul.u32 $0xA, s14  }
0x8: {  	s8 =	sadd.s32 $0xF6A00, s0;
	s11 =	sadd.s32 $0xF6800, s0;
	s25 =	smul.u32 $0x62000, s14  }
0x9: {  	s6 =	smul.u32 $0x188000, s4;
	_ =	strace $0x80000047;
	[dreg:$0x7] =	wrdreg s8  }
0xa: {  	s10 =	sadd.s32 $0x2200, s0;
	s21 =	smul.u32 $0x6200, s4;
	[dreg:$0x8] =	wrdreg s11  }
0xb: {  	s11 =	smul.u32 $0x61A8, s4;
	s4 =	ssub.s32 $0x2, s4;
	s24 =	sshrl.u32 s13, $0x3  }
0xc: {  	s12 =	sshrl.u32 s4, $0x1;
	s13 =	sshrl.u32 s25, $0x2;
	s15 =	sadd.s32 s9, s24  }
0xd: {  	s4 =	ssub.s32 s4, s12;
	s12 =	sadd.s32 s10, s24;
	[dreg:$0x9] =	wrdreg s15  }
0xe: {  	s13 =	sadd.s32 s13, s2;
	[dreg:$0xa] =	wrdreg s12;
	s4 =	smax.u32 s4, $0x1  }
0xf: {  	s8 =	sshrl.u32 s22, $0x2;
	s16 =	sadd.s32 $0x1C00, s13;
	[dreg:$0xd] =	wrdreg s4  }
0x10: {  	s6 =	sadd.s32 s7, s6;
	s17 =	sadd.s32 $0x3800, s13;
	[dreg:$0xe] =	wrdreg s16  }
0x11: {  	s7 =	sadd.s32 s20, s21;
	s18 =	sadd.s32 $0x5400, s13;
	[dreg:$0xf] =	wrdreg s17  }
0x12: {  	s8 =	sadd.s32 s8, s3;
	s19 =	sadd.s32 $0x7000, s13;
	[dreg:$0x10] =	wrdreg s18  }
0x13: {  	s6 =	sshrl.u32 s6, $0x3;
	s21 =	sadd.s32 $0x8C00, s13;
	[dreg:$0x11] =	wrdreg s19  }
0x14: {  	s7 =	sshrl.u32 s7, $0x3;
	s24 =	sadd.s32 $0xC400, s13;
	[dreg:$0x12] =	wrdreg s21  }
0x15: {  	s15 =	smul.u32 $0x1860, s14;
	s25 =	sadd.s32 $0xE000, s13;
	[dreg:$0x14] =	wrdreg s24  }
0x16: {  	s12 =	sadd.s32 $0xE0, s8;
	s14 =	sadd.s32 $0x150, s8;
	[dreg:$0x15] =	wrdreg s25  }
0x17: {  	s6 =	sadd.s32 s6, s0;
	s0 =	sadd.s32 s7, s0;
	[dreg:$0x1c] =	wrdreg s12  }
0x18: {  	s7 =	sor.u32 $0x18600, s23;
	s23 =	sadd.s32 $0xA800, s13;
	[dreg:$0x1d] =	wrdreg s14  }
0x19: {  	s4 =	sadd.s32 $0x11800, s13;
	[dreg:$0x13] =	wrdreg s23  }
0x1a: {  	s16 =	sadd.s32 $0x230, s8;
	[dreg:$0x17] =	wrdreg s4  }
0x1b: {  	s17 =	sadd.s32 $0x2A0, s8;
	[dreg:$0x1f] =	wrdreg s16  }
0x1c: {  	s18 =	sadd.s32 $0x310, s8;
	[smem:$0x7F6] =	sst s17  }
0x1d: {  	s28 =	simm.s32 $0x2;
	s19 =	sadd.s32 $0x380, s8;
	[smem:$0x7F7] =	sst s18  }
0x1e: {  	s29 =	simm.s32 $0x2300;
	s21 =	sadd.s32 $0x460, s8;
	[smem:$0x7F8] =	sst s19  }
0x1f: {  	s30 =	simm.s32 $0x4;
	s25 =	sadd.s32 $0x540, s8;
	[smem:$0x7FA] =	sst s21  }
0x20: {  	s31 =	simm.s32 $0x100;
	s26 =	sadd.s32 s9, s7;
	[smem:$0x7FC] =	sst s25  }
0x21: {  	s12 =	simm.s32 $0xD;
	s7 =	sadd.s32 s10, s7;
	[dreg:$0xb] =	wrdreg s26  }
0x22: {  	s14 =	simm.s32 $0x0;
	s20 =	sadd.s32 s15, s10;
	[dreg:$0xc] =	wrdreg s7  }
0x23: {  	s22 =	sadd.s32 s15, s9;
	s23 =	sadd.s32 $0xF6E00, s6;
	[dreg:$0x5] =	wrdreg s20  }
0x24: {  	s24 =	sadd.s32 $0x158E00, s0;
	s6 =	sadd.s32 $0x13400, s13;
	[dreg:$0x6] =	wrdreg s22  }
0x25: {  	s9 =	sadd.s32 $0x16C00, s13;
	s10 =	sadd.s32 $0x70, s8;
	[dreg:$0x18] =	wrdreg s6  }
0x26: {  	s15 =	sadd.s32 $0x1C0, s8;
	s18 =	simm.s32 $0x300;
	[dreg:$0x1a] =	wrdreg s9  }
0x27: {  	s19 =	simm.s32 $0xE;
	s21 =	simm.s32 $0x180;
	[dreg:$0x1b] =	wrdreg s10  }
0x28: {  	s25 =	simm.s32 $0x80;
	s26 =	sadd.s32 $0xFC00, s13;
	[dreg:$0x1e] =	wrdreg s15  }
0x29: {  	s0 =	simm.s32 $0x280;
	s7 =	sadd.s32 $0x15000, s13;
	[dreg:$0x16] =	wrdreg s26  }
0x2a: {  	s4 =	simm.s32 $0x3;
	s20 =	sadd.s32 $0x3F0, s8;
	[dreg:$0x19] =	wrdreg s7  }
0x2b: {  	s22 =	sadd.s32 $0x4D0, s8;
	s6 =	simm.s32 $0x4300;
	[smem:$0x7F9] =	sst s20  }
0x2c: {  	s9 =	simm.s32 $0x7;
	s10 =	simm.s32 $0xA;
	[smem:$0x7FB] =	sst s22  }
0x2d: {  	s26 =	sadd.s32 $0x5B0, s8;
	s20 =	simm.s32 $0x6300;
	s22 =	simm.s32 $0x1  }
0x2e: {  	v1 =	vimm.f32 $1.000000000e+00;
	v0 =	vmov s11;
	s7 =	simm.s32 $0x5;
	[smem:$0x7FD] =	sst s26;
	s26 =	simm.s32 $0x200  }
.LBB2_1:
0x2f: {  	s11 =	rddreg [dreg:$0x7]  }
0x30: {  	[tilespmem:s18], [sflag:$0xE] =	stream.linear.gather [hbm4b:s11+s5], $0x1C00, $0x38;
	[tilespmem:$0x1F348] =	vst v63  }
0x31: {  	_ =	swait.ge [sflag:s19], $0x1C00  }
0x32: {  	[sflag:s19] =	ssyncset.done $0x0  }
0x33: {  	[sflag:s19] =	ssyncadd.s32 $0xFFFFE400  }
0x34: {  	[spmem:s13] =	stream.linear.scatter [tilespmem:s18], [sflag:$0xE], $0x1C00, $0x38;
	[tilespmem:$0x1F348] =	vst v63  }
0x35: {  	_ =	swait.ge [sflag:s19], $0x1C00  }
0x36: {  	[sflag:s19] =	ssyncset.done $0x0  }
0x37: {  	s16 =	rddreg [dreg:$0xe];
	[sflag:s19] =	ssyncadd.s32 $0xFFFFE400  }
0x38: {  	[spmem:s16] =	stream.linear.scatter [tilespmem:s18], [sflag:$0xE], $0x1C00, $0x38;
	[tilespmem:$0x1F348] =	vst v63  }
0x39: {  	_ =	swait.ge [sflag:s19], $0x1C00  }
0x3a: {  	[sflag:s19] =	ssyncset.done $0x0  }
0x3b: {  	s17 =	rddreg [dreg:$0xf];
	[sflag:s19] =	ssyncadd.s32 $0xFFFFE400  }
0x3c: {  	[spmem:s17] =	stream.linear.scatter [tilespmem:s18], [sflag:$0xE], $0x1C00, $0x38;
	[tilespmem:$0x1F348] =	vst v63  }
0x3d: {  	_ =	swait.ge [sflag:s19], $0x1C00  }
0x3e: {  	[sflag:s19] =	ssyncset.done $0x0  }
0x3f: {  	s15 =	rddreg [dreg:$0x10];
	[sflag:s19] =	ssyncadd.s32 $0xFFFFE400  }
0x40: {  	[spmem:s15] =	stream.linear.scatter [tilespmem:s18], [sflag:$0xE], $0x1C00, $0x38;
	[tilespmem:$0x1F348] =	vst v63  }
0x41: {  	_ =	swait.ge [sflag:s19], $0x1C00  }
0x42: {  	[sflag:s19] =	ssyncset.done $0x0  }
0x43: {  	s16 =	rddreg [dreg:$0x11];
	[sflag:s19] =	ssyncadd.s32 $0xFFFFE400  }
0x44: {  	[spmem:s16] =	stream.linear.scatter [tilespmem:s18], [sflag:$0xE], $0x1C00, $0x38;
	[tilespmem:$0x1F348] =	vst v63  }
0x45: {  	_ =	swait.ge [sflag:s19], $0x1C00  }
0x46: {  	[sflag:s19] =	ssyncset.done $0x0  }
0x47: {  	s17 =	rddreg [dreg:$0x12];
	[sflag:s19] =	ssyncadd.s32 $0xFFFFE400  }
0x48: {  	[spmem:s17] =	stream.linear.scatter [tilespmem:s18], [sflag:$0xE], $0x1C00, $0x38;
	[tilespmem:$0x1F348] =	vst v63  }
0x49: {  	_ =	swait.ge [sflag:s19], $0x1C00  }
0x4a: {  	[sflag:s19] =	ssyncset.done $0x0  }
0x4b: {  	s15 =	rddreg [dreg:$0x13];
	[sflag:s19] =	ssyncadd.s32 $0xFFFFE400  }
0x4c: {  	[spmem:s15] =	stream.linear.scatter [tilespmem:s18], [sflag:$0xE], $0x1C00, $0x38;
	[tilespmem:$0x1F348] =	vst v63  }
0x4d: {  	_ =	swait.ge [sflag:s19], $0x1C00  }
0x4e: {  	[sflag:s19] =	ssyncset.done $0x0  }
0x4f: {  	s16 =	rddreg [dreg:$0x14];
	[sflag:s19] =	ssyncadd.s32 $0xFFFFE400  }
0x50: {  	[spmem:s16] =	stream.linear.scatter [tilespmem:s18], [sflag:$0xE], $0x1C00, $0x38;
	[tilespmem:$0x1F348] =	vst v63  }
0x51: {  	_ =	swait.ge [sflag:s19], $0x1C00  }
0x52: {  	[sflag:s19] =	ssyncset.done $0x0  }
0x53: {  	s17 =	rddreg [dreg:$0x15];
	[sflag:s19] =	ssyncadd.s32 $0xFFFFE400  }
0x54: {  	[spmem:s17] =	stream.linear.scatter [tilespmem:s18], [sflag:$0xE], $0x1C00, $0x38;
	[tilespmem:$0x1F348] =	vst v63  }
0x55: {  	_ =	swait.ge [sflag:s19], $0x1C00  }
0x56: {  	[sflag:s19] =	ssyncset.done $0x0  }
0x57: {  	s15 =	rddreg [dreg:$0x16];
	[sflag:s19] =	ssyncadd.s32 $0xFFFFE400  }
0x58: {  	[spmem:s15] =	stream.linear.scatter [tilespmem:s18], [sflag:$0xE], $0x1C00, $0x38;
	[tilespmem:$0x1F348] =	vst v63  }
0x59: {  	_ =	swait.ge [sflag:s19], $0x1C00  }
0x5a: {  	[sflag:s19] =	ssyncset.done $0x0  }
0x5b: {  	s16 =	rddreg [dreg:$0x17];
	[sflag:s19] =	ssyncadd.s32 $0xFFFFE400  }
0x5c: {  	[spmem:s16] =	stream.linear.scatter [tilespmem:s18], [sflag:$0xE], $0x1C00, $0x38;
	[tilespmem:$0x1F348] =	vst v63  }
0x5d: {  	_ =	swait.ge [sflag:s19], $0x1C00  }
0x5e: {  	[sflag:s19] =	ssyncset.done $0x0  }
0x5f: {  	s17 =	rddreg [dreg:$0x18];
	[sflag:s19] =	ssyncadd.s32 $0xFFFFE400  }
0x60: {  	[spmem:s17] =	stream.linear.scatter [tilespmem:s18], [sflag:$0xE], $0x1C00, $0x38;
	[tilespmem:$0x1F348] =	vst v63  }
0x61: {  	_ =	swait.ge [sflag:s19], $0x1C00  }
0x62: {  	[sflag:s19] =	ssyncset.done $0x0  }
0x63: {  	s15 =	rddreg [dreg:$0x19];
	[sflag:s19] =	ssyncadd.s32 $0xFFFFE400  }
0x64: {  	[spmem:s15] =	stream.linear.scatter [tilespmem:s18], [sflag:$0xE], $0x1C00, $0x38;
	[tilespmem:$0x1F348] =	vst v63  }
0x65: {  	_ =	swait.ge [sflag:s19], $0x1C00  }
0x66: {  	[sflag:s19] =	ssyncset.done $0x0  }
0x67: {  	s16 =	rddreg [dreg:$0x1a];
	[sflag:s19] =	ssyncadd.s32 $0xFFFFE400  }
0x68: {  	[spmem:s16] =	stream.linear.scatter [tilespmem:s18], [sflag:$0xE], $0x1C00, $0x38;
	[tilespmem:$0x1F348] =	vst v63  }
0x69: {  	_ =	swait.ge [sflag:s19], $0x1C00  }
0x6a: {  	[sflag:s19] =	ssyncset.done $0x0  }
0x6b: {  	s17 =	rddreg [dreg:$0x8];
	[sflag:s19] =	ssyncadd.s32 $0xFFFFE400  }
0x6c: {  	[tilespmem:s20], [sflag:$0xE] =	stream.linear.gather [hbm4b:s17+s5], $0x70, $0x38;
	[tilespmem:$0x1F348] =	vst v63  }
0x6d: {  	_ =	swait.ge [sflag:s19], $0x70  }
0x6e: {  	[sflag:s19] =	ssyncset.done $0x0  }
0x6f: {  	[sflag:s19] =	ssyncadd.s32 $0xFFFFFF90  }
0x70: {  	[spmem:s8] =	stream.linear.scatter [tilespmem:s20], [sflag:$0xE], $0x70, $0x38;
	[tilespmem:$0x1F348] =	vst v63  }
0x71: {  	_ =	swait.ge [sflag:s19], $0x70  }
0x72: {  	[sflag:s19] =	ssyncset.done $0x0  }
0x73: {  	s15 =	rddreg [dreg:$0x1b];
	[sflag:s19] =	ssyncadd.s32 $0xFFFFFF90  }
0x74: {  	[spmem:s15] =	stream.linear.scatter [tilespmem:s20], [sflag:$0xE], $0x70, $0x38;
	[tilespmem:$0x1F348] =	vst v63  }
0x75: {  	_ =	swait.ge [sflag:s19], $0x70  }
0x76: {  	[sflag:s19] =	ssyncset.done $0x0  }
0x77: {  	s16 =	rddreg [dreg:$0x1c];
	[sflag:s19] =	ssyncadd.s32 $0xFFFFFF90  }
0x78: {  	[spmem:s16] =	stream.linear.scatter [tilespmem:s20], [sflag:$0xE], $0x70, $0x38;
	[tilespmem:$0x1F348] =	vst v63  }
0x79: {  	_ =	swait.ge [sflag:s19], $0x70  }
0x7a: {  	[sflag:s19] =	ssyncset.done $0x0  }
0x7b: {  	s17 =	rddreg [dreg:$0x1d];
	[sflag:s19] =	ssyncadd.s32 $0xFFFFFF90  }
0x7c: {  	[spmem:s17] =	stream.linear.scatter [tilespmem:s20], [sflag:$0xE], $0x70, $0x38;
	[tilespmem:$0x1F348] =	vst v63  }
0x7d: {  	_ =	swait.ge [sflag:s19], $0x70  }
0x7e: {  	[sflag:s19] =	ssyncset.done $0x0  }
0x7f: {  	s15 =	rddreg [dreg:$0x1e];
	[sflag:s19] =	ssyncadd.s32 $0xFFFFFF90  }
0x80: {  	[spmem:s15] =	stream.linear.scatter [tilespmem:s20], [sflag:$0xE], $0x70, $0x38;
	[tilespmem:$0x1F348] =	vst v63  }
0x81: {  	_ =	swait.ge [sflag:s19], $0x70  }
0x82: {  	[sflag:s19] =	ssyncset.done $0x0  }
0x83: {  	s16 =	rddreg [dreg:$0x1f];
	[sflag:s19] =	ssyncadd.s32 $0xFFFFFF90  }
0x84: {  	[spmem:s16] =	stream.linear.scatter [tilespmem:s20], [sflag:$0xE], $0x70, $0x38;
	[tilespmem:$0x1F348] =	vst v63  }
0x85: {  	_ =	swait.ge [sflag:s19], $0x70  }
0x86: {  	s17 =	sld [smem:$0x7F6]  }
0x87: {  	[sflag:s19] =	ssyncset.done $0x0  }
0x88: {  	[sflag:s19] =	ssyncadd.s32 $0xFFFFFF90  }
0x89: {  	[spmem:s17] =	stream.linear.scatter [tilespmem:s20], [sflag:$0xE], $0x70, $0x38;
	[tilespmem:$0x1F348] =	vst v63  }
0x8a: {  	_ =	swait.ge [sflag:s19], $0x70  }
0x8b: {  	s15 =	sld [smem:$0x7F7]  }
0x8c: {  	[sflag:s19] =	ssyncset.done $0x0  }
0x8d: {  	[sflag:s19] =	ssyncadd.s32 $0xFFFFFF90  }
0x8e: {  	[spmem:s15] =	stream.linear.scatter [tilespmem:s20], [sflag:$0xE], $0x70, $0x38;
	[tilespmem:$0x1F348] =	vst v63  }
0x8f: {  	_ =	swait.ge [sflag:s19], $0x70  }
0x90: {  	s16 =	sld [smem:$0x7F8]  }
0x91: {  	[sflag:s19] =	ssyncset.done $0x0  }
0x92: {  	[sflag:s19] =	ssyncadd.s32 $0xFFFFFF90  }
0x93: {  	[spmem:s16] =	stream.linear.scatter [tilespmem:s20], [sflag:$0xE], $0x70, $0x38;
	[tilespmem:$0x1F348] =	vst v63  }
0x94: {  	_ =	swait.ge [sflag:s19], $0x70  }
0x95: {  	s17 =	sld [smem:$0x7F9]  }
0x96: {  	[sflag:s19] =	ssyncset.done $0x0  }
0x97: {  	[sflag:s19] =	ssyncadd.s32 $0xFFFFFF90  }
0x98: {  	[spmem:s17] =	stream.linear.scatter [tilespmem:s20], [sflag:$0xE], $0x70, $0x38;
	[tilespmem:$0x1F348] =	vst v63  }
0x99: {  	_ =	swait.ge [sflag:s19], $0x70  }
0x9a: {  	s15 =	sld [smem:$0x7FA]  }
0x9b: {  	[sflag:s19] =	ssyncset.done $0x0  }
0x9c: {  	[sflag:s19] =	ssyncadd.s32 $0xFFFFFF90  }
0x9d: {  	[spmem:s15] =	stream.linear.scatter [tilespmem:s20], [sflag:$0xE], $0x70, $0x38;
	[tilespmem:$0x1F348] =	vst v63  }
0x9e: {  	_ =	swait.ge [sflag:s19], $0x70  }
0x9f: {  	s16 =	sld [smem:$0x7FB]  }
0xa0: {  	[sflag:s19] =	ssyncset.done $0x0  }
0xa1: {  	[sflag:s19] =	ssyncadd.s32 $0xFFFFFF90  }
0xa2: {  	[spmem:s16] =	stream.linear.scatter [tilespmem:s20], [sflag:$0xE], $0x70, $0x38;
	[tilespmem:$0x1F348] =	vst v63  }
0xa3: {  	_ =	swait.ge [sflag:s19], $0x70  }
0xa4: {  	s17 =	sld [smem:$0x7FC]  }
0xa5: {  	[sflag:s19] =	ssyncset.done $0x0  }
0xa6: {  	[sflag:s19] =	ssyncadd.s32 $0xFFFFFF90  }
0xa7: {  	[spmem:s17] =	stream.linear.scatter [tilespmem:s20], [sflag:$0xE], $0x70, $0x38;
	[tilespmem:$0x1F348] =	vst v63  }
0xa8: {  	_ =	swait.ge [sflag:s19], $0x70  }
0xa9: {  	s15 =	sld [smem:$0x7FD]  }
0xaa: {  	[sflag:s19] =	ssyncset.done $0x0  }
0xab: {  	[sflag:s19] =	ssyncadd.s32 $0xFFFFFF90  }
0xac: {  	[spmem:s15] =	stream.linear.scatter [tilespmem:s20], [sflag:$0xE], $0x70, $0x38;
	[tilespmem:$0x1F348] =	vst v63  }
0xad: {  	_ =	swait.ge [sflag:s19], $0x70  }
0xae: {  	[sflag:s19] =	ssyncset.done $0x0  }
0xaf: {  	[sflag:s19] =	ssyncadd.s32 $0xFFFFFF90  }
0xb0: {  	[tilespmem:$0x6300] =	vst v1  }
0xb1: {  	[tilespmem:$0x6310] =	vst v1  }
0xb2: {  	[tilespmem:$0x6320] =	vst v1  }
0xb3: {  	[tilespmem:$0x6330] =	vst v1  }
0xb4: {  	[tilespmem:$0x6340] =	vst v1  }
0xb5: {  	[tilespmem:$0x6350] =	vst v1  }
0xb6: {  	[tilespmem:$0x6360] =	vst v1  }
0xb7: {  	[tilespmem:$0x6370] =	vst v1  }
0xb8: {  	[bflag:$0x0] =	sbarrier.arrive $0xFFFF  }
0xb9: {  	s16 =	rddreg [dreg:$0x9]  }
0xba: {  	[tilespmem:s5], [sflag:$0x1] =	stream.linear.gather [hbm4b:s16+s5], $0x80, $0x38;
	[tilespmem:$0x1F348] =	vst v63  }
0xbb: {  	s15 =	simm.s32 $0x0;
	s17 =	rddreg [dreg:$0xa]  }
0xbc: {  	[tilespmem:s21], [sflag:$0x1] =	stream.linear.gather [hbm4b:s17+s5], $0x80, $0x38;
	[tilespmem:$0x1F348] =	vst v63  }
.LBB2_2:
0xbd: {  	_ =	swait.ge [sflag:s22], $0x80  }
0xbe: {  	[sflag:s22] =	ssyncset.done $0x0  }
0xbf: {  	[sflag:s22] =	ssyncadd.s32 $0xFFFFFF80  }
0xc0: {  	_ =	swait.ge [sflag:s22], $0x80  }
0xc1: {  	[sflag:s22] =	ssyncset.done $0x0  }
0xc2: {  	[sflag:s22] =	ssyncadd.s32 $0xFFFFFF80  }
0xc3: {  	v2 =	vld [tilespmem:$0x180]  }
0xc4: {  	v3 =	vld [tilespmem:$0x190]  }
0xc5: {  	v4 =	vld [tilespmem:$0x1A0]  }
0xc6: {  	v6 =	vld [tilespmem:$0x1B0]  }
0xc7: {  	v8 =	vld [tilespmem:$0x1C0]  }
0xc8: {  	v13 =	vld [tilespmem:$0x1D0]  }
0xc9: {  	v10 =	vld [tilespmem:$0x1E0]  }
0xca: {  	v11 =	vld [tilespmem:$0x1F0]  }
0xcb: {  	v5 =	vsub.s32 v2, v0;
	v2 =	vand.u32 $0x3F, v2;
	v7 =	vsub.s32 v3, v0  }
0xcc: {  	v3 =	vand.u32 $0x3F, v3;
	v12 =	vsub.s32 v4, v0;
	v4 =	vand.u32 $0x3F, v4  }
0xcd: {  	v9 =	vsub.s32 v6, v0;
	v14 =	vand.u32 $0x3F, v6;
	v15 =	vsub.s32 v8, v0  }
0xce: {  	v8 =	vand.u32 $0x3F, v8;
	v17 =	vsub.s32 v13, v0;
	v18 =	vand.u32 $0x3F, v13  }
0xcf: {  	v20 =	vsub.s32 v10, v0;
	v21 =	vand.u32 $0x3F, v10;
	v22 =	vsub.s32 v11, v0  }
0xd0: {  	v23 =	vand.u32 $0x3F, v11;
	vm0 =	vlt.u32 v5, $0x61A8;
	v2 =	vor.u32 $0x6200, v2  }
0xd1: {  	vm5 =	vlt.u32 v7, $0x61A8;
	v3 =	vor.u32 $0x6200, v3;
	v2 =	vsel vm0, v5, v2  }
0xd2: {  	vm6 =	vlt.u32 v12, $0x61A8;
	v4 =	vor.u32 $0x6200, v4;
	v3 =	vsel vm5, v7, v3;
	[tilespmem:$0x180] =	vst v2  }
0xd3: {  	vm7 =	vlt.u32 v9, $0x61A8;
	v4 =	vsel vm6, v12, v4;
	v5 =	vor.u32 $0x6200, v14;
	[tilespmem:$0x190] =	vst v3  }
0xd4: {  	vm8 =	vlt.u32 v15, $0x61A8;
	v16 =	vor.u32 $0x6200, v8;
	v2 =	vsel vm7, v9, v5;
	[tilespmem:$0x1A0] =	vst v4  }
0xd5: {  	vm9 =	vlt.u32 v17, $0x61A8;
	v19 =	vor.u32 $0x6200, v18;
	v3 =	vsel vm8, v15, v16;
	[tilespmem:$0x1B0] =	vst v2  }
0xd6: {  	vm10 =	vlt.u32 v20, $0x61A8;
	v2 =	vsel vm9, v17, v19;
	[tilespmem:$0x1C0] =	vst v3;
	v3 =	vor.u32 $0x6200, v21  }
0xd7: {  	vm11 =	vlt.u32 v22, $0x61A8;
	[tilespmem:$0x1D0] =	vst v2;
	v2 =	vsel vm10, v20, v3;
	v3 =	vor.u32 $0x6200, v23  }
0xd8: {  	p0 =	seq.s32 s15, $0x0;
	[tilespmem:$0x1E0] =	vst v2;
	v2 =	vsel vm11, v22, v3  }
0xd9: {  	s16 =	simm.s32 @!p0 $0x6;
	[tilespmem:$0x1F0] =	vst v2  }
0xda: {  	[tilespmem:s18], [sflag:$0x4] =	stream.indirect.gather [hbm4b:s1+s25], $0x40, s5, s25, $0xb8;
	[tilespmem:$0x1F348] =	vst v63  }
0xdb: {  	_ =	swait.ge @!p0 [sflag:s16], $0x2000  }
0xdc: {  	s17 =	simm.s32 @!p0 $0x280;
	[sflag:s16] =	ssyncset.done @!p0 $0x0  }
0xdd: {  	s11 =	simm.s32 @!p0 $0x4300;
	[sflag:s16] =	ssyncadd.s32 @!p0 $0xFFFFE000;
	s16 =	simm.s32 @!p0 $0x80  }
0xde: {  	[spmem:s2] =	stream.indirect.scatter.add.f32 @!p0 [tilespmem:s11], [sflag:$0x9], $0x40, s17, s16, $0xb8;
	[tilespmem:$0x1F348] =	vst v63  }
0xdf: {  	s11 =	simm.s32 @!p0 $0x6300  }
0xe0: {  	[spmem:s3] =	stream.indirect.scatter.add.f32 @!p0 [tilespmem:s11], [sflag:$0xC], $0x1, s17, s16, $0xb8;
	[tilespmem:$0x1F348] =	vst v63  }
0xe1: {  	s11 =	simm.s32 @!p0 $0x8  }
0xe2: {  	_ =	swait.ge @!p0 [sflag:s11], $0x2000  }
0xe3: {  	[sflag:s11] =	ssyncset.done @!p0 $0x0  }
0xe4: {  	[sflag:s11] =	ssyncadd.s32 @!p0 $0xFFFFE000;
	s11 =	simm.s32 @!p0 $0xB  }
0xe5: {  	_ =	swait.ge @!p0 [sflag:s11], $0x80  }
0xe6: {  	s17 =	rddreg [dreg:$0x6]  }
0xe7: {  	[sflag:s11] =	ssyncset.done @!p0 $0x0;
	s16 =	sadd.s32 s15, s17;
	s17 =	rddreg [dreg:$0x5]  }
0xe8: {  	[sflag:s11] =	ssyncadd.s32 @!p0 $0xFFFFFF80;
	s11 =	sadd.s32 $0x10, s16;
	s17 =	sadd.s32 s15, s17  }
0xe9: {  	[tilespmem:s25], [sflag:$0x2] =	stream.linear.gather [hbm4b:s11+s5], $0x80, $0x38;
	[tilespmem:$0x1F348] =	vst v63  }
0xea: {  	s11 =	sadd.s32 $0x10, s17  }
0xeb: {  	[tilespmem:s26], [sflag:$0x2] =	stream.linear.gather [hbm4b:s11+s5], $0x80, $0x38;
	[tilespmem:$0x1F348] =	vst v63  }
0xec: {  	_ =	swait.ge [sflag:s28], $0x80  }
0xed: {  	[sflag:s28] =	ssyncset.done $0x0  }
0xee: {  	[sflag:s28] =	ssyncadd.s32 $0xFFFFFF80  }
0xef: {  	_ =	swait.ge [sflag:s28], $0x80  }
0xf0: {  	[sflag:s28] =	ssyncset.done $0x0  }
0xf1: {  	[sflag:s28] =	ssyncadd.s32 $0xFFFFFF80  }
0xf2: {  	v2 =	vld [tilespmem:$0x200]  }
0xf3: {  	v3 =	vld [tilespmem:$0x210]  }
0xf4: {  	v24 =	vld [tilespmem:$0x220]  }
0xf5: {  	v26 =	vld [tilespmem:$0x230]  }
0xf6: {  	v28 =	vld [tilespmem:$0x240]  }
0xf7: {  	v30 =	vld [tilespmem:$0x250]  }
0xf8: {  	v32 =	vld [tilespmem:$0x260]  }
0xf9: {  	v35 =	vld [tilespmem:$0x270]  }
0xfa: {  	v25 =	vsub.s32 v2, v0;
	v2 =	vand.u32 $0x3F, v2;
	v27 =	vsub.s32 v3, v0  }
0xfb: {  	v3 =	vand.u32 $0x3F, v3;
	v29 =	vsub.s32 v24, v0;
	v4 =	vand.u32 $0x3F, v24  }
0xfc: {  	v31 =	vsub.s32 v26, v0;
	v33 =	vand.u32 $0x3F, v26;
	v34 =	vsub.s32 v28, v0  }
0xfd: {  	v8 =	vand.u32 $0x3F, v28;
	v37 =	vsub.s32 v30, v0;
	v38 =	vand.u32 $0x3F, v30  }
0xfe: {  	v40 =	vsub.s32 v32, v0;
	v41 =	vand.u32 $0x3F, v32;
	v42 =	vsub.s32 v35, v0  }
0xff: {  	v43 =	vand.u32 $0x3F, v35;
	vm12 =	vlt.u32 v25, $0x61A8;
	v2 =	vor.u32 $0x6200, v2  }
0x100: {  	vm13 =	vlt.u32 v27, $0x61A8;
	v3 =	vor.u32 $0x6200, v3;
	v2 =	vsel vm12, v25, v2  }
0x101: {  	vm14 =	vlt.u32 v29, $0x61A8;
	v4 =	vor.u32 $0x6200, v4;
	v3 =	vsel vm13, v27, v3;
	[tilespmem:$0x200] =	vst v2  }
0x102: {  	vm15 =	vlt.u32 v31, $0x61A8;
	v5 =	vor.u32 $0x6200, v33;
	v4 =	vsel vm14, v29, v4;
	[tilespmem:$0x210] =	vst v3  }
0x103: {  	vm4 =	vlt.u32 v34, $0x61A8;
	v36 =	vor.u32 $0x6200, v8;
	v2 =	vsel vm15, v31, v5;
	[tilespmem:$0x220] =	vst v4  }
0x104: {  	vm5 =	vlt.u32 v37, $0x61A8;
	v39 =	vor.u32 $0x6200, v38;
	v3 =	vsel vm4, v34, v36;
	[tilespmem:$0x230] =	vst v2  }
0x105: {  	vm6 =	vlt.u32 v40, $0x61A8;
	v2 =	vsel vm5, v37, v39;
	[tilespmem:$0x240] =	vst v3;
	v3 =	vor.u32 $0x6200, v41  }
0x106: {  	vm7 =	vlt.u32 v42, $0x61A8;
	[tilespmem:$0x250] =	vst v2;
	v2 =	vsel vm6, v40, v3;
	v3 =	vor.u32 $0x6200, v43  }
0x107: {  	[tilespmem:$0x260] =	vst v2;
	v2 =	vsel vm7, v42, v3  }
0x108: {  	[tilespmem:$0x270] =	vst v2  }
0x109: {  	[tilespmem:s29], [sflag:$0x5] =	stream.indirect.gather [hbm4b:s1+s25], $0x40, s25, s25, $0xb8;
	[tilespmem:$0x1F348] =	vst v63  }
0x10a: {  	_ =	swait.ge [sflag:s30], $0x2000  }
0x10b: {  	[sflag:s30] =	ssyncset.done $0x0  }
0x10c: {  	[sflag:s30] =	ssyncadd.s32 $0xFFFFE000  }
0x10d: {  	[spmem:s2] =	stream.indirect.scatter.add.f32 [tilespmem:s18], [sflag:$0x7], $0x40, s21, s25, $0xb8;
	[tilespmem:$0x1F348] =	vst v63  }
0x10e: {  	s11 =	simm.s32 @!p0 $0x9  }
0x10f: {  	[spmem:s3] =	stream.indirect.scatter.add.f32 [tilespmem:s20], [sflag:$0xA], $0x1, s21, s25, $0xb8;
	[tilespmem:$0x1F348] =	vst v63  }
0x110: {  	_ =	swait.ge @!p0 [sflag:s11], $0x2000  }
0x111: {  	[sflag:s11] =	ssyncset.done @!p0 $0x0  }
0x112: {  	[sflag:s11] =	ssyncadd.s32 @!p0 $0xFFFFE000;
	s11 =	simm.s32 @!p0 $0xC  }
0x113: {  	_ =	swait.ge @!p0 [sflag:s11], $0x80  }
0x114: {  	[sflag:s11] =	ssyncset.done @!p0 $0x0  }
0x115: {  	[sflag:s11] =	ssyncadd.s32 @!p0 $0xFFFFFF80;
	s11 =	sadd.s32 $0x20, s16  }
0x116: {  	[tilespmem:s31], [sflag:$0x3] =	stream.linear.gather [hbm4b:s11+s5], $0x80, $0x38;
	[tilespmem:$0x1F348] =	vst v63  }
0x117: {  	s11 =	sadd.s32 $0x20, s17  }
0x118: {  	[tilespmem:s0], [sflag:$0x3] =	stream.linear.gather [hbm4b:s11+s5], $0x80, $0x38;
	[tilespmem:$0x1F348] =	vst v63  }
0x119: {  	_ =	swait.ge [sflag:s4], $0x80  }
0x11a: {  	[sflag:s4] =	ssyncset.done $0x0  }
0x11b: {  	[sflag:s4] =	ssyncadd.s32 $0xFFFFFF80  }
0x11c: {  	_ =	swait.ge [sflag:s4], $0x80  }
0x11d: {  	[sflag:s4] =	ssyncset.done $0x0  }
0x11e: {  	[sflag:s4] =	ssyncadd.s32 $0xFFFFFF80  }
0x11f: {  	v2 =	vld [tilespmem:$0x280]  }
0x120: {  	v3 =	vld [tilespmem:$0x290]  }
0x121: {  	v44 =	vld [tilespmem:$0x2A0]  }
0x122: {  	v46 =	vld [tilespmem:$0x2B0]  }
0x123: {  	v48 =	vld [tilespmem:$0x2C0]  }
0x124: {  	v50 =	vld [tilespmem:$0x2D0]  }
0x125: {  	v52 =	vld [tilespmem:$0x2E0]  }
0x126: {  	v55 =	vld [tilespmem:$0x2F0]  }
0x127: {  	v45 =	vsub.s32 v2, v0;
	v2 =	vand.u32 $0x3F, v2;
	v47 =	vsub.s32 v3, v0  }
0x128: {  	v3 =	vand.u32 $0x3F, v3;
	v49 =	vsub.s32 v44, v0;
	v4 =	vand.u32 $0x3F, v44  }
0x129: {  	v51 =	vsub.s32 v46, v0;
	v53 =	vand.u32 $0x3F, v46;
	v54 =	vsub.s32 v48, v0  }
0x12a: {  	v8 =	vand.u32 $0x3F, v48;
	v57 =	vsub.s32 v50, v0;
	v58 =	vand.u32 $0x3F, v50  }
0x12b: {  	v60 =	vsub.s32 v52, v0;
	v61 =	vand.u32 $0x3F, v52;
	v62 =	vsub.s32 v55, v0  }
0x12c: {  	v63 =	vand.u32 $0x3F, v55;
	vm8 =	vlt.u32 v45, $0x61A8;
	v2 =	vor.u32 $0x6200, v2  }
0x12d: {  	vm9 =	vlt.u32 v47, $0x61A8;
	v3 =	vor.u32 $0x6200, v3;
	v2 =	vsel vm8, v45, v2  }
0x12e: {  	vm10 =	vlt.u32 v49, $0x61A8;
	v4 =	vor.u32 $0x6200, v4;
	v3 =	vsel vm9, v47, v3;
	[tilespmem:$0x280] =	vst v2  }
0x12f: {  	vm11 =	vlt.u32 v51, $0x61A8;
	v5 =	vor.u32 $0x6200, v53;
	v4 =	vsel vm10, v49, v4;
	[tilespmem:$0x290] =	vst v3  }
0x130: {  	vm12 =	vlt.u32 v54, $0x61A8;
	v56 =	vor.u32 $0x6200, v8;
	v2 =	vsel vm11, v51, v5;
	[tilespmem:$0x2A0] =	vst v4  }
0x131: {  	vm13 =	vlt.u32 v57, $0x61A8;
	v59 =	vor.u32 $0x6200, v58;
	v3 =	vsel vm12, v54, v56;
	[tilespmem:$0x2B0] =	vst v2  }
0x132: {  	vm14 =	vlt.u32 v60, $0x61A8;
	v2 =	vsel vm13, v57, v59;
	[tilespmem:$0x2C0] =	vst v3;
	v3 =	vor.u32 $0x6200, v61  }
0x133: {  	vm15 =	vlt.u32 v62, $0x61A8;
	[tilespmem:$0x2D0] =	vst v2;
	v2 =	vsel vm14, v60, v3;
	v3 =	vor.u32 $0x6200, v63  }
0x134: {  	[tilespmem:$0x2E0] =	vst v2;
	v2 =	vsel vm15, v62, v3  }
0x135: {  	[tilespmem:$0x2F0] =	vst v2  }
0x136: {  	[tilespmem:s6], [sflag:$0x6] =	stream.indirect.gather [hbm4b:s1+s25], $0x40, s31, s25, $0xb8;
	[tilespmem:$0x1F348] =	vst v63  }
0x137: {  	_ =	swait.ge [sflag:s7], $0x2000  }
0x138: {  	[sflag:s7] =	ssyncset.done $0x0  }
0x139: {  	[sflag:s7] =	ssyncadd.s32 $0xFFFFE000  }
0x13a: {  	[spmem:s2] =	stream.indirect.scatter.add.f32 [tilespmem:s29], [sflag:$0x8], $0x40, s26, s25, $0xb8;
	[tilespmem:$0x1F348] =	vst v63  }
0x13b: {  	_ = 	snop  }
0x13c: {  	[spmem:s3] =	stream.indirect.scatter.add.f32 [tilespmem:s20], [sflag:$0xB], $0x1, s26, s25, $0xb8;
	[tilespmem:$0x1F348] =	vst v63  }
0x13d: {  	_ =	swait.ge [sflag:s9], $0x2000  }
0x13e: {  	[sflag:s9] =	ssyncset.done $0x0  }
0x13f: {  	s15 =	sadd.s32 $0x30, s15;
	[sflag:s9] =	ssyncadd.s32 $0xFFFFE000  }
0x140: {  	p0 =	sne.s32 s15, $0x1860;
	_ =	swait.ge [sflag:s10], $0x80  }
.Ltmp0:
0x141: {  	[sflag:s10] =	ssyncset.done $0x0;
	(pc) =	sbr.rel @p0 .LBB2_2-.Ltmp0, $4  }
0x142: {  	s16 =	sadd.s32 $0x30, s16;
	[sflag:s10] =	ssyncadd.s32 $0xFFFFFF80  }
0x143: {  	[tilespmem:s5], [sflag:$0x1] =	stream.linear.gather [hbm4b:s16+s5], $0x80, $0x38;
	[tilespmem:$0x1F348] =	vst v63  }
0x144: {  	s17 =	sadd.s32 $0x30, s17  }
0x145: {  	[tilespmem:s21], [sflag:$0x1] =	stream.linear.gather [hbm4b:s17+s5], $0x80, $0x38;
	[tilespmem:$0x1F348] =	vst v63  }
0x146: {  	s11 =	simm.s32 $0x6  }
0x147: {  	_ =	swait.ge [sflag:s11], $0x2000  }
0x148: {  	[sflag:s11] =	ssyncset.done $0x0  }
0x149: {  	[sflag:s11] =	ssyncadd.s32 $0xFFFFE000  }
0x14a: {  	[spmem:s2] =	stream.indirect.scatter.add.f32 [tilespmem:s6], [sflag:$0x9], $0x40, s0, s25, $0xb8;
	[tilespmem:$0x1F348] =	vst v63  }
0x14b: {  	s16 =	simm.s32 $0x8  }
0x14c: {  	[spmem:s3] =	stream.indirect.scatter.add.f32 [tilespmem:s20], [sflag:$0xC], $0x1, s0, s25, $0xb8;
	[tilespmem:$0x1F348] =	vst v63  }
0x14d: {  	_ =	swait.ge [sflag:s16], $0x2000  }
0x14e: {  	[sflag:s16] =	ssyncset.done $0x0  }
0x14f: {  	s17 =	simm.s32 $0xB;
	[sflag:s16] =	ssyncadd.s32 $0xFFFFE000  }
0x150: {  	_ =	swait.ge [sflag:s17], $0x80  }
0x151: {  	[sflag:s17] =	ssyncset.done $0x0  }
0x152: {  	s15 =	simm.s32 $0x9;
	[sflag:s17] =	ssyncadd.s32 $0xFFFFFF80  }
0x153: {  	_ =	swait.ge [sflag:s15], $0x2000  }
0x154: {  	[sflag:s15] =	ssyncset.done $0x0  }
0x155: {  	s16 =	simm.s32 $0xC;
	[sflag:s15] =	ssyncadd.s32 $0xFFFFE000  }
0x156: {  	_ =	swait.ge [sflag:s16], $0x80  }
0x157: {  	[sflag:s16] =	ssyncset.done $0x0  }
0x158: {  	[sflag:s16] =	ssyncadd.s32 $0xFFFFFF80  }
0x159: {  	_ =	swait.ge [sflag:s22], $0x80  }
0x15a: {  	[sflag:s22] =	ssyncset.done $0x0  }
0x15b: {  	[sflag:s22] =	ssyncadd.s32 $0xFFFFFF80  }
0x15c: {  	_ =	swait.ge [sflag:s22], $0x80  }
0x15d: {  	s15 =	simm.s32 $0x0;
	[sflag:s22] =	ssyncset.done $0x0  }
0x15e: {  	s16 =	simm.s32 $0x6380;
	s17 =	rddreg [dreg:$0xb];
	[sflag:s22] =	ssyncadd.s32 $0xFFFFFF80  }
0x15f: {  	[tilespmem:s16], [sflag:$0xE] =	stream.linear.gather [hbm4b:s17+s15], $0x50, $0x38;
	[tilespmem:$0x1F348] =	vst v63  }
0x160: {  	_ =	swait.ge [sflag:s19], $0x50  }
0x161: {  	[sflag:s19] =	ssyncset.done $0x0  }
0x162: {  	s17 =	simm.s32 $0x63D0;
	s11 =	rddreg [dreg:$0xc];
	[sflag:s19] =	ssyncadd.s32 $0xFFFFFFB0  }
0x163: {  	[tilespmem:s17], [sflag:$0xE] =	stream.linear.gather [hbm4b:s11+s15], $0x50, $0x38;
	[tilespmem:$0x1F348] =	vst v63  }
0x164: {  	_ =	swait.ge [sflag:s19], $0x50  }
0x165: {  	[sflag:s19] =	ssyncset.done $0x0  }
0x166: {  	s11 =	simm.s32 $0x50;
	[sflag:s19] =	ssyncadd.s32 $0xFFFFFFB0  }
0x167: {  	[tilespmem:s18], [sflag:$0xD] =	stream.indirect.gather [hbm4b:s1+s11], $0x40, s16, s11, $0xb8;
	[tilespmem:$0x1F348] =	vst v63  }
0x168: {  	_ =	swait.ge [sflag:s12], $0x1400  }
0x169: {  	[sflag:s12] =	ssyncset.done $0x0  }
0x16a: {  	[sflag:s12] =	ssyncadd.s32 $0xFFFFEC00  }
0x16b: {  	v2 =	vld [tilespmem:$0x63D0]  }
0x16c: {  	v3 =	vld [tilespmem:$0x63E0]  }
0x16d: {  	v4 =	vld [tilespmem:$0x63F0]  }
0x16e: {  	v6 =	vld [tilespmem:$0x6400]  }
0x16f: {  	v8 =	vld [tilespmem:$0x6410];
	_ =	sdelay $0x2  }
0x170: {  	v5 =	vsub.s32 v2, v0;
	v2 =	vand.u32 $0x3F, v2;
	v7 =	vsub.s32 v3, v0  }
0x171: {  	v3 =	vand.u32 $0x3F, v3;
	v59 =	vsub.s32 v4, v0;
	v4 =	vand.u32 $0x3F, v4  }
0x172: {  	v60 =	vsub.s32 v6, v0;
	v61 =	vand.u32 $0x3F, v6;
	v62 =	vsub.s32 v8, v0  }
0x173: {  	v63 =	vand.u32 $0x3F, v8;
	vm0 =	vlt.u32 v5, $0x61A8;
	v2 =	vor.u32 $0x6200, v2  }
0x174: {  	vm12 =	vlt.u32 v7, $0x61A8;
	v3 =	vor.u32 $0x6200, v3;
	v2 =	vsel vm0, v5, v2  }
0x175: {  	vm13 =	vlt.u32 v59, $0x61A8;
	v4 =	vor.u32 $0x6200, v4;
	v3 =	vsel vm12, v7, v3;
	[tilespmem:$0x63D0] =	vst v2  }
0x176: {  	vm14 =	vlt.u32 v60, $0x61A8;
	v2 =	vsel vm13, v59, v4;
	[tilespmem:$0x63E0] =	vst v3;
	v3 =	vor.u32 $0x6200, v61  }
0x177: {  	vm15 =	vlt.u32 v62, $0x61A8;
	[tilespmem:$0x63F0] =	vst v2;
	v2 =	vsel vm14, v60, v3;
	v3 =	vor.u32 $0x6200, v63  }
0x178: {  	[tilespmem:$0x6400] =	vst v2;
	v2 =	vsel vm15, v62, v3  }
0x179: {  	[tilespmem:$0x6410] =	vst v2  }
0x17a: {  	[spmem:s2] =	stream.indirect.scatter.add.f32 [tilespmem:s18], [sflag:$0xE], $0x40, s17, s11, $0xb8;
	[tilespmem:$0x1F348] =	vst v63  }
0x17b: {  	_ =	swait.ge [sflag:s19], $0x1400  }
0x17c: {  	[sflag:s19] =	ssyncset.done $0x0  }
0x17d: {  	[sflag:s19] =	ssyncadd.s32 $0xFFFFEC00  }
0x17e: {  	[spmem:s3] =	stream.indirect.scatter.add.f32 [tilespmem:s20], [sflag:$0xE], $0x1, s17, s11, $0xb8;
	[tilespmem:$0x1F348] =	vst v63  }
0x17f: {  	_ =	swait.ge [sflag:s19], $0x50  }
0x180: {  	[sflag:s19] =	ssyncset.done $0x0  }
0x181: {  	[sflag:s19] =	ssyncadd.s32 $0xFFFFFFB0  }
0x182: {  	[bflag:$0x0] =	sbarrier.arrive $0xFFFF  }
0x183: {  	[tilespmem:s18], [sflag:$0xE] =	stream.linear.gather [spmem:s13], $0x1C00, $0x38;
	[tilespmem:$0x1F348] =	vst v63  }
0x184: {  	_ =	swait.ge [sflag:s19], $0x1C00  }
0x185: {  	[sflag:s19] =	ssyncset.done $0x0  }
0x186: {  	s17 =	sadd.s32 $0x0, s23;
	[sflag:s19] =	ssyncadd.s32 $0xFFFFE400  }
0x187: {  	[hbm4b:s17+s15] =	stream.linear.scatter [tilespmem:s18], [sflag:$0xE], $0x1C00, $0x38;
	[tilespmem:$0x1F348] =	vst v63  }
0x188: {  	_ =	swait.ge [sflag:s19], $0x1C00  }
0x189: {  	s16 =	simm.s32 $0x380;
	s17 =	smov.u32 s13;
	[sflag:s19] =	ssyncset.done $0x0  }
.LBB2_4:
0x18a: {  	p0 =	sne.s32 s16, $0x2D80;
	[sflag:s19] =	ssyncadd.s32 $0xFFFFE400;
	s17 =	sadd.s32 $0x1C00, s17  }
0x18b: {  	[tilespmem:s18], [sflag:$0xE] =	stream.linear.gather [spmem:s17], $0x1C00, $0x38;
	[tilespmem:$0x1F348] =	vst v63  }
0x18c: {  	s11 =	smov.u32 s16;
	s16 =	sadd.s32 $0x380, s16;
	_ =	swait.ge [sflag:s19], $0x1C00  }
.Ltmp1:
0x18d: {  	[sflag:s19] =	ssyncset.done $0x0;
	(pc) =	sbr.rel @p0 .LBB2_4-.Ltmp1, $4  }
0x18e: {  	s11 =	sadd.s32 s11, s23;
	[sflag:s19] =	ssyncadd.s32 $0xFFFFE400  }
0x18f: {  	[hbm4b:s11+s15] =	stream.linear.scatter [tilespmem:s18], [sflag:$0xE], $0x1C00, $0x38;
	[tilespmem:$0x1F348] =	vst v63  }
0x190: {  	_ =	swait.ge [sflag:s19], $0x1C00  }
0x191: {  	[sflag:s19] =	ssyncset.done $0x0  }
0x192: {  	[sflag:s19] =	ssyncadd.s32 $0xFFFFE400  }
0x193: {  	[tilespmem:s20], [sflag:$0xE] =	stream.linear.gather [spmem:s8], $0x70, $0x38;
	[tilespmem:$0x1F348] =	vst v63  }
0x194: {  	_ =	swait.ge [sflag:s19], $0x70  }
0x195: {  	[sflag:s19] =	ssyncset.done $0x0  }
0x196: {  	s11 =	sadd.s32 $0x0, s24;
	[sflag:s19] =	ssyncadd.s32 $0xFFFFFF90  }
0x197: {  	[hbm4b:s11+s5] =	stream.linear.scatter [tilespmem:s20], [sflag:$0xE], $0x70, $0x38;
	[tilespmem:$0x1F348] =	vst v63  }
0x198: {  	_ =	swait.ge [sflag:s19], $0x70  }
0x199: {  	s15 =	simm.s32 $0xE;
	s16 =	smov.u32 s8;
	[sflag:s19] =	ssyncset.done $0x0  }
.LBB2_6:
0x19a: {  	p0 =	sne.s32 s15, $0xB6;
	[sflag:s19] =	ssyncadd.s32 $0xFFFFFF90;
	s16 =	sadd.s32 $0x70, s16  }
0x19b: {  	[tilespmem:s20], [sflag:$0xE] =	stream.linear.gather [spmem:s16], $0x70, $0x38;
	[tilespmem:$0x1F348] =	vst v63  }
0x19c: {  	s11 =	smov.u32 s15;
	s15 =	sadd.s32 $0xE, s15;
	_ =	swait.ge [sflag:s19], $0x70  }
.Ltmp2:
0x19d: {  	[sflag:s19] =	ssyncset.done $0x0;
	(pc) =	sbr.rel @p0 .LBB2_6-.Ltmp2, $4  }
0x19e: {  	s11 =	sadd.s32 s11, s24;
	[sflag:s19] =	ssyncadd.s32 $0xFFFFFF90  }
0x19f: {  	[hbm4b:s11+s5] =	stream.linear.scatter [tilespmem:s20], [sflag:$0xE], $0x70, $0x38;
	[tilespmem:$0x1F348] =	vst v63  }
0x1a0: {  	_ =	swait.ge [sflag:s19], $0x70  }
0x1a1: {  	[sflag:s19] =	ssyncset.done $0x0  }
0x1a2: {  	s14 =	sadd.s32 $0x1, s14;
	s11 =	rddreg [dreg:$0xd]  }
0x1a3: {  	p0 =	sne.s32 s14, s11  }
.Ltmp3:
0x1a4: {  	_ = 	snop;
	(pc) =	sbr.rel @p0 .LBB2_1-.Ltmp3, $2  }
0x1a5: {  	_ =	sdelay $0x2  }
0x1a6: {  	[sflag:s19] =	ssyncadd.s32 $0xFFFFFF90  }
0x1a7: {  	_ =	sfence.sel $0x180000  }
0x1a8: {  	[bflag:$0x0] =	sbarrier.arrive $0xFFFF  }
0x1a9: {  	_ =	strace $0x90000047  }
0x1aa: {  	s0 =	stileid.u32;
	[bflag:$0x2] =	sbarrier.arrive $0xFFFF  }
0x1ab: {  	p0 =	sne.s32 s0, $0x0;
	s0 =	rddreg [dreg:$0x4]  }
0x1ac: {  	s0 =	sadd.s32 @!p0 $0x100000, s0  }
0x1ad: {  	[sflag:s0] =	ssyncadd.tile.s32 @!p0 $0x1;
	_ =	shalt  }
.Lfunc_end2:
_tile_overlayer_lowered:
.L_overlay_start_2:
0x1ae: {  	(tag) =	ssettag $0x2  }
0x1af: {  	s0 =	rddreg [dreg:$0x0];
	s2 =	stileid.u32  }
0x1b0: {  	s1 =	rddreg [dreg:$0x1];
	p0 =	sne.s32 s2, $0x0  }
0x1b1: {  	s3 =	rddreg [dreg:$0x2];
	[bflag:$0x3] =	sbarrier.arrive $0xFFFF;
	s2 =	simm.s32 @!p0 $0x1C0E  }
0x1b2: {  	[timem:s3], [sflag:s2] =	dma.local @!p0 [hbm:s0], s1  }
0x1b3: {  	s0 =	simm.s32 @!p0 $0xE  }
0x1b4: {  	_ =	swait.ge @!p0 [sflag:s0], s1  }
0x1b5: {  	s1 =	ssub.s32 @!p0 $0x0, s1;
	[sflag:s0] =	ssyncset.done @!p0 $0x0  }
0x1b6: {  	[sflag:s0] =	ssyncadd.s32 @!p0 s1  }
0x1b7: {  	[bflag:$0x3] =	sbarrier.arrive $0xFFFF  }
0x1b8: {  	_ =	shalt  }

</sc_bundles>
